<compile_context>
chip_gen: v7x
topology: tpu7x:2x2x1
jax: 0.10.2.dev20260603
libtpu: 0.0.44.dev20260713+nightly
codegen_flags: <defaults>
</compile_context>

<pallas_src>
import functools

import jax
import jax.numpy as jnp
from jax import lax
from jax.experimental import pallas as pl
from jax.experimental.pallas import tpu as pltpu
from jax.experimental.pallas import tpu_sc as plsc

_B, _N, _C = 4, 2048, 1024
_NKEEP = _N // 2
_NP1 = _N + 1
_R = _B * _NP1
_CH = 256
_G = 32
_TILES = 32
_RPT = 256


def _prep_body(ga_row_ref, ga_col_ref, x_ref, src_ref, add2_ref):
    arow = ga_row_ref[0]
    acol = ga_col_ref[0]
    irow = lax.broadcasted_iota(jnp.int32, (1, _N), 1)
    parts = []
    for s in range(_N // _CH):
        a_i = acol[s * _CH:(s + 1) * _CH, :]
        i_i = lax.broadcasted_iota(jnp.int32, (_CH, 1), 0) + s * _CH
        before = (arow > a_i) | ((arow == a_i) & (irow < i_i))
        parts.append(jnp.sum(before.astype(jnp.float32), axis=1, keepdims=True))
    cntcol = jnp.concatenate(parts, axis=0)
    iotacol = lax.broadcasted_iota(jnp.int32, (_N, 1), 0).astype(jnp.float32)
    rankcol = cntcol.astype(jnp.int32)
    src_parts = []
    for c in range(_N // _CH):
        p_i = lax.broadcasted_iota(jnp.int32, (1, _CH), 1) + c * _CH
        onehot = (rankcol == p_i).astype(jnp.float32)
        src_parts.append(jnp.sum(onehot * iotacol, axis=0, keepdims=True))
    src = jnp.concatenate(src_parts, axis=1)
    src_ref[0] = src.astype(jnp.int32)
    wcol = (cntcol >= float(_NKEEP)).astype(jnp.float32) * acol
    x = x_ref[0, 1:, :]
    t = lax.dot_general(wcol, x, (((0,), (0,)), ((), ())),
                        preferred_element_type=jnp.float32,
                        precision=lax.Precision.HIGHEST)
    add2_ref[0] = t * (2.0 / jnp.sum(wcol))


def _make_prep(interpret=False):
    return pl.pallas_call(
        _prep_body,
        grid=(_B,),
        in_specs=[
            pl.BlockSpec((1, 1, _N), lambda b: (b, 0, 0)),
            pl.BlockSpec((1, _N, 1), lambda b: (b, 0, 0)),
            pl.BlockSpec((1, _NP1, _C), lambda b: (b, 0, 0)),
        ],
        out_specs=[
            pl.BlockSpec((1, 1, _N), lambda b: (b, 0, 0)),
            pl.BlockSpec((1, 1, _C), lambda b: (b, 0, 0)),
        ],
        out_shape=[
            jax.ShapeDtypeStruct((_B, 1, _N), jnp.int32),
            jax.ShapeDtypeStruct((_B, 1, _C), jnp.float32),
        ],
        interpret=interpret,
    )


_PR = _B * 8
_TOKCH = 8
_CROWS = _TOKCH * _PR
_NCHUNK = (_NP1 - 1) // _TOKCH
_CPW = _NCHUNK // _TILES


def _sc_body(xp, srcp, tailp, addp, out, xb0, xb1, xb2, idx2d, tidx, apv,
             gs0, gs1, gs2, ss0, ss1, ss2, tsem):
    cid = lax.axis_index("c")
    sid = lax.axis_index("s")
    wid = sid * 2 + cid
    xbufs = [xb0, xb1, xb2]
    gsems = [gs0, gs1, gs2]
    ssems = [ss0, ss1, ss2]

    pltpu.sync_copy(addp, apv)
    pltpu.sync_copy(srcp.at[wid], idx2d)

    def start_gather(j):
        h0 = pltpu.async_copy(
            xp.at[idx2d.at[2 * j]], xbufs[j % 3].at[pl.ds(0, 128)],
            gsems[j % 3])
        h1 = pltpu.async_copy(
            xp.at[idx2d.at[2 * j + 1]], xbufs[j % 3].at[pl.ds(128, 128)],
            gsems[j % 3])
        return (h0, h1)

    def start_store(j):
        r0 = (wid + _TILES * j) * _CROWS
        return pltpu.async_copy(
            xbufs[j % 3], out.at[pl.ds(r0, _CROWS)], ssems[j % 3])

    g = {}
    s = {}
    g[0] = start_gather(0)
    g[1] = start_gather(1)
    for j in range(_CPW):
        if j + 2 < _CPW:
            if j - 1 >= 0:
                s[j - 1].wait()
            g[j + 2] = start_gather(j + 2)
        g[j][0].wait()
        g[j][1].wait()
        xbuf = xbufs[j % 3]
        if j >= 4:
            def q_body(q, c):
                def v_body(v, c2):
                    sl = pl.ds(v * 16, 16)
                    a = apv[q, sl]

                    def t_body(tt, c3):
                        xbuf[q + tt * _PR, sl] = xbuf[q + tt * _PR, sl] + a
                        return c3
                    lax.fori_loop(0, _TOKCH, t_body, 0, unroll=4)
                    return c2
                lax.fori_loop(0, 128 // 16, v_body, 0)
                return c
            lax.fori_loop(0, _PR, q_body, 0)
            if j == 4:
                @pl.when(wid == 0)
                def _fix():
                    def q2(q, c):
                        def v2(v, c2):
                            sl = pl.ds(v * 16, 16)
                            xbuf[q, sl] = xbuf[q, sl] - apv[q, sl]
                            return c2
                        lax.fori_loop(0, 128 // 16, v2, 0)
                        return c
                    lax.fori_loop(0, _PR, q2, 0)
        s[j] = start_store(j)
    for j in range(_CPW - 3, _CPW):
        s[j].wait()

    @pl.when(wid == _TILES - 1)
    def _tail():
        pltpu.sync_copy(tailp, tidx)
        pltpu.async_copy(
            xp.at[tidx.at[0]], xbufs[0].at[pl.ds(0, _PR)], tsem).wait()

        def q_body(q, c):
            def v_body(v, c2):
                sl = pl.ds(v * 16, 16)
                xbufs[0][q, sl] = xbufs[0][q, sl] + apv[q, sl]
                return c2
            lax.fori_loop(0, 128 // 16, v_body, 0)
            return c
        lax.fori_loop(0, _PR, q_body, 0)
        pltpu.sync_copy(xbufs[0].at[pl.ds(0, _PR)],
                        out.at[pl.ds(_NCHUNK * _CROWS, _PR)])


@functools.cache
def _make_sc_gather():
    return functools.partial(
        pl.kernel,
        out_type=jax.ShapeDtypeStruct((_NP1 * _PR, 128), jnp.float32),
        mesh=plsc.VectorSubcoreMesh(core_axis_name="c", subcore_axis_name="s"),
        scratch_types=[
            pltpu.VMEM((_CROWS, 128), jnp.float32),
            pltpu.VMEM((_CROWS, 128), jnp.float32),
            pltpu.VMEM((_CROWS, 128), jnp.float32),
            pltpu.VMEM((16, 128), jnp.int32),
            pltpu.VMEM((1, _PR), jnp.int32),
            pltpu.VMEM((_PR, 128), jnp.float32),
            pltpu.SemaphoreType.DMA,
            pltpu.SemaphoreType.DMA,
            pltpu.SemaphoreType.DMA,
            pltpu.SemaphoreType.DMA,
            pltpu.SemaphoreType.DMA,
            pltpu.SemaphoreType.DMA,
            pltpu.SemaphoreType.DMA,
        ],
    )(_sc_body)


def kernel(x_, global_attn, ori_indices):
    del ori_indices
    src, add2 = _make_prep()(
        global_attn.reshape(_B, 1, _N),
        global_attn.reshape(_B, _N, 1),
        x_,
    )
    src_full = jnp.concatenate(
        [jnp.zeros((_B, 1), jnp.int32), src.reshape(_B, _N) + 1],
        axis=1)
    piece = (src_full.transpose(1, 0)[:, None, :] * _PR
             + (jnp.arange(8, dtype=jnp.int32) * _B)[None, :, None]
             + jnp.arange(_B, dtype=jnp.int32)[None, None, :])
    pflat = piece.reshape(_NP1 * _PR)
    srcp = (pflat[:_NCHUNK * _CROWS].reshape(_CPW, _TILES, _CROWS)
            .transpose(1, 0, 2).reshape(_TILES, 2 * _CPW, 128))
    tailp = pflat[_NCHUNK * _CROWS:].reshape(1, _PR)
    addp = (add2.reshape(_B, 8, 128).transpose(1, 0, 2)
            .reshape(_PR, 128))
    xp = (x_.reshape(_B, _NP1, 8, 128).transpose(1, 2, 0, 3)
          .reshape(_NP1 * _PR, 128))
    out2 = _make_sc_gather()(xp, srcp, tailp, addp)
    return (out2.reshape(_NP1, 8, _B, 128).transpose(2, 0, 1, 3)
            .reshape(_B, _NP1, _C))

# --- scband reference (transcript-rebuilt; emitter-appended) ---
"""Pipeline reference for scband-cat-module-30202210025651 (READ-ONLY COPY).

The authoritative reference and input builder live on the scoring server;
editing this copy changes nothing except your own understanding.
"""

import jax, jax.numpy as jnp
import numpy as np

B, N, C = 4, 2048, 1024
PRUNE_RATIO = 0.5


def setup_inputs(seed: int = 0):
    key = jax.random.key(seed)
    k1, k2 = jax.random.split(key)
    x_ = jax.random.normal(k1, (B, N + 1, C), dtype=jnp.float32)
    global_attn = jax.random.uniform(k2, (B, N), dtype=jnp.float32)
    ori_indices = jnp.arange(B * N, dtype=jnp.float32).reshape(B, N)
    return {"x_": x_, "global_attn": global_attn, "ori_indices": ori_indices}


def _block(x):
    # m1/m2 are identity wrapper blocks returning (out, raw_out)
    return x, x


def reference(x_, global_attn, ori_indices):
    # prune_ratio < 1 branch, eval mode (in-place write path)
    x = x_[:, 1:]
    b, n, c = x.shape
    n_keep = int(n * PRUNE_RATIO)
    # descending argsort over attention scores (top-k style masking)
    indices = jnp.argsort(-global_attn, axis=1)
    x_ga_oi = jnp.concatenate([x, global_attn[..., None], ori_indices[..., None]], axis=-1)
    # easy_gather: batched row gather
    x_ga_oi = jnp.take_along_axis(x_ga_oi, indices[..., None], axis=1)
    x_sorted = x_ga_oi[:, :, :-2]
    ga = x_ga_oi[:, :, -2]
    # oi = x_ga_oi[:, :, -1]  # carried global, unused downstream here
    x_full = x_.at[:, 1:].set(x_sorted)
    x_keep = x_full[:, :n_keep + 1]
    x_drop = x_full[:, n_keep + 1:]
    # merge_tokens on dropped tokens
    score = ga[:, n_keep:]
    weight = score / jnp.sum(score, axis=1, keepdims=True)
    add_token = jnp.sum(weight[..., None] * x_drop, axis=1, keepdims=True)
    xk = jnp.concatenate([x_keep, add_token], axis=1)
    xk, raw1 = _block(xk)
    xk, raw2 = _block(xk)
    x_out = xk[:, :-1]
    add1 = raw1[:, -1:]
    add2 = raw2[:, -1:]
    x_drop = x_drop + jnp.broadcast_to(add1, x_drop.shape) + jnp.broadcast_to(add2, x_drop.shape)
    return jnp.concatenate([x_out, x_drop], axis=1)

if __name__ == "__main__":
    import jax
    _d = setup_inputs()
    print(jax.jit(kernel)(*tuple(_d.values())))

</pallas_src>

<mosaic_0001>
#map = affine_map<(d0, d1) -> (0, 0)>
#map1 = affine_map<(d0, d1) -> (0, 0, 0)>
module attributes {stable_mosaic.version = 14 : i64} {
  func.func @_sc_body(%arg0: i32, %arg1: i32, %arg2: memref<65568x128xf32, #tpu.memory_space<hbm>>, %arg3: memref<32x16x128xi32, #tpu.memory_space<hbm>>, %arg4: memref<1x32xi32, #tpu.memory_space<hbm>>, %arg5: memref<32x128xf32, #tpu.memory_space<hbm>>, %arg6: memref<65568x128xf32, #tpu.memory_space<hbm>>, %arg7: memref<256x128xf32, #tpu.memory_space<vmem>>, %arg8: memref<256x128xf32, #tpu.memory_space<vmem>>, %arg9: memref<256x128xf32, #tpu.memory_space<vmem>>, %arg10: memref<16x128xi32, #tpu.memory_space<vmem>>, %arg11: memref<1x32xi32, #tpu.memory_space<vmem>>, %arg12: memref<32x128xf32, #tpu.memory_space<vmem>>, %arg13: memref<!tpu.dma_semaphore, #tpu.memory_space<semaphore_mem>>, %arg14: memref<!tpu.dma_semaphore, #tpu.memory_space<semaphore_mem>>, %arg15: memref<!tpu.dma_semaphore, #tpu.memory_space<semaphore_mem>>, %arg16: memref<!tpu.dma_semaphore, #tpu.memory_space<semaphore_mem>>, %arg17: memref<!tpu.dma_semaphore, #tpu.memory_space<semaphore_mem>>, %arg18: memref<!tpu.dma_semaphore, #tpu.memory_space<semaphore_mem>>, %arg19: memref<!tpu.dma_semaphore, #tpu.memory_space<semaphore_mem>>) attributes {dimension_semantics = [#tpu.dimension_semantics<core_parallel>, #tpu.dimension_semantics<subcore_parallel>], iteration_bounds = array<i64: 2, 16>, scalar_prefetch = 0 : i64, scratch_operands = 13 : i64, tpu.core_type = #tpu.core_type<sc_vector_subcore>, window_params = [{transform_indices = #map}, {transform_indices = #map1}, {transform_indices = #map}, {transform_indices = #map}, {transform_indices = #map}]} {
    %mul3A = arith.constant 2 : i32
    %mul3A_0 = arith.muli %arg1, %mul3A : i32
    %add3A = arith.addi %mul3A_0, %arg0 : i32
    "tpu.region"() ({
      %run_scoped3A = tpu.sem_alloc : memref<!tpu.dma_semaphore, #tpu.memory_space<semaphore_mem>>
      tpu.enqueue_dma source(%arg5 : memref<32x128xf32, #tpu.memory_space<hbm>>) target(%arg12 : memref<32x128xf32, #tpu.memory_space<vmem>>) target_semaphore(%run_scoped3A : memref<!tpu.dma_semaphore, #tpu.memory_space<semaphore_mem>>)
      tpu.wait_dma2 semaphore(%run_scoped3A : memref<!tpu.dma_semaphore, #tpu.memory_space<semaphore_mem>>) src(%arg5 : memref<32x128xf32, #tpu.memory_space<hbm>>) dst(%arg12 : memref<32x128xf32, #tpu.memory_space<vmem>>)
      tpu.yield
    }) : () -> ()
    "tpu.region"() ({
      %run_scoped3A = tpu.sem_alloc : memref<!tpu.dma_semaphore, #tpu.memory_space<semaphore_mem>>
      %dma_start3A_445 = arith.constant 0 : i32
      %dma_start3A_446 = arith.constant 0 : i32
      %dma_start3A_447 = tpu.memref_slice %arg3[%add3A, %dma_start3A_445, %dma_start3A_446] : memref<32x16x128xi32, #tpu.memory_space<hbm>> -> memref<1x16x128xi32, #tpu.memory_space<hbm>>
      %dma_start3A_448 = tpu.memref_squeeze %dma_start3A_447 : memref<1x16x128xi32, #tpu.memory_space<hbm>> -> memref<16x128xi32, #tpu.memory_space<hbm>>
      %dma_start3A_449 = arith.constant 0 : i32
      %dma_start3A_450 = arith.constant 0 : i32
      %dma_start3A_451 = tpu.memref_slice %arg3[%add3A, %dma_start3A_449, %dma_start3A_450] : memref<32x16x128xi32, #tpu.memory_space<hbm>> -> memref<1x16x128xi32, #tpu.memory_space<hbm>>
      %dma_start3A_452 = tpu.memref_squeeze %dma_start3A_451 : memref<1x16x128xi32, #tpu.memory_space<hbm>> -> memref<16x128xi32, #tpu.memory_space<hbm>>
      tpu.enqueue_dma source(%dma_start3A_452 : memref<16x128xi32, #tpu.memory_space<hbm>>) target(%arg10 : memref<16x128xi32, #tpu.memory_space<vmem>>) target_semaphore(%run_scoped3A : memref<!tpu.dma_semaphore, #tpu.memory_space<semaphore_mem>>)
      %dma_wait3A_453 = arith.constant 0 : i32
      %dma_wait3A_454 = arith.constant 0 : i32
      %dma_wait3A_455 = tpu.memref_slice %arg3[%add3A, %dma_wait3A_453, %dma_wait3A_454] : memref<32x16x128xi32, #tpu.memory_space<hbm>> -> memref<1x16x128xi32, #tpu.memory_space<hbm>>
      %dma_wait3A_456 = tpu.memref_squeeze %dma_wait3A_455 : memref<1x16x128xi32, #tpu.memory_space<hbm>> -> memref<16x128xi32, #tpu.memory_space<hbm>>
      %dma_wait3A_457 = arith.constant 0 : i32
      %dma_wait3A_458 = arith.constant 0 : i32
      %dma_wait3A_459 = tpu.memref_slice %arg3[%add3A, %dma_wait3A_457, %dma_wait3A_458] : memref<32x16x128xi32, #tpu.memory_space<hbm>> -> memref<1x16x128xi32, #tpu.memory_space<hbm>>
      %dma_wait3A_460 = tpu.memref_squeeze %dma_wait3A_459 : memref<1x16x128xi32, #tpu.memory_space<hbm>> -> memref<16x128xi32, #tpu.memory_space<hbm>>
      tpu.wait_dma2 semaphore(%run_scoped3A : memref<!tpu.dma_semaphore, #tpu.memory_space<semaphore_mem>>) src(%dma_wait3A_460 : memref<16x128xi32, #tpu.memory_space<hbm>>) dst(%arg10 : memref<16x128xi32, #tpu.memory_space<vmem>>)
      tpu.yield
    }) : () -> ()
    %dma_start3A = arith.constant 0 : i32
    %dma_start3A_1 = arith.constant 0 : i32
    %dma_start3A_2 = arith.constant 0 : i32
    %dma_start3A_3 = tpu.memref_slice %arg7[%dma_start3A_1, %dma_start3A_2] : memref<256x128xf32, #tpu.memory_space<vmem>> -> memref<128x128xf32, #tpu.memory_space<vmem>>
    %dma_start3A_4 = arith.constant 0 : i32
    %dma_start3A_5 = tpu.memref_slice %arg10[%dma_start3A, %dma_start3A_4] : memref<16x128xi32, #tpu.memory_space<vmem>> -> memref<1x128xi32, #tpu.memory_space<vmem>>
    %dma_start3A_6 = tpu.memref_squeeze %dma_start3A_5 : memref<1x128xi32, #tpu.memory_space<vmem>> -> memref<128xi32, #tpu.memory_space<vmem>>
    %dma_start3A_7 = arith.constant 0 : i32
    %dma_start3A_8 = arith.constant 0 : i32
    %dma_start3A_9 = tpu.memref_slice %arg2[%dma_start3A_7, %dma_start3A_8] : memref<65568x128xf32, #tpu.memory_space<hbm>> -> memref<65568x128xf32, #tpu.memory_space<hbm>>
    tpu.enqueue_indirect_dma source(%dma_start3A_9 : memref<65568x128xf32, #tpu.memory_space<hbm>>) target(%dma_start3A_3 : memref<128x128xf32, #tpu.memory_space<vmem>>) offsets(%dma_start3A_6 : memref<128xi32, #tpu.memory_space<vmem>>) semaphore(%arg13 : memref<!tpu.dma_semaphore, #tpu.memory_space<semaphore_mem>>)
    %dma_start3A_10 = arith.constant 1 : i32
    %dma_start3A_11 = arith.constant 128 : i32
    %dma_start3A_12 = arith.constant 0 : i32
    %dma_start3A_13 = tpu.memref_slice %arg7[%dma_start3A_11, %dma_start3A_12] : memref<256x128xf32, #tpu.memory_space<vmem>> -> memref<128x128xf32, #tpu.memory_space<vmem>>
    %dma_start3A_14 = arith.constant 0 : i32
    %dma_start3A_15 = tpu.memref_slice %arg10[%dma_start3A_10, %dma_start3A_14] : memref<16x128xi32, #tpu.memory_space<vmem>> -> memref<1x128xi32, #tpu.memory_space<vmem>>
    %dma_start3A_16 = tpu.memref_squeeze %dma_start3A_15 : memref<1x128xi32, #tpu.memory_space<vmem>> -> memref<128xi32, #tpu.memory_space<vmem>>
    %dma_start3A_17 = arith.constant 0 : i32
    %dma_start3A_18 = arith.constant 0 : i32
    %dma_start3A_19 = tpu.memref_slice %arg2[%dma_start3A_17, %dma_start3A_18] : memref<65568x128xf32, #tpu.memory_space<hbm>> -> memref<65568x128xf32, #tpu.memory_space<hbm>>
    tpu.enqueue_indirect_dma source(%dma_start3A_19 : memref<65568x128xf32, #tpu.memory_space<hbm>>) target(%dma_start3A_13 : memref<128x128xf32, #tpu.memory_space<vmem>>) offsets(%dma_start3A_16 : memref<128xi32, #tpu.memory_space<vmem>>) semaphore(%arg13 : memref<!tpu.dma_semaphore, #tpu.memory_space<semaphore_mem>>)
    %dma_start3A_20 = arith.constant 2 : i32
    %dma_start3A_21 = arith.constant 0 : i32
    %dma_start3A_22 = arith.constant 0 : i32
    %dma_start3A_23 = tpu.memref_slice %arg8[%dma_start3A_21, %dma_start3A_22] : memref<256x128xf32, #tpu.memory_space<vmem>> -> memref<128x128xf32, #tpu.memory_space<vmem>>
    %dma_start3A_24 = arith.constant 0 : i32
    %dma_start3A_25 = tpu.memref_slice %arg10[%dma_start3A_20, %dma_start3A_24] : memref<16x128xi32, #tpu.memory_space<vmem>> -> memref<1x128xi32, #tpu.memory_space<vmem>>
    %dma_start3A_26 = tpu.memref_squeeze %dma_start3A_25 : memref<1x128xi32, #tpu.memory_space<vmem>> -> memref<128xi32, #tpu.memory_space<vmem>>
    %dma_start3A_27 = arith.constant 0 : i32
    %dma_start3A_28 = arith.constant 0 : i32
    %dma_start3A_29 = tpu.memref_slice %arg2[%dma_start3A_27, %dma_start3A_28] : memref<65568x128xf32, #tpu.memory_space<hbm>> -> memref<65568x128xf32, #tpu.memory_space<hbm>>
    tpu.enqueue_indirect_dma source(%dma_start3A_29 : memref<65568x128xf32, #tpu.memory_space<hbm>>) target(%dma_start3A_23 : memref<128x128xf32, #tpu.memory_space<vmem>>) offsets(%dma_start3A_26 : memref<128xi32, #tpu.memory_space<vmem>>) semaphore(%arg14 : memref<!tpu.dma_semaphore, #tpu.memory_space<semaphore_mem>>)
    %dma_start3A_30 = arith.constant 3 : i32
    %dma_start3A_31 = arith.constant 128 : i32
    %dma_start3A_32 = arith.constant 0 : i32
    %dma_start3A_33 = tpu.memref_slice %arg8[%dma_start3A_31, %dma_start3A_32] : memref<256x128xf32, #tpu.memory_space<vmem>> -> memref<128x128xf32, #tpu.memory_space<vmem>>
    %dma_start3A_34 = arith.constant 0 : i32
    %dma_start3A_35 = tpu.memref_slice %arg10[%dma_start3A_30, %dma_start3A_34] : memref<16x128xi32, #tpu.memory_space<vmem>> -> memref<1x128xi32, #tpu.memory_space<vmem>>
    %dma_start3A_36 = tpu.memref_squeeze %dma_start3A_35 : memref<1x128xi32, #tpu.memory_space<vmem>> -> memref<128xi32, #tpu.memory_space<vmem>>
    %dma_start3A_37 = arith.constant 0 : i32
    %dma_start3A_38 = arith.constant 0 : i32
    %dma_start3A_39 = tpu.memref_slice %arg2[%dma_start3A_37, %dma_start3A_38] : memref<65568x128xf32, #tpu.memory_space<hbm>> -> memref<65568x128xf32, #tpu.memory_space<hbm>>
    tpu.enqueue_indirect_dma source(%dma_start3A_39 : memref<65568x128xf32, #tpu.memory_space<hbm>>) target(%dma_start3A_33 : memref<128x128xf32, #tpu.memory_space<vmem>>) offsets(%dma_start3A_36 : memref<128xi32, #tpu.memory_space<vmem>>) semaphore(%arg14 : memref<!tpu.dma_semaphore, #tpu.memory_space<semaphore_mem>>)
    %dma_start3A_40 = arith.constant 4 : i32
    %dma_start3A_41 = arith.constant 0 : i32
    %dma_start3A_42 = arith.constant 0 : i32
    %dma_start3A_43 = tpu.memref_slice %arg9[%dma_start3A_41, %dma_start3A_42] : memref<256x128xf32, #tpu.memory_space<vmem>> -> memref<128x128xf32, #tpu.memory_space<vmem>>
    %dma_start3A_44 = arith.constant 0 : i32
    %dma_start3A_45 = tpu.memref_slice %arg10[%dma_start3A_40, %dma_start3A_44] : memref<16x128xi32, #tpu.memory_space<vmem>> -> memref<1x128xi32, #tpu.memory_space<vmem>>
    %dma_start3A_46 = tpu.memref_squeeze %dma_start3A_45 : memref<1x128xi32, #tpu.memory_space<vmem>> -> memref<128xi32, #tpu.memory_space<vmem>>
    %dma_start3A_47 = arith.constant 0 : i32
    %dma_start3A_48 = arith.constant 0 : i32
    %dma_start3A_49 = tpu.memref_slice %arg2[%dma_start3A_47, %dma_start3A_48] : memref<65568x128xf32, #tpu.memory_space<hbm>> -> memref<65568x128xf32, #tpu.memory_space<hbm>>
    tpu.enqueue_indirect_dma source(%dma_start3A_49 : memref<65568x128xf32, #tpu.memory_space<hbm>>) target(%dma_start3A_43 : memref<128x128xf32, #tpu.memory_space<vmem>>) offsets(%dma_start3A_46 : memref<128xi32, #tpu.memory_space<vmem>>) semaphore(%arg15 : memref<!tpu.dma_semaphore, #tpu.memory_space<semaphore_mem>>)
    %dma_start3A_50 = arith.constant 5 : i32
    %dma_start3A_51 = arith.constant 128 : i32
    %dma_start3A_52 = arith.constant 0 : i32
    %dma_start3A_53 = tpu.memref_slice %arg9[%dma_start3A_51, %dma_start3A_52] : memref<256x128xf32, #tpu.memory_space<vmem>> -> memref<128x128xf32, #tpu.memory_space<vmem>>
    %dma_start3A_54 = arith.constant 0 : i32
    %dma_start3A_55 = tpu.memref_slice %arg10[%dma_start3A_50, %dma_start3A_54] : memref<16x128xi32, #tpu.memory_space<vmem>> -> memref<1x128xi32, #tpu.memory_space<vmem>>
    %dma_start3A_56 = tpu.memref_squeeze %dma_start3A_55 : memref<1x128xi32, #tpu.memory_space<vmem>> -> memref<128xi32, #tpu.memory_space<vmem>>
    %dma_start3A_57 = arith.constant 0 : i32
    %dma_start3A_58 = arith.constant 0 : i32
    %dma_start3A_59 = tpu.memref_slice %arg2[%dma_start3A_57, %dma_start3A_58] : memref<65568x128xf32, #tpu.memory_space<hbm>> -> memref<65568x128xf32, #tpu.memory_space<hbm>>
    tpu.enqueue_indirect_dma source(%dma_start3A_59 : memref<65568x128xf32, #tpu.memory_space<hbm>>) target(%dma_start3A_53 : memref<128x128xf32, #tpu.memory_space<vmem>>) offsets(%dma_start3A_56 : memref<128xi32, #tpu.memory_space<vmem>>) semaphore(%arg15 : memref<!tpu.dma_semaphore, #tpu.memory_space<semaphore_mem>>)
    %dma_wait3A = arith.constant 0 : i32
    %dma_wait3A_60 = arith.constant 0 : i32
    %dma_wait3A_61 = arith.constant 0 : i32
    %dma_wait3A_62 = tpu.memref_slice %arg7[%dma_wait3A_60, %dma_wait3A_61] : memref<256x128xf32, #tpu.memory_space<vmem>> -> memref<128x128xf32, #tpu.memory_space<vmem>>
    %dma_wait3A_63 = arith.constant 0 : i32
    %dma_wait3A_64 = tpu.memref_slice %arg10[%dma_wait3A, %dma_wait3A_63] : memref<16x128xi32, #tpu.memory_space<vmem>> -> memref<1x128xi32, #tpu.memory_space<vmem>>
    %dma_wait3A_65 = tpu.memref_squeeze %dma_wait3A_64 : memref<1x128xi32, #tpu.memory_space<vmem>> -> memref<128xi32, #tpu.memory_space<vmem>>
    %dma_wait3A_66 = arith.constant 0 : i32
    %dma_wait3A_67 = arith.constant 0 : i32
    %dma_wait3A_68 = tpu.memref_slice %arg2[%dma_wait3A_66, %dma_wait3A_67] : memref<65568x128xf32, #tpu.memory_space<hbm>> -> memref<65568x128xf32, #tpu.memory_space<hbm>>
    tpu.wait_indirect_dma semaphore(%arg13 : memref<!tpu.dma_semaphore, #tpu.memory_space<semaphore_mem>>) src(%dma_wait3A_68 : memref<65568x128xf32, #tpu.memory_space<hbm>>) dst(%dma_wait3A_62 : memref<128x128xf32, #tpu.memory_space<vmem>>)
    %dma_wait3A_69 = arith.constant 1 : i32
    %dma_wait3A_70 = arith.constant 128 : i32
    %dma_wait3A_71 = arith.constant 0 : i32
    %dma_wait3A_72 = tpu.memref_slice %arg7[%dma_wait3A_70, %dma_wait3A_71] : memref<256x128xf32, #tpu.memory_space<vmem>> -> memref<128x128xf32, #tpu.memory_space<vmem>>
    %dma_wait3A_73 = arith.constant 0 : i32
    %dma_wait3A_74 = tpu.memref_slice %arg10[%dma_wait3A_69, %dma_wait3A_73] : memref<16x128xi32, #tpu.memory_space<vmem>> -> memref<1x128xi32, #tpu.memory_space<vmem>>
    %dma_wait3A_75 = tpu.memref_squeeze %dma_wait3A_74 : memref<1x128xi32, #tpu.memory_space<vmem>> -> memref<128xi32, #tpu.memory_space<vmem>>
    %dma_wait3A_76 = arith.constant 0 : i32
    %dma_wait3A_77 = arith.constant 0 : i32
    %dma_wait3A_78 = tpu.memref_slice %arg2[%dma_wait3A_76, %dma_wait3A_77] : memref<65568x128xf32, #tpu.memory_space<hbm>> -> memref<65568x128xf32, #tpu.memory_space<hbm>>
    tpu.wait_indirect_dma semaphore(%arg13 : memref<!tpu.dma_semaphore, #tpu.memory_space<semaphore_mem>>) src(%dma_wait3A_78 : memref<65568x128xf32, #tpu.memory_space<hbm>>) dst(%dma_wait3A_72 : memref<128x128xf32, #tpu.memory_space<vmem>>)
    %add3A_79 = arith.constant 0 : i32
    %add3A_80 = arith.addi %add3A, %add3A_79 : i32
    %mul3A_81 = arith.constant 256 : i32
    %mul3A_82 = arith.muli %add3A_80, %mul3A_81 : i32
    %dma_start3A_83 = arith.constant 0 : i32
    %dma_start3A_84 = tpu.memref_slice %arg6[%mul3A_82, %dma_start3A_83] : memref<65568x128xf32, #tpu.memory_space<hbm>> -> memref<256x128xf32, #tpu.memory_space<hbm>>
    %dma_start3A_85 = arith.constant 0 : i32
    %dma_start3A_86 = tpu.memref_slice %arg6[%mul3A_82, %dma_start3A_85] : memref<65568x128xf32, #tpu.memory_space<hbm>> -> memref<256x128xf32, #tpu.memory_space<hbm>>
    tpu.enqueue_dma source(%arg7 : memref<256x128xf32, #tpu.memory_space<vmem>>) target(%dma_start3A_86 : memref<256x128xf32, #tpu.memory_space<hbm>>) target_semaphore(%arg16 : memref<!tpu.dma_semaphore, #tpu.memory_space<semaphore_mem>>)
    %dma_wait3A_87 = arith.constant 0 : i32
    %dma_wait3A_88 = tpu.memref_slice %arg6[%mul3A_82, %dma_wait3A_87] : memref<65568x128xf32, #tpu.memory_space<hbm>> -> memref<256x128xf32, #tpu.memory_space<hbm>>
    %dma_wait3A_89 = arith.constant 0 : i32
    %dma_wait3A_90 = tpu.memref_slice %arg6[%mul3A_82, %dma_wait3A_89] : memref<65568x128xf32, #tpu.memory_space<hbm>> -> memref<256x128xf32, #tpu.memory_space<hbm>>
    tpu.wait_dma2 semaphore(%arg16 : memref<!tpu.dma_semaphore, #tpu.memory_space<semaphore_mem>>) src(%arg7 : memref<256x128xf32, #tpu.memory_space<vmem>>) dst(%dma_wait3A_90 : memref<256x128xf32, #tpu.memory_space<hbm>>)
    %dma_start3A_91 = arith.constant 6 : i32
    %dma_start3A_92 = arith.constant 0 : i32
    %dma_start3A_93 = arith.constant 0 : i32
    %dma_start3A_94 = tpu.memref_slice %arg7[%dma_start3A_92, %dma_start3A_93] : memref<256x128xf32, #tpu.memory_space<vmem>> -> memref<128x128xf32, #tpu.memory_space<vmem>>
    %dma_start3A_95 = arith.constant 0 : i32
    %dma_start3A_96 = tpu.memref_slice %arg10[%dma_start3A_91, %dma_start3A_95] : memref<16x128xi32, #tpu.memory_space<vmem>> -> memref<1x128xi32, #tpu.memory_space<vmem>>
    %dma_start3A_97 = tpu.memref_squeeze %dma_start3A_96 : memref<1x128xi32, #tpu.memory_space<vmem>> -> memref<128xi32, #tpu.memory_space<vmem>>
    %dma_start3A_98 = arith.constant 0 : i32
    %dma_start3A_99 = arith.constant 0 : i32
    %dma_start3A_100 = tpu.memref_slice %arg2[%dma_start3A_98, %dma_start3A_99] : memref<65568x128xf32, #tpu.memory_space<hbm>> -> memref<65568x128xf32, #tpu.memory_space<hbm>>
    tpu.enqueue_indirect_dma source(%dma_start3A_100 : memref<65568x128xf32, #tpu.memory_space<hbm>>) target(%dma_start3A_94 : memref<128x128xf32, #tpu.memory_space<vmem>>) offsets(%dma_start3A_97 : memref<128xi32, #tpu.memory_space<vmem>>) semaphore(%arg13 : memref<!tpu.dma_semaphore, #tpu.memory_space<semaphore_mem>>)
    %dma_start3A_101 = arith.constant 7 : i32
    %dma_start3A_102 = arith.constant 128 : i32
    %dma_start3A_103 = arith.constant 0 : i32
    %dma_start3A_104 = tpu.memref_slice %arg7[%dma_start3A_102, %dma_start3A_103] : memref<256x128xf32, #tpu.memory_space<vmem>> -> memref<128x128xf32, #tpu.memory_space<vmem>>
    %dma_start3A_105 = arith.constant 0 : i32
    %dma_start3A_106 = tpu.memref_slice %arg10[%dma_start3A_101, %dma_start3A_105] : memref<16x128xi32, #tpu.memory_space<vmem>> -> memref<1x128xi32, #tpu.memory_space<vmem>>
    %dma_start3A_107 = tpu.memref_squeeze %dma_start3A_106 : memref<1x128xi32, #tpu.memory_space<vmem>> -> memref<128xi32, #tpu.memory_space<vmem>>
    %dma_start3A_108 = arith.constant 0 : i32
    %dma_start3A_109 = arith.constant 0 : i32
    %dma_start3A_110 = tpu.memref_slice %arg2[%dma_start3A_108, %dma_start3A_109] : memref<65568x128xf32, #tpu.memory_space<hbm>> -> memref<65568x128xf32, #tpu.memory_space<hbm>>
    tpu.enqueue_indirect_dma source(%dma_start3A_110 : memref<65568x128xf32, #tpu.memory_space<hbm>>) target(%dma_start3A_104 : memref<128x128xf32, #tpu.memory_space<vmem>>) offsets(%dma_start3A_107 : memref<128xi32, #tpu.memory_space<vmem>>) semaphore(%arg13 : memref<!tpu.dma_semaphore, #tpu.memory_space<semaphore_mem>>)
    %dma_wait3A_111 = arith.constant 2 : i32
    %dma_wait3A_112 = arith.constant 0 : i32
    %dma_wait3A_113 = arith.constant 0 : i32
    %dma_wait3A_114 = tpu.memref_slice %arg8[%dma_wait3A_112, %dma_wait3A_113] : memref<256x128xf32, #tpu.memory_space<vmem>> -> memref<128x128xf32, #tpu.memory_space<vmem>>
    %dma_wait3A_115 = arith.constant 0 : i32
    %dma_wait3A_116 = tpu.memref_slice %arg10[%dma_wait3A_111, %dma_wait3A_115] : memref<16x128xi32, #tpu.memory_space<vmem>> -> memref<1x128xi32, #tpu.memory_space<vmem>>
    %dma_wait3A_117 = tpu.memref_squeeze %dma_wait3A_116 : memref<1x128xi32, #tpu.memory_space<vmem>> -> memref<128xi32, #tpu.memory_space<vmem>>
    %dma_wait3A_118 = arith.constant 0 : i32
    %dma_wait3A_119 = arith.constant 0 : i32
    %dma_wait3A_120 = tpu.memref_slice %arg2[%dma_wait3A_118, %dma_wait3A_119] : memref<65568x128xf32, #tpu.memory_space<hbm>> -> memref<65568x128xf32, #tpu.memory_space<hbm>>
    tpu.wait_indirect_dma semaphore(%arg14 : memref<!tpu.dma_semaphore, #tpu.memory_space<semaphore_mem>>) src(%dma_wait3A_120 : memref<65568x128xf32, #tpu.memory_space<hbm>>) dst(%dma_wait3A_114 : memref<128x128xf32, #tpu.memory_space<vmem>>)
    %dma_wait3A_121 = arith.constant 3 : i32
    %dma_wait3A_122 = arith.constant 128 : i32
    %dma_wait3A_123 = arith.constant 0 : i32
    %dma_wait3A_124 = tpu.memref_slice %arg8[%dma_wait3A_122, %dma_wait3A_123] : memref<256x128xf32, #tpu.memory_space<vmem>> -> memref<128x128xf32, #tpu.memory_space<vmem>>
    %dma_wait3A_125 = arith.constant 0 : i32
    %dma_wait3A_126 = tpu.memref_slice %arg10[%dma_wait3A_121, %dma_wait3A_125] : memref<16x128xi32, #tpu.memory_space<vmem>> -> memref<1x128xi32, #tpu.memory_space<vmem>>
    %dma_wait3A_127 = tpu.memref_squeeze %dma_wait3A_126 : memref<1x128xi32, #tpu.memory_space<vmem>> -> memref<128xi32, #tpu.memory_space<vmem>>
    %dma_wait3A_128 = arith.constant 0 : i32
    %dma_wait3A_129 = arith.constant 0 : i32
    %dma_wait3A_130 = tpu.memref_slice %arg2[%dma_wait3A_128, %dma_wait3A_129] : memref<65568x128xf32, #tpu.memory_space<hbm>> -> memref<65568x128xf32, #tpu.memory_space<hbm>>
    tpu.wait_indirect_dma semaphore(%arg14 : memref<!tpu.dma_semaphore, #tpu.memory_space<semaphore_mem>>) src(%dma_wait3A_130 : memref<65568x128xf32, #tpu.memory_space<hbm>>) dst(%dma_wait3A_124 : memref<128x128xf32, #tpu.memory_space<vmem>>)
    %add3A_131 = arith.constant 32 : i32
    %add3A_132 = arith.addi %add3A, %add3A_131 : i32
    %mul3A_133 = arith.constant 256 : i32
    %mul3A_134 = arith.muli %add3A_132, %mul3A_133 : i32
    %dma_start3A_135 = arith.constant 0 : i32
    %dma_start3A_136 = tpu.memref_slice %arg6[%mul3A_134, %dma_start3A_135] : memref<65568x128xf32, #tpu.memory_space<hbm>> -> memref<256x128xf32, #tpu.memory_space<hbm>>
    %dma_start3A_137 = arith.constant 0 : i32
    %dma_start3A_138 = tpu.memref_slice %arg6[%mul3A_134, %dma_start3A_137] : memref<65568x128xf32, #tpu.memory_space<hbm>> -> memref<256x128xf32, #tpu.memory_space<hbm>>
    tpu.enqueue_dma source(%arg8 : memref<256x128xf32, #tpu.memory_space<vmem>>) target(%dma_start3A_138 : memref<256x128xf32, #tpu.memory_space<hbm>>) target_semaphore(%arg17 : memref<!tpu.dma_semaphore, #tpu.memory_space<semaphore_mem>>)
    %dma_wait3A_139 = arith.constant 0 : i32
    %dma_wait3A_140 = tpu.memref_slice %arg6[%mul3A_134, %dma_wait3A_139] : memref<65568x128xf32, #tpu.memory_space<hbm>> -> memref<256x128xf32, #tpu.memory_space<hbm>>
    %dma_wait3A_141 = arith.constant 0 : i32
    %dma_wait3A_142 = tpu.memref_slice %arg6[%mul3A_134, %dma_wait3A_141] : memref<65568x128xf32, #tpu.memory_space<hbm>> -> memref<256x128xf32, #tpu.memory_space<hbm>>
    tpu.wait_dma2 semaphore(%arg17 : memref<!tpu.dma_semaphore, #tpu.memory_space<semaphore_mem>>) src(%arg8 : memref<256x128xf32, #tpu.memory_space<vmem>>) dst(%dma_wait3A_142 : memref<256x128xf32, #tpu.memory_space<hbm>>)
    %dma_start3A_143 = arith.constant 8 : i32
    %dma_start3A_144 = arith.constant 0 : i32
    %dma_start3A_145 = arith.constant 0 : i32
    %dma_start3A_146 = tpu.memref_slice %arg8[%dma_start3A_144, %dma_start3A_145] : memref<256x128xf32, #tpu.memory_space<vmem>> -> memref<128x128xf32, #tpu.memory_space<vmem>>
    %dma_start3A_147 = arith.constant 0 : i32
    %dma_start3A_148 = tpu.memref_slice %arg10[%dma_start3A_143, %dma_start3A_147] : memref<16x128xi32, #tpu.memory_space<vmem>> -> memref<1x128xi32, #tpu.memory_space<vmem>>
    %dma_start3A_149 = tpu.memref_squeeze %dma_start3A_148 : memref<1x128xi32, #tpu.memory_space<vmem>> -> memref<128xi32, #tpu.memory_space<vmem>>
    %dma_start3A_150 = arith.constant 0 : i32
    %dma_start3A_151 = arith.constant 0 : i32
    %dma_start3A_152 = tpu.memref_slice %arg2[%dma_start3A_150, %dma_start3A_151] : memref<65568x128xf32, #tpu.memory_space<hbm>> -> memref<65568x128xf32, #tpu.memory_space<hbm>>
    tpu.enqueue_indirect_dma source(%dma_start3A_152 : memref<65568x128xf32, #tpu.memory_space<hbm>>) target(%dma_start3A_146 : memref<128x128xf32, #tpu.memory_space<vmem>>) offsets(%dma_start3A_149 : memref<128xi32, #tpu.memory_space<vmem>>) semaphore(%arg14 : memref<!tpu.dma_semaphore, #tpu.memory_space<semaphore_mem>>)
    %dma_start3A_153 = arith.constant 9 : i32
    %dma_start3A_154 = arith.constant 128 : i32
    %dma_start3A_155 = arith.constant 0 : i32
    %dma_start3A_156 = tpu.memref_slice %arg8[%dma_start3A_154, %dma_start3A_155] : memref<256x128xf32, #tpu.memory_space<vmem>> -> memref<128x128xf32, #tpu.memory_space<vmem>>
    %dma_start3A_157 = arith.constant 0 : i32
    %dma_start3A_158 = tpu.memref_slice %arg10[%dma_start3A_153, %dma_start3A_157] : memref<16x128xi32, #tpu.memory_space<vmem>> -> memref<1x128xi32, #tpu.memory_space<vmem>>
    %dma_start3A_159 = tpu.memref_squeeze %dma_start3A_158 : memref<1x128xi32, #tpu.memory_space<vmem>> -> memref<128xi32, #tpu.memory_space<vmem>>
    %dma_start3A_160 = arith.constant 0 : i32
    %dma_start3A_161 = arith.constant 0 : i32
    %dma_start3A_162 = tpu.memref_slice %arg2[%dma_start3A_160, %dma_start3A_161] : memref<65568x128xf32, #tpu.memory_space<hbm>> -> memref<65568x128xf32, #tpu.memory_space<hbm>>
    tpu.enqueue_indirect_dma source(%dma_start3A_162 : memref<65568x128xf32, #tpu.memory_space<hbm>>) target(%dma_start3A_156 : memref<128x128xf32, #tpu.memory_space<vmem>>) offsets(%dma_start3A_159 : memref<128xi32, #tpu.memory_space<vmem>>) semaphore(%arg14 : memref<!tpu.dma_semaphore, #tpu.memory_space<semaphore_mem>>)
    %dma_wait3A_163 = arith.constant 4 : i32
    %dma_wait3A_164 = arith.constant 0 : i32
    %dma_wait3A_165 = arith.constant 0 : i32
    %dma_wait3A_166 = tpu.memref_slice %arg9[%dma_wait3A_164, %dma_wait3A_165] : memref<256x128xf32, #tpu.memory_space<vmem>> -> memref<128x128xf32, #tpu.memory_space<vmem>>
    %dma_wait3A_167 = arith.constant 0 : i32
    %dma_wait3A_168 = tpu.memref_slice %arg10[%dma_wait3A_163, %dma_wait3A_167] : memref<16x128xi32, #tpu.memory_space<vmem>> -> memref<1x128xi32, #tpu.memory_space<vmem>>
    %dma_wait3A_169 = tpu.memref_squeeze %dma_wait3A_168 : memref<1x128xi32, #tpu.memory_space<vmem>> -> memref<128xi32, #tpu.memory_space<vmem>>
    %dma_wait3A_170 = arith.constant 0 : i32
    %dma_wait3A_171 = arith.constant 0 : i32
    %dma_wait3A_172 = tpu.memref_slice %arg2[%dma_wait3A_170, %dma_wait3A_171] : memref<65568x128xf32, #tpu.memory_space<hbm>> -> memref<65568x128xf32, #tpu.memory_space<hbm>>
    tpu.wait_indirect_dma semaphore(%arg15 : memref<!tpu.dma_semaphore, #tpu.memory_space<semaphore_mem>>) src(%dma_wait3A_172 : memref<65568x128xf32, #tpu.memory_space<hbm>>) dst(%dma_wait3A_166 : memref<128x128xf32, #tpu.memory_space<vmem>>)
    %dma_wait3A_173 = arith.constant 5 : i32
    %dma_wait3A_174 = arith.constant 128 : i32
    %dma_wait3A_175 = arith.constant 0 : i32
    %dma_wait3A_176 = tpu.memref_slice %arg9[%dma_wait3A_174, %dma_wait3A_175] : memref<256x128xf32, #tpu.memory_space<vmem>> -> memref<128x128xf32, #tpu.memory_space<vmem>>
    %dma_wait3A_177 = arith.constant 0 : i32
    %dma_wait3A_178 = tpu.memref_slice %arg10[%dma_wait3A_173, %dma_wait3A_177] : memref<16x128xi32, #tpu.memory_space<vmem>> -> memref<1x128xi32, #tpu.memory_space<vmem>>
    %dma_wait3A_179 = tpu.memref_squeeze %dma_wait3A_178 : memref<1x128xi32, #tpu.memory_space<vmem>> -> memref<128xi32, #tpu.memory_space<vmem>>
    %dma_wait3A_180 = arith.constant 0 : i32
    %dma_wait3A_181 = arith.constant 0 : i32
    %dma_wait3A_182 = tpu.memref_slice %arg2[%dma_wait3A_180, %dma_wait3A_181] : memref<65568x128xf32, #tpu.memory_space<hbm>> -> memref<65568x128xf32, #tpu.memory_space<hbm>>
    tpu.wait_indirect_dma semaphore(%arg15 : memref<!tpu.dma_semaphore, #tpu.memory_space<semaphore_mem>>) src(%dma_wait3A_182 : memref<65568x128xf32, #tpu.memory_space<hbm>>) dst(%dma_wait3A_176 : memref<128x128xf32, #tpu.memory_space<vmem>>)
    %add3A_183 = arith.constant 64 : i32
    %add3A_184 = arith.addi %add3A, %add3A_183 : i32
    %mul3A_185 = arith.constant 256 : i32
    %mul3A_186 = arith.muli %add3A_184, %mul3A_185 : i32
    %dma_start3A_187 = arith.constant 0 : i32
    %dma_start3A_188 = tpu.memref_slice %arg6[%mul3A_186, %dma_start3A_187] : memref<65568x128xf32, #tpu.memory_space<hbm>> -> memref<256x128xf32, #tpu.memory_space<hbm>>
    %dma_start3A_189 = arith.constant 0 : i32
    %dma_start3A_190 = tpu.memref_slice %arg6[%mul3A_186, %dma_start3A_189] : memref<65568x128xf32, #tpu.memory_space<hbm>> -> memref<256x128xf32, #tpu.memory_space<hbm>>
    tpu.enqueue_dma source(%arg9 : memref<256x128xf32, #tpu.memory_space<vmem>>) target(%dma_start3A_190 : memref<256x128xf32, #tpu.memory_space<hbm>>) target_semaphore(%arg18 : memref<!tpu.dma_semaphore, #tpu.memory_space<semaphore_mem>>)
    %dma_wait3A_191 = arith.constant 0 : i32
    %dma_wait3A_192 = tpu.memref_slice %arg6[%mul3A_186, %dma_wait3A_191] : memref<65568x128xf32, #tpu.memory_space<hbm>> -> memref<256x128xf32, #tpu.memory_space<hbm>>
    %dma_wait3A_193 = arith.constant 0 : i32
    %dma_wait3A_194 = tpu.memref_slice %arg6[%mul3A_186, %dma_wait3A_193] : memref<65568x128xf32, #tpu.memory_space<hbm>> -> memref<256x128xf32, #tpu.memory_space<hbm>>
    tpu.wait_dma2 semaphore(%arg18 : memref<!tpu.dma_semaphore, #tpu.memory_space<semaphore_mem>>) src(%arg9 : memref<256x128xf32, #tpu.memory_space<vmem>>) dst(%dma_wait3A_194 : memref<256x128xf32, #tpu.memory_space<hbm>>)
    %dma_start3A_195 = arith.constant 10 : i32
    %dma_start3A_196 = arith.constant 0 : i32
    %dma_start3A_197 = arith.constant 0 : i32
    %dma_start3A_198 = tpu.memref_slice %arg9[%dma_start3A_196, %dma_start3A_197] : memref<256x128xf32, #tpu.memory_space<vmem>> -> memref<128x128xf32, #tpu.memory_space<vmem>>
    %dma_start3A_199 = arith.constant 0 : i32
    %dma_start3A_200 = tpu.memref_slice %arg10[%dma_start3A_195, %dma_start3A_199] : memref<16x128xi32, #tpu.memory_space<vmem>> -> memref<1x128xi32, #tpu.memory_space<vmem>>
    %dma_start3A_201 = tpu.memref_squeeze %dma_start3A_200 : memref<1x128xi32, #tpu.memory_space<vmem>> -> memref<128xi32, #tpu.memory_space<vmem>>
    %dma_start3A_202 = arith.constant 0 : i32
    %dma_start3A_203 = arith.constant 0 : i32
    %dma_start3A_204 = tpu.memref_slice %arg2[%dma_start3A_202, %dma_start3A_203] : memref<65568x128xf32, #tpu.memory_space<hbm>> -> memref<65568x128xf32, #tpu.memory_space<hbm>>
    tpu.enqueue_indirect_dma source(%dma_start3A_204 : memref<65568x128xf32, #tpu.memory_space<hbm>>) target(%dma_start3A_198 : memref<128x128xf32, #tpu.memory_space<vmem>>) offsets(%dma_start3A_201 : memref<128xi32, #tpu.memory_space<vmem>>) semaphore(%arg15 : memref<!tpu.dma_semaphore, #tpu.memory_space<semaphore_mem>>)
    %dma_start3A_205 = arith.constant 11 : i32
    %dma_start3A_206 = arith.constant 128 : i32
    %dma_start3A_207 = arith.constant 0 : i32
    %dma_start3A_208 = tpu.memref_slice %arg9[%dma_start3A_206, %dma_start3A_207] : memref<256x128xf32, #tpu.memory_space<vmem>> -> memref<128x128xf32, #tpu.memory_space<vmem>>
    %dma_start3A_209 = arith.constant 0 : i32
    %dma_start3A_210 = tpu.memref_slice %arg10[%dma_start3A_205, %dma_start3A_209] : memref<16x128xi32, #tpu.memory_space<vmem>> -> memref<1x128xi32, #tpu.memory_space<vmem>>
    %dma_start3A_211 = tpu.memref_squeeze %dma_start3A_210 : memref<1x128xi32, #tpu.memory_space<vmem>> -> memref<128xi32, #tpu.memory_space<vmem>>
    %dma_start3A_212 = arith.constant 0 : i32
    %dma_start3A_213 = arith.constant 0 : i32
    %dma_start3A_214 = tpu.memref_slice %arg2[%dma_start3A_212, %dma_start3A_213] : memref<65568x128xf32, #tpu.memory_space<hbm>> -> memref<65568x128xf32, #tpu.memory_space<hbm>>
    tpu.enqueue_indirect_dma source(%dma_start3A_214 : memref<65568x128xf32, #tpu.memory_space<hbm>>) target(%dma_start3A_208 : memref<128x128xf32, #tpu.memory_space<vmem>>) offsets(%dma_start3A_211 : memref<128xi32, #tpu.memory_space<vmem>>) semaphore(%arg15 : memref<!tpu.dma_semaphore, #tpu.memory_space<semaphore_mem>>)
    %dma_wait3A_215 = arith.constant 6 : i32
    %dma_wait3A_216 = arith.constant 0 : i32
    %dma_wait3A_217 = arith.constant 0 : i32
    %dma_wait3A_218 = tpu.memref_slice %arg7[%dma_wait3A_216, %dma_wait3A_217] : memref<256x128xf32, #tpu.memory_space<vmem>> -> memref<128x128xf32, #tpu.memory_space<vmem>>
    %dma_wait3A_219 = arith.constant 0 : i32
    %dma_wait3A_220 = tpu.memref_slice %arg10[%dma_wait3A_215, %dma_wait3A_219] : memref<16x128xi32, #tpu.memory_space<vmem>> -> memref<1x128xi32, #tpu.memory_space<vmem>>
    %dma_wait3A_221 = tpu.memref_squeeze %dma_wait3A_220 : memref<1x128xi32, #tpu.memory_space<vmem>> -> memref<128xi32, #tpu.memory_space<vmem>>
    %dma_wait3A_222 = arith.constant 0 : i32
    %dma_wait3A_223 = arith.constant 0 : i32
    %dma_wait3A_224 = tpu.memref_slice %arg2[%dma_wait3A_222, %dma_wait3A_223] : memref<65568x128xf32, #tpu.memory_space<hbm>> -> memref<65568x128xf32, #tpu.memory_space<hbm>>
    tpu.wait_indirect_dma semaphore(%arg13 : memref<!tpu.dma_semaphore, #tpu.memory_space<semaphore_mem>>) src(%dma_wait3A_224 : memref<65568x128xf32, #tpu.memory_space<hbm>>) dst(%dma_wait3A_218 : memref<128x128xf32, #tpu.memory_space<vmem>>)
    %dma_wait3A_225 = arith.constant 7 : i32
    %dma_wait3A_226 = arith.constant 128 : i32
    %dma_wait3A_227 = arith.constant 0 : i32
    %dma_wait3A_228 = tpu.memref_slice %arg7[%dma_wait3A_226, %dma_wait3A_227] : memref<256x128xf32, #tpu.memory_space<vmem>> -> memref<128x128xf32, #tpu.memory_space<vmem>>
    %dma_wait3A_229 = arith.constant 0 : i32
    %dma_wait3A_230 = tpu.memref_slice %arg10[%dma_wait3A_225, %dma_wait3A_229] : memref<16x128xi32, #tpu.memory_space<vmem>> -> memref<1x128xi32, #tpu.memory_space<vmem>>
    %dma_wait3A_231 = tpu.memref_squeeze %dma_wait3A_230 : memref<1x128xi32, #tpu.memory_space<vmem>> -> memref<128xi32, #tpu.memory_space<vmem>>
    %dma_wait3A_232 = arith.constant 0 : i32
    %dma_wait3A_233 = arith.constant 0 : i32
    %dma_wait3A_234 = tpu.memref_slice %arg2[%dma_wait3A_232, %dma_wait3A_233] : memref<65568x128xf32, #tpu.memory_space<hbm>> -> memref<65568x128xf32, #tpu.memory_space<hbm>>
    tpu.wait_indirect_dma semaphore(%arg13 : memref<!tpu.dma_semaphore, #tpu.memory_space<semaphore_mem>>) src(%dma_wait3A_234 : memref<65568x128xf32, #tpu.memory_space<hbm>>) dst(%dma_wait3A_228 : memref<128x128xf32, #tpu.memory_space<vmem>>)
    %add3A_235 = arith.constant 96 : i32
    %add3A_236 = arith.addi %add3A, %add3A_235 : i32
    %mul3A_237 = arith.constant 256 : i32
    %mul3A_238 = arith.muli %add3A_236, %mul3A_237 : i32
    %dma_start3A_239 = arith.constant 0 : i32
    %dma_start3A_240 = tpu.memref_slice %arg6[%mul3A_238, %dma_start3A_239] : memref<65568x128xf32, #tpu.memory_space<hbm>> -> memref<256x128xf32, #tpu.memory_space<hbm>>
    %dma_start3A_241 = arith.constant 0 : i32
    %dma_start3A_242 = tpu.memref_slice %arg6[%mul3A_238, %dma_start3A_241] : memref<65568x128xf32, #tpu.memory_space<hbm>> -> memref<256x128xf32, #tpu.memory_space<hbm>>
    tpu.enqueue_dma source(%arg7 : memref<256x128xf32, #tpu.memory_space<vmem>>) target(%dma_start3A_242 : memref<256x128xf32, #tpu.memory_space<hbm>>) target_semaphore(%arg16 : memref<!tpu.dma_semaphore, #tpu.memory_space<semaphore_mem>>)
    %dma_wait3A_243 = arith.constant 0 : i32
    %dma_wait3A_244 = tpu.memref_slice %arg6[%mul3A_238, %dma_wait3A_243] : memref<65568x128xf32, #tpu.memory_space<hbm>> -> memref<256x128xf32, #tpu.memory_space<hbm>>
    %dma_wait3A_245 = arith.constant 0 : i32
    %dma_wait3A_246 = tpu.memref_slice %arg6[%mul3A_238, %dma_wait3A_245] : memref<65568x128xf32, #tpu.memory_space<hbm>> -> memref<256x128xf32, #tpu.memory_space<hbm>>
    tpu.wait_dma2 semaphore(%arg16 : memref<!tpu.dma_semaphore, #tpu.memory_space<semaphore_mem>>) src(%arg7 : memref<256x128xf32, #tpu.memory_space<vmem>>) dst(%dma_wait3A_246 : memref<256x128xf32, #tpu.memory_space<hbm>>)
    %dma_start3A_247 = arith.constant 12 : i32
    %dma_start3A_248 = arith.constant 0 : i32
    %dma_start3A_249 = arith.constant 0 : i32
    %dma_start3A_250 = tpu.memref_slice %arg7[%dma_start3A_248, %dma_start3A_249] : memref<256x128xf32, #tpu.memory_space<vmem>> -> memref<128x128xf32, #tpu.memory_space<vmem>>
    %dma_start3A_251 = arith.constant 0 : i32
    %dma_start3A_252 = tpu.memref_slice %arg10[%dma_start3A_247, %dma_start3A_251] : memref<16x128xi32, #tpu.memory_space<vmem>> -> memref<1x128xi32, #tpu.memory_space<vmem>>
    %dma_start3A_253 = tpu.memref_squeeze %dma_start3A_252 : memref<1x128xi32, #tpu.memory_space<vmem>> -> memref<128xi32, #tpu.memory_space<vmem>>
    %dma_start3A_254 = arith.constant 0 : i32
    %dma_start3A_255 = arith.constant 0 : i32
    %dma_start3A_256 = tpu.memref_slice %arg2[%dma_start3A_254, %dma_start3A_255] : memref<65568x128xf32, #tpu.memory_space<hbm>> -> memref<65568x128xf32, #tpu.memory_space<hbm>>
    tpu.enqueue_indirect_dma source(%dma_start3A_256 : memref<65568x128xf32, #tpu.memory_space<hbm>>) target(%dma_start3A_250 : memref<128x128xf32, #tpu.memory_space<vmem>>) offsets(%dma_start3A_253 : memref<128xi32, #tpu.memory_space<vmem>>) semaphore(%arg13 : memref<!tpu.dma_semaphore, #tpu.memory_space<semaphore_mem>>)
    %dma_start3A_257 = arith.constant 13 : i32
    %dma_start3A_258 = arith.constant 128 : i32
    %dma_start3A_259 = arith.constant 0 : i32
    %dma_start3A_260 = tpu.memref_slice %arg7[%dma_start3A_258, %dma_start3A_259] : memref<256x128xf32, #tpu.memory_space<vmem>> -> memref<128x128xf32, #tpu.memory_space<vmem>>
    %dma_start3A_261 = arith.constant 0 : i32
    %dma_start3A_262 = tpu.memref_slice %arg10[%dma_start3A_257, %dma_start3A_261] : memref<16x128xi32, #tpu.memory_space<vmem>> -> memref<1x128xi32, #tpu.memory_space<vmem>>
    %dma_start3A_263 = tpu.memref_squeeze %dma_start3A_262 : memref<1x128xi32, #tpu.memory_space<vmem>> -> memref<128xi32, #tpu.memory_space<vmem>>
    %dma_start3A_264 = arith.constant 0 : i32
    %dma_start3A_265 = arith.constant 0 : i32
    %dma_start3A_266 = tpu.memref_slice %arg2[%dma_start3A_264, %dma_start3A_265] : memref<65568x128xf32, #tpu.memory_space<hbm>> -> memref<65568x128xf32, #tpu.memory_space<hbm>>
    tpu.enqueue_indirect_dma source(%dma_start3A_266 : memref<65568x128xf32, #tpu.memory_space<hbm>>) target(%dma_start3A_260 : memref<128x128xf32, #tpu.memory_space<vmem>>) offsets(%dma_start3A_263 : memref<128xi32, #tpu.memory_space<vmem>>) semaphore(%arg13 : memref<!tpu.dma_semaphore, #tpu.memory_space<semaphore_mem>>)
    %dma_wait3A_267 = arith.constant 8 : i32
    %dma_wait3A_268 = arith.constant 0 : i32
    %dma_wait3A_269 = arith.constant 0 : i32
    %dma_wait3A_270 = tpu.memref_slice %arg8[%dma_wait3A_268, %dma_wait3A_269] : memref<256x128xf32, #tpu.memory_space<vmem>> -> memref<128x128xf32, #tpu.memory_space<vmem>>
    %dma_wait3A_271 = arith.constant 0 : i32
    %dma_wait3A_272 = tpu.memref_slice %arg10[%dma_wait3A_267, %dma_wait3A_271] : memref<16x128xi32, #tpu.memory_space<vmem>> -> memref<1x128xi32, #tpu.memory_space<vmem>>
    %dma_wait3A_273 = tpu.memref_squeeze %dma_wait3A_272 : memref<1x128xi32, #tpu.memory_space<vmem>> -> memref<128xi32, #tpu.memory_space<vmem>>
    %dma_wait3A_274 = arith.constant 0 : i32
    %dma_wait3A_275 = arith.constant 0 : i32
    %dma_wait3A_276 = tpu.memref_slice %arg2[%dma_wait3A_274, %dma_wait3A_275] : memref<65568x128xf32, #tpu.memory_space<hbm>> -> memref<65568x128xf32, #tpu.memory_space<hbm>>
    tpu.wait_indirect_dma semaphore(%arg14 : memref<!tpu.dma_semaphore, #tpu.memory_space<semaphore_mem>>) src(%dma_wait3A_276 : memref<65568x128xf32, #tpu.memory_space<hbm>>) dst(%dma_wait3A_270 : memref<128x128xf32, #tpu.memory_space<vmem>>)
    %dma_wait3A_277 = arith.constant 9 : i32
    %dma_wait3A_278 = arith.constant 128 : i32
    %dma_wait3A_279 = arith.constant 0 : i32
    %dma_wait3A_280 = tpu.memref_slice %arg8[%dma_wait3A_278, %dma_wait3A_279] : memref<256x128xf32, #tpu.memory_space<vmem>> -> memref<128x128xf32, #tpu.memory_space<vmem>>
    %dma_wait3A_281 = arith.constant 0 : i32
    %dma_wait3A_282 = tpu.memref_slice %arg10[%dma_wait3A_277, %dma_wait3A_281] : memref<16x128xi32, #tpu.memory_space<vmem>> -> memref<1x128xi32, #tpu.memory_space<vmem>>
    %dma_wait3A_283 = tpu.memref_squeeze %dma_wait3A_282 : memref<1x128xi32, #tpu.memory_space<vmem>> -> memref<128xi32, #tpu.memory_space<vmem>>
    %dma_wait3A_284 = arith.constant 0 : i32
    %dma_wait3A_285 = arith.constant 0 : i32
    %dma_wait3A_286 = tpu.memref_slice %arg2[%dma_wait3A_284, %dma_wait3A_285] : memref<65568x128xf32, #tpu.memory_space<hbm>> -> memref<65568x128xf32, #tpu.memory_space<hbm>>
    tpu.wait_indirect_dma semaphore(%arg14 : memref<!tpu.dma_semaphore, #tpu.memory_space<semaphore_mem>>) src(%dma_wait3A_286 : memref<65568x128xf32, #tpu.memory_space<hbm>>) dst(%dma_wait3A_280 : memref<128x128xf32, #tpu.memory_space<vmem>>)
    %scan3A = arith.constant 0 : i32
    %scan3A_287 = arith.constant 0 : i32
    %scan3A_288 = arith.constant 32 : i32
    %scan3A_289 = arith.addi %scan3A_287, %scan3A_288 : i32
    %scan3A_290 = arith.constant 1 : i32
    scf.for %scan3A_445 = %scan3A_287 to %scan3A_289 step %scan3A_290  : i32 {
      %scan3A_446 = arith.constant 0 : i32
      %scan3A_447 = arith.constant 0 : i32
      %scan3A_448 = arith.constant 8 : i32
      %scan3A_449 = arith.addi %scan3A_447, %scan3A_448 : i32
      %scan3A_450 = arith.constant 1 : i32
      scf.for %scan3A_452 = %scan3A_447 to %scan3A_449 step %scan3A_450  : i32 {
        %mul3A_453 = arith.constant 16 : i32
        %mul3A_454 = arith.muli %scan3A_452, %mul3A_453 : i32
        %get3A = arith.index_cast %scan3A_445 : i32 to index
        %get3A_455 = arith.index_cast %mul3A_454 : i32 to index
        %get3A_456 = tpu.vector_load %arg12[%get3A, %get3A_455] {strides = array<i32>} : memref<32x128xf32, #tpu.memory_space<vmem>>, vector<1x16xf32>,
        %get3A_457 = vector.shape_cast %get3A_456 : vector<1x16xf32> to vector<16xf32>
        %scan3A_458 = arith.constant 0 : i32
        %scan3A_459 = arith.constant 0 : i32
        %scan3A_460 = arith.constant 8 : i32
        %scan3A_461 = arith.addi %scan3A_459, %scan3A_460 : i32
        %scan3A_462 = arith.constant 4 : i32
        scf.for %scan3A_464 = %scan3A_459 to %scan3A_461 step %scan3A_462  : i32 {
          %mul3A_465 = arith.constant 32 : i32
          %mul3A_466 = arith.muli %scan3A_464, %mul3A_465 : i32
          %add3A_467 = arith.addi %scan3A_445, %mul3A_466 : i32
          %get3A_468 = arith.index_cast %add3A_467 : i32 to index
          %get3A_469 = arith.index_cast %mul3A_454 : i32 to index
          %get3A_470 = tpu.vector_load %arg8[%get3A_468, %get3A_469] {strides = array<i32>} : memref<256x128xf32, #tpu.memory_space<vmem>>, vector<1x16xf32>,
          %get3A_471 = vector.shape_cast %get3A_470 : vector<1x16xf32> to vector<16xf32>
          %add3A_472 = arith.addf %get3A_471, %get3A_457 : vector<16xf32>
          %mul3A_473 = arith.constant 32 : i32
          %mul3A_474 = arith.muli %scan3A_464, %mul3A_473 : i32
          %add3A_475 = arith.addi %scan3A_445, %mul3A_474 : i32
          %swap3A = arith.index_cast %add3A_475 : i32 to index
          %swap3A_476 = arith.index_cast %mul3A_454 : i32 to index
          %swap3A_477 = tpu.vector_load %arg8[%swap3A, %swap3A_476] {strides = array<i32>} : memref<256x128xf32, #tpu.memory_space<vmem>>, vector<1x16xf32>,
          %swap3A_478 = vector.shape_cast %swap3A_477 : vector<1x16xf32> to vector<16xf32>
          %swap3A_479 = vector.shape_cast %add3A_472 : vector<16xf32> to vector<1x16xf32>
          tpu.vector_store %arg8[%swap3A, %swap3A_476], %swap3A_479 {strides = array<i32>} : memref<256x128xf32, #tpu.memory_space<vmem>>, vector<1x16xf32>,
          %scan3A_480 = arith.constant 1 : i32
          %scan3A_481 = arith.addi %scan3A_464, %scan3A_480 : i32
          %mul3A_482 = arith.constant 32 : i32
          %mul3A_483 = arith.muli %scan3A_481, %mul3A_482 : i32
          %add3A_484 = arith.addi %scan3A_445, %mul3A_483 : i32
          %get3A_485 = arith.index_cast %add3A_484 : i32 to index
          %get3A_486 = arith.index_cast %mul3A_454 : i32 to index
          %get3A_487 = tpu.vector_load %arg8[%get3A_485, %get3A_486] {strides = array<i32>} : memref<256x128xf32, #tpu.memory_space<vmem>>, vector<1x16xf32>,
          %get3A_488 = vector.shape_cast %get3A_487 : vector<1x16xf32> to vector<16xf32>
          %add3A_489 = arith.addf %get3A_488, %get3A_457 : vector<16xf32>
          %mul3A_490 = arith.constant 32 : i32
          %mul3A_491 = arith.muli %scan3A_481, %mul3A_490 : i32
          %add3A_492 = arith.addi %scan3A_445, %mul3A_491 : i32
          %swap3A_493 = arith.index_cast %add3A_492 : i32 to index
          %swap3A_494 = arith.index_cast %mul3A_454 : i32 to index
          %swap3A_495 = tpu.vector_load %arg8[%swap3A_493, %swap3A_494] {strides = array<i32>} : memref<256x128xf32, #tpu.memory_space<vmem>>, vector<1x16xf32>,
          %swap3A_496 = vector.shape_cast %swap3A_495 : vector<1x16xf32> to vector<16xf32>
          %swap3A_497 = vector.shape_cast %add3A_489 : vector<16xf32> to vector<1x16xf32>
          tpu.vector_store %arg8[%swap3A_493, %swap3A_494], %swap3A_497 {strides = array<i32>} : memref<256x128xf32, #tpu.memory_space<vmem>>, vector<1x16xf32>,
          %scan3A_498 = arith.constant 2 : i32
          %scan3A_499 = arith.addi %scan3A_464, %scan3A_498 : i32
          %mul3A_500 = arith.constant 32 : i32
          %mul3A_501 = arith.muli %scan3A_499, %mul3A_500 : i32
          %add3A_502 = arith.addi %scan3A_445, %mul3A_501 : i32
          %get3A_503 = arith.index_cast %add3A_502 : i32 to index
          %get3A_504 = arith.index_cast %mul3A_454 : i32 to index
          %get3A_505 = tpu.vector_load %arg8[%get3A_503, %get3A_504] {strides = array<i32>} : memref<256x128xf32, #tpu.memory_space<vmem>>, vector<1x16xf32>,
          %get3A_506 = vector.shape_cast %get3A_505 : vector<1x16xf32> to vector<16xf32>
          %add3A_507 = arith.addf %get3A_506, %get3A_457 : vector<16xf32>
          %mul3A_508 = arith.constant 32 : i32
          %mul3A_509 = arith.muli %scan3A_499, %mul3A_508 : i32
          %add3A_510 = arith.addi %scan3A_445, %mul3A_509 : i32
          %swap3A_511 = arith.index_cast %add3A_510 : i32 to index
          %swap3A_512 = arith.index_cast %mul3A_454 : i32 to index
          %swap3A_513 = tpu.vector_load %arg8[%swap3A_511, %swap3A_512] {strides = array<i32>} : memref<256x128xf32, #tpu.memory_space<vmem>>, vector<1x16xf32>,
          %swap3A_514 = vector.shape_cast %swap3A_513 : vector<1x16xf32> to vector<16xf32>
          %swap3A_515 = vector.shape_cast %add3A_507 : vector<16xf32> to vector<1x16xf32>
          tpu.vector_store %arg8[%swap3A_511, %swap3A_512], %swap3A_515 {strides = array<i32>} : memref<256x128xf32, #tpu.memory_space<vmem>>, vector<1x16xf32>,
          %scan3A_516 = arith.constant 3 : i32
          %scan3A_517 = arith.addi %scan3A_464, %scan3A_516 : i32
          %mul3A_518 = arith.constant 32 : i32
          %mul3A_519 = arith.muli %scan3A_517, %mul3A_518 : i32
          %add3A_520 = arith.addi %scan3A_445, %mul3A_519 : i32
          %get3A_521 = arith.index_cast %add3A_520 : i32 to index
          %get3A_522 = arith.index_cast %mul3A_454 : i32 to index
          %get3A_523 = tpu.vector_load %arg8[%get3A_521, %get3A_522] {strides = array<i32>} : memref<256x128xf32, #tpu.memory_space<vmem>>, vector<1x16xf32>,
          %get3A_524 = vector.shape_cast %get3A_523 : vector<1x16xf32> to vector<16xf32>
          %add3A_525 = arith.addf %get3A_524, %get3A_457 : vector<16xf32>
          %mul3A_526 = arith.constant 32 : i32
          %mul3A_527 = arith.muli %scan3A_517, %mul3A_526 : i32
          %add3A_528 = arith.addi %scan3A_445, %mul3A_527 : i32
          %swap3A_529 = arith.index_cast %add3A_528 : i32 to index
          %swap3A_530 = arith.index_cast %mul3A_454 : i32 to index
          %swap3A_531 = tpu.vector_load %arg8[%swap3A_529, %swap3A_530] {strides = array<i32>} : memref<256x128xf32, #tpu.memory_space<vmem>>, vector<1x16xf32>,
          %swap3A_532 = vector.shape_cast %swap3A_531 : vector<1x16xf32> to vector<16xf32>
          %swap3A_533 = vector.shape_cast %add3A_525 : vector<16xf32> to vector<1x16xf32>
          tpu.vector_store %arg8[%swap3A_529, %swap3A_530], %swap3A_533 {strides = array<i32>} : memref<256x128xf32, #tpu.memory_space<vmem>>, vector<1x16xf32>,
        }
        %scan3A_463 = arith.constant 8 : i32
      }
      %scan3A_451 = arith.constant 8 : i32
    }
    %scan3A_291 = arith.constant 32 : i32
    %eq3A = arith.constant 0 : i32
    %eq3A_292 = arith.cmpi eq, %add3A, %eq3A : i32
    %convert_element_type3A = arith.extui %eq3A_292 : i1 to i32
    %cond3A = arith.constant 0 : i32
    %cond3A_293 = arith.cmpi ne, %convert_element_type3A, %cond3A : i32
    scf.if %cond3A_293 {
      %scan3A_445 = arith.constant 0 : i32
      %scan3A_446 = arith.constant 0 : i32
      %scan3A_447 = arith.constant 32 : i32
      %scan3A_448 = arith.addi %scan3A_446, %scan3A_447 : i32
      %scan3A_449 = arith.constant 1 : i32
      scf.for %scan3A_451 = %scan3A_446 to %scan3A_448 step %scan3A_449  : i32 {
        %scan3A_452 = arith.constant 0 : i32
        %scan3A_453 = arith.constant 0 : i32
        %scan3A_454 = arith.constant 8 : i32
        %scan3A_455 = arith.addi %scan3A_453, %scan3A_454 : i32
        %scan3A_456 = arith.constant 1 : i32
        scf.for %scan3A_458 = %scan3A_453 to %scan3A_455 step %scan3A_456  : i32 {
          %mul3A_459 = arith.constant 16 : i32
          %mul3A_460 = arith.muli %scan3A_458, %mul3A_459 : i32
          %get3A = arith.index_cast %scan3A_451 : i32 to index
          %get3A_461 = arith.index_cast %mul3A_460 : i32 to index
          %get3A_462 = tpu.vector_load %arg8[%get3A, %get3A_461] {strides = array<i32>} : memref<256x128xf32, #tpu.memory_space<vmem>>, vector<1x16xf32>,
          %get3A_463 = vector.shape_cast %get3A_462 : vector<1x16xf32> to vector<16xf32>
          %get3A_464 = arith.index_cast %scan3A_451 : i32 to index
          %get3A_465 = arith.index_cast %mul3A_460 : i32 to index
          %get3A_466 = tpu.vector_load %arg12[%get3A_464, %get3A_465] {strides = array<i32>} : memref<32x128xf32, #tpu.memory_space<vmem>>, vector<1x16xf32>,
          %get3A_467 = vector.shape_cast %get3A_466 : vector<1x16xf32> to vector<16xf32>
          %sub3A = arith.subf %get3A_463, %get3A_467 : vector<16xf32>
          %swap3A = arith.index_cast %scan3A_451 : i32 to index
          %swap3A_468 = arith.index_cast %mul3A_460 : i32 to index
          %swap3A_469 = tpu.vector_load %arg8[%swap3A, %swap3A_468] {strides = array<i32>} : memref<256x128xf32, #tpu.memory_space<vmem>>, vector<1x16xf32>,
          %swap3A_470 = vector.shape_cast %swap3A_469 : vector<1x16xf32> to vector<16xf32>
          %swap3A_471 = vector.shape_cast %sub3A : vector<16xf32> to vector<1x16xf32>
          tpu.vector_store %arg8[%swap3A, %swap3A_468], %swap3A_471 {strides = array<i32>} : memref<256x128xf32, #tpu.memory_space<vmem>>, vector<1x16xf32>,
        }
        %scan3A_457 = arith.constant 8 : i32
      }
      %scan3A_450 = arith.constant 32 : i32
    } else {
    }
    %add3A_294 = arith.constant 128 : i32
    %add3A_295 = arith.addi %add3A, %add3A_294 : i32
    %mul3A_296 = arith.constant 256 : i32
    %mul3A_297 = arith.muli %add3A_295, %mul3A_296 : i32
    %dma_start3A_298 = arith.constant 0 : i32
    %dma_start3A_299 = tpu.memref_slice %arg6[%mul3A_297, %dma_start3A_298] : memref<65568x128xf32, #tpu.memory_space<hbm>> -> memref<256x128xf32, #tpu.memory_space<hbm>>
    %dma_start3A_300 = arith.constant 0 : i32
    %dma_start3A_301 = tpu.memref_slice %arg6[%mul3A_297, %dma_start3A_300] : memref<65568x128xf32, #tpu.memory_space<hbm>> -> memref<256x128xf32, #tpu.memory_space<hbm>>
    tpu.enqueue_dma source(%arg8 : memref<256x128xf32, #tpu.memory_space<vmem>>) target(%dma_start3A_301 : memref<256x128xf32, #tpu.memory_space<hbm>>) target_semaphore(%arg17 : memref<!tpu.dma_semaphore, #tpu.memory_space<semaphore_mem>>)
    %dma_wait3A_302 = arith.constant 0 : i32
    %dma_wait3A_303 = tpu.memref_slice %arg6[%mul3A_297, %dma_wait3A_302] : memref<65568x128xf32, #tpu.memory_space<hbm>> -> memref<256x128xf32, #tpu.memory_space<hbm>>
    %dma_wait3A_304 = arith.constant 0 : i32
    %dma_wait3A_305 = tpu.memref_slice %arg6[%mul3A_297, %dma_wait3A_304] : memref<65568x128xf32, #tpu.memory_space<hbm>> -> memref<256x128xf32, #tpu.memory_space<hbm>>
    tpu.wait_dma2 semaphore(%arg17 : memref<!tpu.dma_semaphore, #tpu.memory_space<semaphore_mem>>) src(%arg8 : memref<256x128xf32, #tpu.memory_space<vmem>>) dst(%dma_wait3A_305 : memref<256x128xf32, #tpu.memory_space<hbm>>)
    %dma_start3A_306 = arith.constant 14 : i32
    %dma_start3A_307 = arith.constant 0 : i32
    %dma_start3A_308 = arith.constant 0 : i32
    %dma_start3A_309 = tpu.memref_slice %arg8[%dma_start3A_307, %dma_start3A_308] : memref<256x128xf32, #tpu.memory_space<vmem>> -> memref<128x128xf32, #tpu.memory_space<vmem>>
    %dma_start3A_310 = arith.constant 0 : i32
    %dma_start3A_311 = tpu.memref_slice %arg10[%dma_start3A_306, %dma_start3A_310] : memref<16x128xi32, #tpu.memory_space<vmem>> -> memref<1x128xi32, #tpu.memory_space<vmem>>
    %dma_start3A_312 = tpu.memref_squeeze %dma_start3A_311 : memref<1x128xi32, #tpu.memory_space<vmem>> -> memref<128xi32, #tpu.memory_space<vmem>>
    %dma_start3A_313 = arith.constant 0 : i32
    %dma_start3A_314 = arith.constant 0 : i32
    %dma_start3A_315 = tpu.memref_slice %arg2[%dma_start3A_313, %dma_start3A_314] : memref<65568x128xf32, #tpu.memory_space<hbm>> -> memref<65568x128xf32, #tpu.memory_space<hbm>>
    tpu.enqueue_indirect_dma source(%dma_start3A_315 : memref<65568x128xf32, #tpu.memory_space<hbm>>) target(%dma_start3A_309 : memref<128x128xf32, #tpu.memory_space<vmem>>) offsets(%dma_start3A_312 : memref<128xi32, #tpu.memory_space<vmem>>) semaphore(%arg14 : memref<!tpu.dma_semaphore, #tpu.memory_space<semaphore_mem>>)
    %dma_start3A_316 = arith.constant 15 : i32
    %dma_start3A_317 = arith.constant 128 : i32
    %dma_start3A_318 = arith.constant 0 : i32
    %dma_start3A_319 = tpu.memref_slice %arg8[%dma_start3A_317, %dma_start3A_318] : memref<256x128xf32, #tpu.memory_space<vmem>> -> memref<128x128xf32, #tpu.memory_space<vmem>>
    %dma_start3A_320 = arith.constant 0 : i32
    %dma_start3A_321 = tpu.memref_slice %arg10[%dma_start3A_316, %dma_start3A_320] : memref<16x128xi32, #tpu.memory_space<vmem>> -> memref<1x128xi32, #tpu.memory_space<vmem>>
    %dma_start3A_322 = tpu.memref_squeeze %dma_start3A_321 : memref<1x128xi32, #tpu.memory_space<vmem>> -> memref<128xi32, #tpu.memory_space<vmem>>
    %dma_start3A_323 = arith.constant 0 : i32
    %dma_start3A_324 = arith.constant 0 : i32
    %dma_start3A_325 = tpu.memref_slice %arg2[%dma_start3A_323, %dma_start3A_324] : memref<65568x128xf32, #tpu.memory_space<hbm>> -> memref<65568x128xf32, #tpu.memory_space<hbm>>
    tpu.enqueue_indirect_dma source(%dma_start3A_325 : memref<65568x128xf32, #tpu.memory_space<hbm>>) target(%dma_start3A_319 : memref<128x128xf32, #tpu.memory_space<vmem>>) offsets(%dma_start3A_322 : memref<128xi32, #tpu.memory_space<vmem>>) semaphore(%arg14 : memref<!tpu.dma_semaphore, #tpu.memory_space<semaphore_mem>>)
    %dma_wait3A_326 = arith.constant 10 : i32
    %dma_wait3A_327 = arith.constant 0 : i32
    %dma_wait3A_328 = arith.constant 0 : i32
    %dma_wait3A_329 = tpu.memref_slice %arg9[%dma_wait3A_327, %dma_wait3A_328] : memref<256x128xf32, #tpu.memory_space<vmem>> -> memref<128x128xf32, #tpu.memory_space<vmem>>
    %dma_wait3A_330 = arith.constant 0 : i32
    %dma_wait3A_331 = tpu.memref_slice %arg10[%dma_wait3A_326, %dma_wait3A_330] : memref<16x128xi32, #tpu.memory_space<vmem>> -> memref<1x128xi32, #tpu.memory_space<vmem>>
    %dma_wait3A_332 = tpu.memref_squeeze %dma_wait3A_331 : memref<1x128xi32, #tpu.memory_space<vmem>> -> memref<128xi32, #tpu.memory_space<vmem>>
    %dma_wait3A_333 = arith.constant 0 : i32
    %dma_wait3A_334 = arith.constant 0 : i32
    %dma_wait3A_335 = tpu.memref_slice %arg2[%dma_wait3A_333, %dma_wait3A_334] : memref<65568x128xf32, #tpu.memory_space<hbm>> -> memref<65568x128xf32, #tpu.memory_space<hbm>>
    tpu.wait_indirect_dma semaphore(%arg15 : memref<!tpu.dma_semaphore, #tpu.memory_space<semaphore_mem>>) src(%dma_wait3A_335 : memref<65568x128xf32, #tpu.memory_space<hbm>>) dst(%dma_wait3A_329 : memref<128x128xf32, #tpu.memory_space<vmem>>)
    %dma_wait3A_336 = arith.constant 11 : i32
    %dma_wait3A_337 = arith.constant 128 : i32
    %dma_wait3A_338 = arith.constant 0 : i32
    %dma_wait3A_339 = tpu.memref_slice %arg9[%dma_wait3A_337, %dma_wait3A_338] : memref<256x128xf32, #tpu.memory_space<vmem>> -> memref<128x128xf32, #tpu.memory_space<vmem>>
    %dma_wait3A_340 = arith.constant 0 : i32
    %dma_wait3A_341 = tpu.memref_slice %arg10[%dma_wait3A_336, %dma_wait3A_340] : memref<16x128xi32, #tpu.memory_space<vmem>> -> memref<1x128xi32, #tpu.memory_space<vmem>>
    %dma_wait3A_342 = tpu.memref_squeeze %dma_wait3A_341 : memref<1x128xi32, #tpu.memory_space<vmem>> -> memref<128xi32, #tpu.memory_space<vmem>>
    %dma_wait3A_343 = arith.constant 0 : i32
    %dma_wait3A_344 = arith.constant 0 : i32
    %dma_wait3A_345 = tpu.memref_slice %arg2[%dma_wait3A_343, %dma_wait3A_344] : memref<65568x128xf32, #tpu.memory_space<hbm>> -> memref<65568x128xf32, #tpu.memory_space<hbm>>
    tpu.wait_indirect_dma semaphore(%arg15 : memref<!tpu.dma_semaphore, #tpu.memory_space<semaphore_mem>>) src(%dma_wait3A_345 : memref<65568x128xf32, #tpu.memory_space<hbm>>) dst(%dma_wait3A_339 : memref<128x128xf32, #tpu.memory_space<vmem>>)
    %scan3A_346 = arith.constant 0 : i32
    %scan3A_347 = arith.constant 0 : i32
    %scan3A_348 = arith.constant 32 : i32
    %scan3A_349 = arith.addi %scan3A_347, %scan3A_348 : i32
    %scan3A_350 = arith.constant 1 : i32
    scf.for %scan3A_445 = %scan3A_347 to %scan3A_349 step %scan3A_350  : i32 {
      %scan3A_446 = arith.constant 0 : i32
      %scan3A_447 = arith.constant 0 : i32
      %scan3A_448 = arith.constant 8 : i32
      %scan3A_449 = arith.addi %scan3A_447, %scan3A_448 : i32
      %scan3A_450 = arith.constant 1 : i32
      scf.for %scan3A_452 = %scan3A_447 to %scan3A_449 step %scan3A_450  : i32 {
        %mul3A_453 = arith.constant 16 : i32
        %mul3A_454 = arith.muli %scan3A_452, %mul3A_453 : i32
        %get3A = arith.index_cast %scan3A_445 : i32 to index
        %get3A_455 = arith.index_cast %mul3A_454 : i32 to index
        %get3A_456 = tpu.vector_load %arg12[%get3A, %get3A_455] {strides = array<i32>} : memref<32x128xf32, #tpu.memory_space<vmem>>, vector<1x16xf32>,
        %get3A_457 = vector.shape_cast %get3A_456 : vector<1x16xf32> to vector<16xf32>
        %scan3A_458 = arith.constant 0 : i32
        %scan3A_459 = arith.constant 0 : i32
        %scan3A_460 = arith.constant 8 : i32
        %scan3A_461 = arith.addi %scan3A_459, %scan3A_460 : i32
        %scan3A_462 = arith.constant 4 : i32
        scf.for %scan3A_464 = %scan3A_459 to %scan3A_461 step %scan3A_462  : i32 {
          %mul3A_465 = arith.constant 32 : i32
          %mul3A_466 = arith.muli %scan3A_464, %mul3A_465 : i32
          %add3A_467 = arith.addi %scan3A_445, %mul3A_466 : i32
          %get3A_468 = arith.index_cast %add3A_467 : i32 to index
          %get3A_469 = arith.index_cast %mul3A_454 : i32 to index
          %get3A_470 = tpu.vector_load %arg9[%get3A_468, %get3A_469] {strides = array<i32>} : memref<256x128xf32, #tpu.memory_space<vmem>>, vector<1x16xf32>,
          %get3A_471 = vector.shape_cast %get3A_470 : vector<1x16xf32> to vector<16xf32>
          %add3A_472 = arith.addf %get3A_471, %get3A_457 : vector<16xf32>
          %mul3A_473 = arith.constant 32 : i32
          %mul3A_474 = arith.muli %scan3A_464, %mul3A_473 : i32
          %add3A_475 = arith.addi %scan3A_445, %mul3A_474 : i32
          %swap3A = arith.index_cast %add3A_475 : i32 to index
          %swap3A_476 = arith.index_cast %mul3A_454 : i32 to index
          %swap3A_477 = tpu.vector_load %arg9[%swap3A, %swap3A_476] {strides = array<i32>} : memref<256x128xf32, #tpu.memory_space<vmem>>, vector<1x16xf32>,
          %swap3A_478 = vector.shape_cast %swap3A_477 : vector<1x16xf32> to vector<16xf32>
          %swap3A_479 = vector.shape_cast %add3A_472 : vector<16xf32> to vector<1x16xf32>
          tpu.vector_store %arg9[%swap3A, %swap3A_476], %swap3A_479 {strides = array<i32>} : memref<256x128xf32, #tpu.memory_space<vmem>>, vector<1x16xf32>,
          %scan3A_480 = arith.constant 1 : i32
          %scan3A_481 = arith.addi %scan3A_464, %scan3A_480 : i32
          %mul3A_482 = arith.constant 32 : i32
          %mul3A_483 = arith.muli %scan3A_481, %mul3A_482 : i32
          %add3A_484 = arith.addi %scan3A_445, %mul3A_483 : i32
          %get3A_485 = arith.index_cast %add3A_484 : i32 to index
          %get3A_486 = arith.index_cast %mul3A_454 : i32 to index
          %get3A_487 = tpu.vector_load %arg9[%get3A_485, %get3A_486] {strides = array<i32>} : memref<256x128xf32, #tpu.memory_space<vmem>>, vector<1x16xf32>,
          %get3A_488 = vector.shape_cast %get3A_487 : vector<1x16xf32> to vector<16xf32>
          %add3A_489 = arith.addf %get3A_488, %get3A_457 : vector<16xf32>
          %mul3A_490 = arith.constant 32 : i32
          %mul3A_491 = arith.muli %scan3A_481, %mul3A_490 : i32
          %add3A_492 = arith.addi %scan3A_445, %mul3A_491 : i32
          %swap3A_493 = arith.index_cast %add3A_492 : i32 to index
          %swap3A_494 = arith.index_cast %mul3A_454 : i32 to index
          %swap3A_495 = tpu.vector_load %arg9[%swap3A_493, %swap3A_494] {strides = array<i32>} : memref<256x128xf32, #tpu.memory_space<vmem>>, vector<1x16xf32>,
          %swap3A_496 = vector.shape_cast %swap3A_495 : vector<1x16xf32> to vector<16xf32>
          %swap3A_497 = vector.shape_cast %add3A_489 : vector<16xf32> to vector<1x16xf32>
          tpu.vector_store %arg9[%swap3A_493, %swap3A_494], %swap3A_497 {strides = array<i32>} : memref<256x128xf32, #tpu.memory_space<vmem>>, vector<1x16xf32>,
          %scan3A_498 = arith.constant 2 : i32
          %scan3A_499 = arith.addi %scan3A_464, %scan3A_498 : i32
          %mul3A_500 = arith.constant 32 : i32
          %mul3A_501 = arith.muli %scan3A_499, %mul3A_500 : i32
          %add3A_502 = arith.addi %scan3A_445, %mul3A_501 : i32
          %get3A_503 = arith.index_cast %add3A_502 : i32 to index
          %get3A_504 = arith.index_cast %mul3A_454 : i32 to index
          %get3A_505 = tpu.vector_load %arg9[%get3A_503, %get3A_504] {strides = array<i32>} : memref<256x128xf32, #tpu.memory_space<vmem>>, vector<1x16xf32>,
          %get3A_506 = vector.shape_cast %get3A_505 : vector<1x16xf32> to vector<16xf32>
          %add3A_507 = arith.addf %get3A_506, %get3A_457 : vector<16xf32>
          %mul3A_508 = arith.constant 32 : i32
          %mul3A_509 = arith.muli %scan3A_499, %mul3A_508 : i32
          %add3A_510 = arith.addi %scan3A_445, %mul3A_509 : i32
          %swap3A_511 = arith.index_cast %add3A_510 : i32 to index
          %swap3A_512 = arith.index_cast %mul3A_454 : i32 to index
          %swap3A_513 = tpu.vector_load %arg9[%swap3A_511, %swap3A_512] {strides = array<i32>} : memref<256x128xf32, #tpu.memory_space<vmem>>, vector<1x16xf32>,
          %swap3A_514 = vector.shape_cast %swap3A_513 : vector<1x16xf32> to vector<16xf32>
          %swap3A_515 = vector.shape_cast %add3A_507 : vector<16xf32> to vector<1x16xf32>
          tpu.vector_store %arg9[%swap3A_511, %swap3A_512], %swap3A_515 {strides = array<i32>} : memref<256x128xf32, #tpu.memory_space<vmem>>, vector<1x16xf32>,
          %scan3A_516 = arith.constant 3 : i32
          %scan3A_517 = arith.addi %scan3A_464, %scan3A_516 : i32
          %mul3A_518 = arith.constant 32 : i32
          %mul3A_519 = arith.muli %scan3A_517, %mul3A_518 : i32
          %add3A_520 = arith.addi %scan3A_445, %mul3A_519 : i32
          %get3A_521 = arith.index_cast %add3A_520 : i32 to index
          %get3A_522 = arith.index_cast %mul3A_454 : i32 to index
          %get3A_523 = tpu.vector_load %arg9[%get3A_521, %get3A_522] {strides = array<i32>} : memref<256x128xf32, #tpu.memory_space<vmem>>, vector<1x16xf32>,
          %get3A_524 = vector.shape_cast %get3A_523 : vector<1x16xf32> to vector<16xf32>
          %add3A_525 = arith.addf %get3A_524, %get3A_457 : vector<16xf32>
          %mul3A_526 = arith.constant 32 : i32
          %mul3A_527 = arith.muli %scan3A_517, %mul3A_526 : i32
          %add3A_528 = arith.addi %scan3A_445, %mul3A_527 : i32
          %swap3A_529 = arith.index_cast %add3A_528 : i32 to index
          %swap3A_530 = arith.index_cast %mul3A_454 : i32 to index
          %swap3A_531 = tpu.vector_load %arg9[%swap3A_529, %swap3A_530] {strides = array<i32>} : memref<256x128xf32, #tpu.memory_space<vmem>>, vector<1x16xf32>,
          %swap3A_532 = vector.shape_cast %swap3A_531 : vector<1x16xf32> to vector<16xf32>
          %swap3A_533 = vector.shape_cast %add3A_525 : vector<16xf32> to vector<1x16xf32>
          tpu.vector_store %arg9[%swap3A_529, %swap3A_530], %swap3A_533 {strides = array<i32>} : memref<256x128xf32, #tpu.memory_space<vmem>>, vector<1x16xf32>,
        }
        %scan3A_463 = arith.constant 8 : i32
      }
      %scan3A_451 = arith.constant 8 : i32
    }
    %scan3A_351 = arith.constant 32 : i32
    %add3A_352 = arith.constant 160 : i32
    %add3A_353 = arith.addi %add3A, %add3A_352 : i32
    %mul3A_354 = arith.constant 256 : i32
    %mul3A_355 = arith.muli %add3A_353, %mul3A_354 : i32
    %dma_start3A_356 = arith.constant 0 : i32
    %dma_start3A_357 = tpu.memref_slice %arg6[%mul3A_355, %dma_start3A_356] : memref<65568x128xf32, #tpu.memory_space<hbm>> -> memref<256x128xf32, #tpu.memory_space<hbm>>
    %dma_start3A_358 = arith.constant 0 : i32
    %dma_start3A_359 = tpu.memref_slice %arg6[%mul3A_355, %dma_start3A_358] : memref<65568x128xf32, #tpu.memory_space<hbm>> -> memref<256x128xf32, #tpu.memory_space<hbm>>
    tpu.enqueue_dma source(%arg9 : memref<256x128xf32, #tpu.memory_space<vmem>>) target(%dma_start3A_359 : memref<256x128xf32, #tpu.memory_space<hbm>>) target_semaphore(%arg18 : memref<!tpu.dma_semaphore, #tpu.memory_space<semaphore_mem>>)
    %dma_wait3A_360 = arith.constant 12 : i32
    %dma_wait3A_361 = arith.constant 0 : i32
    %dma_wait3A_362 = arith.constant 0 : i32
    %dma_wait3A_363 = tpu.memref_slice %arg7[%dma_wait3A_361, %dma_wait3A_362] : memref<256x128xf32, #tpu.memory_space<vmem>> -> memref<128x128xf32, #tpu.memory_space<vmem>>
    %dma_wait3A_364 = arith.constant 0 : i32
    %dma_wait3A_365 = tpu.memref_slice %arg10[%dma_wait3A_360, %dma_wait3A_364] : memref<16x128xi32, #tpu.memory_space<vmem>> -> memref<1x128xi32, #tpu.memory_space<vmem>>
    %dma_wait3A_366 = tpu.memref_squeeze %dma_wait3A_365 : memref<1x128xi32, #tpu.memory_space<vmem>> -> memref<128xi32, #tpu.memory_space<vmem>>
    %dma_wait3A_367 = arith.constant 0 : i32
    %dma_wait3A_368 = arith.constant 0 : i32
    %dma_wait3A_369 = tpu.memref_slice %arg2[%dma_wait3A_367, %dma_wait3A_368] : memref<65568x128xf32, #tpu.memory_space<hbm>> -> memref<65568x128xf32, #tpu.memory_space<hbm>>
    tpu.wait_indirect_dma semaphore(%arg13 : memref<!tpu.dma_semaphore, #tpu.memory_space<semaphore_mem>>) src(%dma_wait3A_369 : memref<65568x128xf32, #tpu.memory_space<hbm>>) dst(%dma_wait3A_363 : memref<128x128xf32, #tpu.memory_space<vmem>>)
    %dma_wait3A_370 = arith.constant 13 : i32
    %dma_wait3A_371 = arith.constant 128 : i32
    %dma_wait3A_372 = arith.constant 0 : i32
    %dma_wait3A_373 = tpu.memref_slice %arg7[%dma_wait3A_371, %dma_wait3A_372] : memref<256x128xf32, #tpu.memory_space<vmem>> -> memref<128x128xf32, #tpu.memory_space<vmem>>
    %dma_wait3A_374 = arith.constant 0 : i32
    %dma_wait3A_375 = tpu.memref_slice %arg10[%dma_wait3A_370, %dma_wait3A_374] : memref<16x128xi32, #tpu.memory_space<vmem>> -> memref<1x128xi32, #tpu.memory_space<vmem>>
    %dma_wait3A_376 = tpu.memref_squeeze %dma_wait3A_375 : memref<1x128xi32, #tpu.memory_space<vmem>> -> memref<128xi32, #tpu.memory_space<vmem>>
    %dma_wait3A_377 = arith.constant 0 : i32
    %dma_wait3A_378 = arith.constant 0 : i32
    %dma_wait3A_379 = tpu.memref_slice %arg2[%dma_wait3A_377, %dma_wait3A_378] : memref<65568x128xf32, #tpu.memory_space<hbm>> -> memref<65568x128xf32, #tpu.memory_space<hbm>>
    tpu.wait_indirect_dma semaphore(%arg13 : memref<!tpu.dma_semaphore, #tpu.memory_space<semaphore_mem>>) src(%dma_wait3A_379 : memref<65568x128xf32, #tpu.memory_space<hbm>>) dst(%dma_wait3A_373 : memref<128x128xf32, #tpu.memory_space<vmem>>)
    %scan3A_380 = arith.constant 0 : i32
    %scan3A_381 = arith.constant 0 : i32
    %scan3A_382 = arith.constant 32 : i32
    %scan3A_383 = arith.addi %scan3A_381, %scan3A_382 : i32
    %scan3A_384 = arith.constant 1 : i32
    scf.for %scan3A_445 = %scan3A_381 to %scan3A_383 step %scan3A_384  : i32 {
      %scan3A_446 = arith.constant 0 : i32
      %scan3A_447 = arith.constant 0 : i32
      %scan3A_448 = arith.constant 8 : i32
      %scan3A_449 = arith.addi %scan3A_447, %scan3A_448 : i32
      %scan3A_450 = arith.constant 1 : i32
      scf.for %scan3A_452 = %scan3A_447 to %scan3A_449 step %scan3A_450  : i32 {
        %mul3A_453 = arith.constant 16 : i32
        %mul3A_454 = arith.muli %scan3A_452, %mul3A_453 : i32
        %get3A = arith.index_cast %scan3A_445 : i32 to index
        %get3A_455 = arith.index_cast %mul3A_454 : i32 to index
        %get3A_456 = tpu.vector_load %arg12[%get3A, %get3A_455] {strides = array<i32>} : memref<32x128xf32, #tpu.memory_space<vmem>>, vector<1x16xf32>,
        %get3A_457 = vector.shape_cast %get3A_456 : vector<1x16xf32> to vector<16xf32>
        %scan3A_458 = arith.constant 0 : i32
        %scan3A_459 = arith.constant 0 : i32
        %scan3A_460 = arith.constant 8 : i32
        %scan3A_461 = arith.addi %scan3A_459, %scan3A_460 : i32
        %scan3A_462 = arith.constant 4 : i32
        scf.for %scan3A_464 = %scan3A_459 to %scan3A_461 step %scan3A_462  : i32 {
          %mul3A_465 = arith.constant 32 : i32
          %mul3A_466 = arith.muli %scan3A_464, %mul3A_465 : i32
          %add3A_467 = arith.addi %scan3A_445, %mul3A_466 : i32
          %get3A_468 = arith.index_cast %add3A_467 : i32 to index
          %get3A_469 = arith.index_cast %mul3A_454 : i32 to index
          %get3A_470 = tpu.vector_load %arg7[%get3A_468, %get3A_469] {strides = array<i32>} : memref<256x128xf32, #tpu.memory_space<vmem>>, vector<1x16xf32>,
          %get3A_471 = vector.shape_cast %get3A_470 : vector<1x16xf32> to vector<16xf32>
          %add3A_472 = arith.addf %get3A_471, %get3A_457 : vector<16xf32>
          %mul3A_473 = arith.constant 32 : i32
          %mul3A_474 = arith.muli %scan3A_464, %mul3A_473 : i32
          %add3A_475 = arith.addi %scan3A_445, %mul3A_474 : i32
          %swap3A = arith.index_cast %add3A_475 : i32 to index
          %swap3A_476 = arith.index_cast %mul3A_454 : i32 to index
          %swap3A_477 = tpu.vector_load %arg7[%swap3A, %swap3A_476] {strides = array<i32>} : memref<256x128xf32, #tpu.memory_space<vmem>>, vector<1x16xf32>,
          %swap3A_478 = vector.shape_cast %swap3A_477 : vector<1x16xf32> to vector<16xf32>
          %swap3A_479 = vector.shape_cast %add3A_472 : vector<16xf32> to vector<1x16xf32>
          tpu.vector_store %arg7[%swap3A, %swap3A_476], %swap3A_479 {strides = array<i32>} : memref<256x128xf32, #tpu.memory_space<vmem>>, vector<1x16xf32>,
          %scan3A_480 = arith.constant 1 : i32
          %scan3A_481 = arith.addi %scan3A_464, %scan3A_480 : i32
          %mul3A_482 = arith.constant 32 : i32
          %mul3A_483 = arith.muli %scan3A_481, %mul3A_482 : i32
          %add3A_484 = arith.addi %scan3A_445, %mul3A_483 : i32
          %get3A_485 = arith.index_cast %add3A_484 : i32 to index
          %get3A_486 = arith.index_cast %mul3A_454 : i32 to index
          %get3A_487 = tpu.vector_load %arg7[%get3A_485, %get3A_486] {strides = array<i32>} : memref<256x128xf32, #tpu.memory_space<vmem>>, vector<1x16xf32>,
          %get3A_488 = vector.shape_cast %get3A_487 : vector<1x16xf32> to vector<16xf32>
          %add3A_489 = arith.addf %get3A_488, %get3A_457 : vector<16xf32>
          %mul3A_490 = arith.constant 32 : i32
          %mul3A_491 = arith.muli %scan3A_481, %mul3A_490 : i32
          %add3A_492 = arith.addi %scan3A_445, %mul3A_491 : i32
          %swap3A_493 = arith.index_cast %add3A_492 : i32 to index
          %swap3A_494 = arith.index_cast %mul3A_454 : i32 to index
          %swap3A_495 = tpu.vector_load %arg7[%swap3A_493, %swap3A_494] {strides = array<i32>} : memref<256x128xf32, #tpu.memory_space<vmem>>, vector<1x16xf32>,
          %swap3A_496 = vector.shape_cast %swap3A_495 : vector<1x16xf32> to vector<16xf32>
          %swap3A_497 = vector.shape_cast %add3A_489 : vector<16xf32> to vector<1x16xf32>
          tpu.vector_store %arg7[%swap3A_493, %swap3A_494], %swap3A_497 {strides = array<i32>} : memref<256x128xf32, #tpu.memory_space<vmem>>, vector<1x16xf32>,
          %scan3A_498 = arith.constant 2 : i32
          %scan3A_499 = arith.addi %scan3A_464, %scan3A_498 : i32
          %mul3A_500 = arith.constant 32 : i32
          %mul3A_501 = arith.muli %scan3A_499, %mul3A_500 : i32
          %add3A_502 = arith.addi %scan3A_445, %mul3A_501 : i32
          %get3A_503 = arith.index_cast %add3A_502 : i32 to index
          %get3A_504 = arith.index_cast %mul3A_454 : i32 to index
          %get3A_505 = tpu.vector_load %arg7[%get3A_503, %get3A_504] {strides = array<i32>} : memref<256x128xf32, #tpu.memory_space<vmem>>, vector<1x16xf32>,
          %get3A_506 = vector.shape_cast %get3A_505 : vector<1x16xf32> to vector<16xf32>
          %add3A_507 = arith.addf %get3A_506, %get3A_457 : vector<16xf32>
          %mul3A_508 = arith.constant 32 : i32
          %mul3A_509 = arith.muli %scan3A_499, %mul3A_508 : i32
          %add3A_510 = arith.addi %scan3A_445, %mul3A_509 : i32
          %swap3A_511 = arith.index_cast %add3A_510 : i32 to index
          %swap3A_512 = arith.index_cast %mul3A_454 : i32 to index
          %swap3A_513 = tpu.vector_load %arg7[%swap3A_511, %swap3A_512] {strides = array<i32>} : memref<256x128xf32, #tpu.memory_space<vmem>>, vector<1x16xf32>,
          %swap3A_514 = vector.shape_cast %swap3A_513 : vector<1x16xf32> to vector<16xf32>
          %swap3A_515 = vector.shape_cast %add3A_507 : vector<16xf32> to vector<1x16xf32>
          tpu.vector_store %arg7[%swap3A_511, %swap3A_512], %swap3A_515 {strides = array<i32>} : memref<256x128xf32, #tpu.memory_space<vmem>>, vector<1x16xf32>,
          %scan3A_516 = arith.constant 3 : i32
          %scan3A_517 = arith.addi %scan3A_464, %scan3A_516 : i32
          %mul3A_518 = arith.constant 32 : i32
          %mul3A_519 = arith.muli %scan3A_517, %mul3A_518 : i32
          %add3A_520 = arith.addi %scan3A_445, %mul3A_519 : i32
          %get3A_521 = arith.index_cast %add3A_520 : i32 to index
          %get3A_522 = arith.index_cast %mul3A_454 : i32 to index
          %get3A_523 = tpu.vector_load %arg7[%get3A_521, %get3A_522] {strides = array<i32>} : memref<256x128xf32, #tpu.memory_space<vmem>>, vector<1x16xf32>,
          %get3A_524 = vector.shape_cast %get3A_523 : vector<1x16xf32> to vector<16xf32>
          %add3A_525 = arith.addf %get3A_524, %get3A_457 : vector<16xf32>
          %mul3A_526 = arith.constant 32 : i32
          %mul3A_527 = arith.muli %scan3A_517, %mul3A_526 : i32
          %add3A_528 = arith.addi %scan3A_445, %mul3A_527 : i32
          %swap3A_529 = arith.index_cast %add3A_528 : i32 to index
          %swap3A_530 = arith.index_cast %mul3A_454 : i32 to index
          %swap3A_531 = tpu.vector_load %arg7[%swap3A_529, %swap3A_530] {strides = array<i32>} : memref<256x128xf32, #tpu.memory_space<vmem>>, vector<1x16xf32>,
          %swap3A_532 = vector.shape_cast %swap3A_531 : vector<1x16xf32> to vector<16xf32>
          %swap3A_533 = vector.shape_cast %add3A_525 : vector<16xf32> to vector<1x16xf32>
          tpu.vector_store %arg7[%swap3A_529, %swap3A_530], %swap3A_533 {strides = array<i32>} : memref<256x128xf32, #tpu.memory_space<vmem>>, vector<1x16xf32>,
        }
        %scan3A_463 = arith.constant 8 : i32
      }
      %scan3A_451 = arith.constant 8 : i32
    }
    %scan3A_385 = arith.constant 32 : i32
    %add3A_386 = arith.constant 192 : i32
    %add3A_387 = arith.addi %add3A, %add3A_386 : i32
    %mul3A_388 = arith.constant 256 : i32
    %mul3A_389 = arith.muli %add3A_387, %mul3A_388 : i32
    %dma_start3A_390 = arith.constant 0 : i32
    %dma_start3A_391 = tpu.memref_slice %arg6[%mul3A_389, %dma_start3A_390] : memref<65568x128xf32, #tpu.memory_space<hbm>> -> memref<256x128xf32, #tpu.memory_space<hbm>>
    %dma_start3A_392 = arith.constant 0 : i32
    %dma_start3A_393 = tpu.memref_slice %arg6[%mul3A_389, %dma_start3A_392] : memref<65568x128xf32, #tpu.memory_space<hbm>> -> memref<256x128xf32, #tpu.memory_space<hbm>>
    tpu.enqueue_dma source(%arg7 : memref<256x128xf32, #tpu.memory_space<vmem>>) target(%dma_start3A_393 : memref<256x128xf32, #tpu.memory_space<hbm>>) target_semaphore(%arg16 : memref<!tpu.dma_semaphore, #tpu.memory_space<semaphore_mem>>)
    %dma_wait3A_394 = arith.constant 14 : i32
    %dma_wait3A_395 = arith.constant 0 : i32
    %dma_wait3A_396 = arith.constant 0 : i32
    %dma_wait3A_397 = tpu.memref_slice %arg8[%dma_wait3A_395, %dma_wait3A_396] : memref<256x128xf32, #tpu.memory_space<vmem>> -> memref<128x128xf32, #tpu.memory_space<vmem>>
    %dma_wait3A_398 = arith.constant 0 : i32
    %dma_wait3A_399 = tpu.memref_slice %arg10[%dma_wait3A_394, %dma_wait3A_398] : memref<16x128xi32, #tpu.memory_space<vmem>> -> memref<1x128xi32, #tpu.memory_space<vmem>>
    %dma_wait3A_400 = tpu.memref_squeeze %dma_wait3A_399 : memref<1x128xi32, #tpu.memory_space<vmem>> -> memref<128xi32, #tpu.memory_space<vmem>>
    %dma_wait3A_401 = arith.constant 0 : i32
    %dma_wait3A_402 = arith.constant 0 : i32
    %dma_wait3A_403 = tpu.memref_slice %arg2[%dma_wait3A_401, %dma_wait3A_402] : memref<65568x128xf32, #tpu.memory_space<hbm>> -> memref<65568x128xf32, #tpu.memory_space<hbm>>
    tpu.wait_indirect_dma semaphore(%arg14 : memref<!tpu.dma_semaphore, #tpu.memory_space<semaphore_mem>>) src(%dma_wait3A_403 : memref<65568x128xf32, #tpu.memory_space<hbm>>) dst(%dma_wait3A_397 : memref<128x128xf32, #tpu.memory_space<vmem>>)
    %dma_wait3A_404 = arith.constant 15 : i32
    %dma_wait3A_405 = arith.constant 128 : i32
    %dma_wait3A_406 = arith.constant 0 : i32
    %dma_wait3A_407 = tpu.memref_slice %arg8[%dma_wait3A_405, %dma_wait3A_406] : memref<256x128xf32, #tpu.memory_space<vmem>> -> memref<128x128xf32, #tpu.memory_space<vmem>>
    %dma_wait3A_408 = arith.constant 0 : i32
    %dma_wait3A_409 = tpu.memref_slice %arg10[%dma_wait3A_404, %dma_wait3A_408] : memref<16x128xi32, #tpu.memory_space<vmem>> -> memref<1x128xi32, #tpu.memory_space<vmem>>
    %dma_wait3A_410 = tpu.memref_squeeze %dma_wait3A_409 : memref<1x128xi32, #tpu.memory_space<vmem>> -> memref<128xi32, #tpu.memory_space<vmem>>
    %dma_wait3A_411 = arith.constant 0 : i32
    %dma_wait3A_412 = arith.constant 0 : i32
    %dma_wait3A_413 = tpu.memref_slice %arg2[%dma_wait3A_411, %dma_wait3A_412] : memref<65568x128xf32, #tpu.memory_space<hbm>> -> memref<65568x128xf32, #tpu.memory_space<hbm>>
    tpu.wait_indirect_dma semaphore(%arg14 : memref<!tpu.dma_semaphore, #tpu.memory_space<semaphore_mem>>) src(%dma_wait3A_413 : memref<65568x128xf32, #tpu.memory_space<hbm>>) dst(%dma_wait3A_407 : memref<128x128xf32, #tpu.memory_space<vmem>>)
    %scan3A_414 = arith.constant 0 : i32
    %scan3A_415 = arith.constant 0 : i32
    %scan3A_416 = arith.constant 32 : i32
    %scan3A_417 = arith.addi %scan3A_415, %scan3A_416 : i32
    %scan3A_418 = arith.constant 1 : i32
    scf.for %scan3A_445 = %scan3A_415 to %scan3A_417 step %scan3A_418  : i32 {
      %scan3A_446 = arith.constant 0 : i32
      %scan3A_447 = arith.constant 0 : i32
      %scan3A_448 = arith.constant 8 : i32
      %scan3A_449 = arith.addi %scan3A_447, %scan3A_448 : i32
      %scan3A_450 = arith.constant 1 : i32
      scf.for %scan3A_452 = %scan3A_447 to %scan3A_449 step %scan3A_450  : i32 {
        %mul3A_453 = arith.constant 16 : i32
        %mul3A_454 = arith.muli %scan3A_452, %mul3A_453 : i32
        %get3A = arith.index_cast %scan3A_445 : i32 to index
        %get3A_455 = arith.index_cast %mul3A_454 : i32 to index
        %get3A_456 = tpu.vector_load %arg12[%get3A, %get3A_455] {strides = array<i32>} : memref<32x128xf32, #tpu.memory_space<vmem>>, vector<1x16xf32>,
        %get3A_457 = vector.shape_cast %get3A_456 : vector<1x16xf32> to vector<16xf32>
        %scan3A_458 = arith.constant 0 : i32
        %scan3A_459 = arith.constant 0 : i32
        %scan3A_460 = arith.constant 8 : i32
        %scan3A_461 = arith.addi %scan3A_459, %scan3A_460 : i32
        %scan3A_462 = arith.constant 4 : i32
        scf.for %scan3A_464 = %scan3A_459 to %scan3A_461 step %scan3A_462  : i32 {
          %mul3A_465 = arith.constant 32 : i32
          %mul3A_466 = arith.muli %scan3A_464, %mul3A_465 : i32
          %add3A_467 = arith.addi %scan3A_445, %mul3A_466 : i32
          %get3A_468 = arith.index_cast %add3A_467 : i32 to index
          %get3A_469 = arith.index_cast %mul3A_454 : i32 to index
          %get3A_470 = tpu.vector_load %arg8[%get3A_468, %get3A_469] {strides = array<i32>} : memref<256x128xf32, #tpu.memory_space<vmem>>, vector<1x16xf32>,
          %get3A_471 = vector.shape_cast %get3A_470 : vector<1x16xf32> to vector<16xf32>
          %add3A_472 = arith.addf %get3A_471, %get3A_457 : vector<16xf32>
          %mul3A_473 = arith.constant 32 : i32
          %mul3A_474 = arith.muli %scan3A_464, %mul3A_473 : i32
          %add3A_475 = arith.addi %scan3A_445, %mul3A_474 : i32
          %swap3A = arith.index_cast %add3A_475 : i32 to index
          %swap3A_476 = arith.index_cast %mul3A_454 : i32 to index
          %swap3A_477 = tpu.vector_load %arg8[%swap3A, %swap3A_476] {strides = array<i32>} : memref<256x128xf32, #tpu.memory_space<vmem>>, vector<1x16xf32>,
          %swap3A_478 = vector.shape_cast %swap3A_477 : vector<1x16xf32> to vector<16xf32>
          %swap3A_479 = vector.shape_cast %add3A_472 : vector<16xf32> to vector<1x16xf32>
          tpu.vector_store %arg8[%swap3A, %swap3A_476], %swap3A_479 {strides = array<i32>} : memref<256x128xf32, #tpu.memory_space<vmem>>, vector<1x16xf32>,
          %scan3A_480 = arith.constant 1 : i32
          %scan3A_481 = arith.addi %scan3A_464, %scan3A_480 : i32
          %mul3A_482 = arith.constant 32 : i32
          %mul3A_483 = arith.muli %scan3A_481, %mul3A_482 : i32
          %add3A_484 = arith.addi %scan3A_445, %mul3A_483 : i32
          %get3A_485 = arith.index_cast %add3A_484 : i32 to index
          %get3A_486 = arith.index_cast %mul3A_454 : i32 to index
          %get3A_487 = tpu.vector_load %arg8[%get3A_485, %get3A_486] {strides = array<i32>} : memref<256x128xf32, #tpu.memory_space<vmem>>, vector<1x16xf32>,
          %get3A_488 = vector.shape_cast %get3A_487 : vector<1x16xf32> to vector<16xf32>
          %add3A_489 = arith.addf %get3A_488, %get3A_457 : vector<16xf32>
          %mul3A_490 = arith.constant 32 : i32
          %mul3A_491 = arith.muli %scan3A_481, %mul3A_490 : i32
          %add3A_492 = arith.addi %scan3A_445, %mul3A_491 : i32
          %swap3A_493 = arith.index_cast %add3A_492 : i32 to index
          %swap3A_494 = arith.index_cast %mul3A_454 : i32 to index
          %swap3A_495 = tpu.vector_load %arg8[%swap3A_493, %swap3A_494] {strides = array<i32>} : memref<256x128xf32, #tpu.memory_space<vmem>>, vector<1x16xf32>,
          %swap3A_496 = vector.shape_cast %swap3A_495 : vector<1x16xf32> to vector<16xf32>
          %swap3A_497 = vector.shape_cast %add3A_489 : vector<16xf32> to vector<1x16xf32>
          tpu.vector_store %arg8[%swap3A_493, %swap3A_494], %swap3A_497 {strides = array<i32>} : memref<256x128xf32, #tpu.memory_space<vmem>>, vector<1x16xf32>,
          %scan3A_498 = arith.constant 2 : i32
          %scan3A_499 = arith.addi %scan3A_464, %scan3A_498 : i32
          %mul3A_500 = arith.constant 32 : i32
          %mul3A_501 = arith.muli %scan3A_499, %mul3A_500 : i32
          %add3A_502 = arith.addi %scan3A_445, %mul3A_501 : i32
          %get3A_503 = arith.index_cast %add3A_502 : i32 to index
          %get3A_504 = arith.index_cast %mul3A_454 : i32 to index
          %get3A_505 = tpu.vector_load %arg8[%get3A_503, %get3A_504] {strides = array<i32>} : memref<256x128xf32, #tpu.memory_space<vmem>>, vector<1x16xf32>,
          %get3A_506 = vector.shape_cast %get3A_505 : vector<1x16xf32> to vector<16xf32>
          %add3A_507 = arith.addf %get3A_506, %get3A_457 : vector<16xf32>
          %mul3A_508 = arith.constant 32 : i32
          %mul3A_509 = arith.muli %scan3A_499, %mul3A_508 : i32
          %add3A_510 = arith.addi %scan3A_445, %mul3A_509 : i32
          %swap3A_511 = arith.index_cast %add3A_510 : i32 to index
          %swap3A_512 = arith.index_cast %mul3A_454 : i32 to index
          %swap3A_513 = tpu.vector_load %arg8[%swap3A_511, %swap3A_512] {strides = array<i32>} : memref<256x128xf32, #tpu.memory_space<vmem>>, vector<1x16xf32>,
          %swap3A_514 = vector.shape_cast %swap3A_513 : vector<1x16xf32> to vector<16xf32>
          %swap3A_515 = vector.shape_cast %add3A_507 : vector<16xf32> to vector<1x16xf32>
          tpu.vector_store %arg8[%swap3A_511, %swap3A_512], %swap3A_515 {strides = array<i32>} : memref<256x128xf32, #tpu.memory_space<vmem>>, vector<1x16xf32>,
          %scan3A_516 = arith.constant 3 : i32
          %scan3A_517 = arith.addi %scan3A_464, %scan3A_516 : i32
          %mul3A_518 = arith.constant 32 : i32
          %mul3A_519 = arith.muli %scan3A_517, %mul3A_518 : i32
          %add3A_520 = arith.addi %scan3A_445, %mul3A_519 : i32
          %get3A_521 = arith.index_cast %add3A_520 : i32 to index
          %get3A_522 = arith.index_cast %mul3A_454 : i32 to index
          %get3A_523 = tpu.vector_load %arg8[%get3A_521, %get3A_522] {strides = array<i32>} : memref<256x128xf32, #tpu.memory_space<vmem>>, vector<1x16xf32>,
          %get3A_524 = vector.shape_cast %get3A_523 : vector<1x16xf32> to vector<16xf32>
          %add3A_525 = arith.addf %get3A_524, %get3A_457 : vector<16xf32>
          %mul3A_526 = arith.constant 32 : i32
          %mul3A_527 = arith.muli %scan3A_517, %mul3A_526 : i32
          %add3A_528 = arith.addi %scan3A_445, %mul3A_527 : i32
          %swap3A_529 = arith.index_cast %add3A_528 : i32 to index
          %swap3A_530 = arith.index_cast %mul3A_454 : i32 to index
          %swap3A_531 = tpu.vector_load %arg8[%swap3A_529, %swap3A_530] {strides = array<i32>} : memref<256x128xf32, #tpu.memory_space<vmem>>, vector<1x16xf32>,
          %swap3A_532 = vector.shape_cast %swap3A_531 : vector<1x16xf32> to vector<16xf32>
          %swap3A_533 = vector.shape_cast %add3A_525 : vector<16xf32> to vector<1x16xf32>
          tpu.vector_store %arg8[%swap3A_529, %swap3A_530], %swap3A_533 {strides = array<i32>} : memref<256x128xf32, #tpu.memory_space<vmem>>, vector<1x16xf32>,
        }
        %scan3A_463 = arith.constant 8 : i32
      }
      %scan3A_451 = arith.constant 8 : i32
    }
    %scan3A_419 = arith.constant 32 : i32
    %add3A_420 = arith.constant 224 : i32
    %add3A_421 = arith.addi %add3A, %add3A_420 : i32
    %mul3A_422 = arith.constant 256 : i32
    %mul3A_423 = arith.muli %add3A_421, %mul3A_422 : i32
    %dma_start3A_424 = arith.constant 0 : i32
    %dma_start3A_425 = tpu.memref_slice %arg6[%mul3A_423, %dma_start3A_424] : memref<65568x128xf32, #tpu.memory_space<hbm>> -> memref<256x128xf32, #tpu.memory_space<hbm>>
    %dma_start3A_426 = arith.constant 0 : i32
    %dma_start3A_427 = tpu.memref_slice %arg6[%mul3A_423, %dma_start3A_426] : memref<65568x128xf32, #tpu.memory_space<hbm>> -> memref<256x128xf32, #tpu.memory_space<hbm>>
    tpu.enqueue_dma source(%arg8 : memref<256x128xf32, #tpu.memory_space<vmem>>) target(%dma_start3A_427 : memref<256x128xf32, #tpu.memory_space<hbm>>) target_semaphore(%arg17 : memref<!tpu.dma_semaphore, #tpu.memory_space<semaphore_mem>>)
    %dma_wait3A_428 = arith.constant 0 : i32
    %dma_wait3A_429 = tpu.memref_slice %arg6[%mul3A_355, %dma_wait3A_428] : memref<65568x128xf32, #tpu.memory_space<hbm>> -> memref<256x128xf32, #tpu.memory_space<hbm>>
    %dma_wait3A_430 = arith.constant 0 : i32
    %dma_wait3A_431 = tpu.memref_slice %arg6[%mul3A_355, %dma_wait3A_430] : memref<65568x128xf32, #tpu.memory_space<hbm>> -> memref<256x128xf32, #tpu.memory_space<hbm>>
    tpu.wait_dma2 semaphore(%arg18 : memref<!tpu.dma_semaphore, #tpu.memory_space<semaphore_mem>>) src(%arg9 : memref<256x128xf32, #tpu.memory_space<vmem>>) dst(%dma_wait3A_431 : memref<256x128xf32, #tpu.memory_space<hbm>>)
    %dma_wait3A_432 = arith.constant 0 : i32
    %dma_wait3A_433 = tpu.memref_slice %arg6[%mul3A_389, %dma_wait3A_432] : memref<65568x128xf32, #tpu.memory_space<hbm>> -> memref<256x128xf32, #tpu.memory_space<hbm>>
    %dma_wait3A_434 = arith.constant 0 : i32
    %dma_wait3A_435 = tpu.memref_slice %arg6[%mul3A_389, %dma_wait3A_434] : memref<65568x128xf32, #tpu.memory_space<hbm>> -> memref<256x128xf32, #tpu.memory_space<hbm>>
    tpu.wait_dma2 semaphore(%arg16 : memref<!tpu.dma_semaphore, #tpu.memory_space<semaphore_mem>>) src(%arg7 : memref<256x128xf32, #tpu.memory_space<vmem>>) dst(%dma_wait3A_435 : memref<256x128xf32, #tpu.memory_space<hbm>>)
    %dma_wait3A_436 = arith.constant 0 : i32
    %dma_wait3A_437 = tpu.memref_slice %arg6[%mul3A_423, %dma_wait3A_436] : memref<65568x128xf32, #tpu.memory_space<hbm>> -> memref<256x128xf32, #tpu.memory_space<hbm>>
    %dma_wait3A_438 = arith.constant 0 : i32
    %dma_wait3A_439 = tpu.memref_slice %arg6[%mul3A_423, %dma_wait3A_438] : memref<65568x128xf32, #tpu.memory_space<hbm>> -> memref<256x128xf32, #tpu.memory_space<hbm>>
    tpu.wait_dma2 semaphore(%arg17 : memref<!tpu.dma_semaphore, #tpu.memory_space<semaphore_mem>>) src(%arg8 : memref<256x128xf32, #tpu.memory_space<vmem>>) dst(%dma_wait3A_439 : memref<256x128xf32, #tpu.memory_space<hbm>>)
    %eq3A_440 = arith.constant 31 : i32
    %eq3A_441 = arith.cmpi eq, %add3A, %eq3A_440 : i32
    %convert_element_type3A_442 = arith.extui %eq3A_441 : i1 to i32
    %cond3A_443 = arith.constant 0 : i32
    %cond3A_444 = arith.cmpi ne, %convert_element_type3A_442, %cond3A_443 : i32
    scf.if %cond3A_444 {
      "tpu.region"() ({
        %run_scoped3A = tpu.sem_alloc : memref<!tpu.dma_semaphore, #tpu.memory_space<semaphore_mem>>
        tpu.enqueue_dma source(%arg4 : memref<1x32xi32, #tpu.memory_space<hbm>>) target(%arg11 : memref<1x32xi32, #tpu.memory_space<vmem>>) target_semaphore(%run_scoped3A : memref<!tpu.dma_semaphore, #tpu.memory_space<semaphore_mem>>)
        tpu.wait_dma2 semaphore(%run_scoped3A : memref<!tpu.dma_semaphore, #tpu.memory_space<semaphore_mem>>) src(%arg4 : memref<1x32xi32, #tpu.memory_space<hbm>>) dst(%arg11 : memref<1x32xi32, #tpu.memory_space<vmem>>)
        tpu.yield
      }) : () -> ()
      %dma_start3A_445 = arith.constant 0 : i32
      %dma_start3A_446 = arith.constant 0 : i32
      %dma_start3A_447 = arith.constant 0 : i32
      %dma_start3A_448 = tpu.memref_slice %arg7[%dma_start3A_446, %dma_start3A_447] : memref<256x128xf32, #tpu.memory_space<vmem>> -> memref<32x128xf32, #tpu.memory_space<vmem>>
      %dma_start3A_449 = arith.constant 0 : i32
      %dma_start3A_450 = tpu.memref_slice %arg11[%dma_start3A_445, %dma_start3A_449] : memref<1x32xi32, #tpu.memory_space<vmem>> -> memref<1x32xi32, #tpu.memory_space<vmem>>
      %dma_start3A_451 = tpu.memref_squeeze %dma_start3A_450 : memref<1x32xi32, #tpu.memory_space<vmem>> -> memref<32xi32, #tpu.memory_space<vmem>>
      %dma_start3A_452 = arith.constant 0 : i32
      %dma_start3A_453 = arith.constant 0 : i32
      %dma_start3A_454 = tpu.memref_slice %arg2[%dma_start3A_452, %dma_start3A_453] : memref<65568x128xf32, #tpu.memory_space<hbm>> -> memref<65568x128xf32, #tpu.memory_space<hbm>>
      tpu.enqueue_indirect_dma source(%dma_start3A_454 : memref<65568x128xf32, #tpu.memory_space<hbm>>) target(%dma_start3A_448 : memref<32x128xf32, #tpu.memory_space<vmem>>) offsets(%dma_start3A_451 : memref<32xi32, #tpu.memory_space<vmem>>) semaphore(%arg19 : memref<!tpu.dma_semaphore, #tpu.memory_space<semaphore_mem>>)
      %dma_wait3A_455 = arith.constant 0 : i32
      %dma_wait3A_456 = arith.constant 0 : i32
      %dma_wait3A_457 = arith.constant 0 : i32
      %dma_wait3A_458 = tpu.memref_slice %arg7[%dma_wait3A_456, %dma_wait3A_457] : memref<256x128xf32, #tpu.memory_space<vmem>> -> memref<32x128xf32, #tpu.memory_space<vmem>>
      %dma_wait3A_459 = arith.constant 0 : i32
      %dma_wait3A_460 = tpu.memref_slice %arg11[%dma_wait3A_455, %dma_wait3A_459] : memref<1x32xi32, #tpu.memory_space<vmem>> -> memref<1x32xi32, #tpu.memory_space<vmem>>
      %dma_wait3A_461 = tpu.memref_squeeze %dma_wait3A_460 : memref<1x32xi32, #tpu.memory_space<vmem>> -> memref<32xi32, #tpu.memory_space<vmem>>
      %dma_wait3A_462 = arith.constant 0 : i32
      %dma_wait3A_463 = arith.constant 0 : i32
      %dma_wait3A_464 = tpu.memref_slice %arg2[%dma_wait3A_462, %dma_wait3A_463] : memref<65568x128xf32, #tpu.memory_space<hbm>> -> memref<65568x128xf32, #tpu.memory_space<hbm>>
      tpu.wait_indirect_dma semaphore(%arg19 : memref<!tpu.dma_semaphore, #tpu.memory_space<semaphore_mem>>) src(%dma_wait3A_464 : memref<65568x128xf32, #tpu.memory_space<hbm>>) dst(%dma_wait3A_458 : memref<32x128xf32, #tpu.memory_space<vmem>>)
      %scan3A_465 = arith.constant 0 : i32
      %scan3A_466 = arith.constant 0 : i32
      %scan3A_467 = arith.constant 32 : i32
      %scan3A_468 = arith.addi %scan3A_466, %scan3A_467 : i32
      %scan3A_469 = arith.constant 1 : i32
      scf.for %scan3A_471 = %scan3A_466 to %scan3A_468 step %scan3A_469  : i32 {
        %scan3A_472 = arith.constant 0 : i32
        %scan3A_473 = arith.constant 0 : i32
        %scan3A_474 = arith.constant 8 : i32
        %scan3A_475 = arith.addi %scan3A_473, %scan3A_474 : i32
        %scan3A_476 = arith.constant 1 : i32
        scf.for %scan3A_478 = %scan3A_473 to %scan3A_475 step %scan3A_476  : i32 {
          %mul3A_479 = arith.constant 16 : i32
          %mul3A_480 = arith.muli %scan3A_478, %mul3A_479 : i32
          %get3A = arith.index_cast %scan3A_471 : i32 to index
          %get3A_481 = arith.index_cast %mul3A_480 : i32 to index
          %get3A_482 = tpu.vector_load %arg7[%get3A, %get3A_481] {strides = array<i32>} : memref<256x128xf32, #tpu.memory_space<vmem>>, vector<1x16xf32>,
          %get3A_483 = vector.shape_cast %get3A_482 : vector<1x16xf32> to vector<16xf32>
          %get3A_484 = arith.index_cast %scan3A_471 : i32 to index
          %get3A_485 = arith.index_cast %mul3A_480 : i32 to index
          %get3A_486 = tpu.vector_load %arg12[%get3A_484, %get3A_485] {strides = array<i32>} : memref<32x128xf32, #tpu.memory_space<vmem>>, vector<1x16xf32>,
          %get3A_487 = vector.shape_cast %get3A_486 : vector<1x16xf32> to vector<16xf32>
          %add3A_488 = arith.addf %get3A_483, %get3A_487 : vector<16xf32>
          %swap3A = arith.index_cast %scan3A_471 : i32 to index
          %swap3A_489 = arith.index_cast %mul3A_480 : i32 to index
          %swap3A_490 = tpu.vector_load %arg7[%swap3A, %swap3A_489] {strides = array<i32>} : memref<256x128xf32, #tpu.memory_space<vmem>>, vector<1x16xf32>,
          %swap3A_491 = vector.shape_cast %swap3A_490 : vector<1x16xf32> to vector<16xf32>
          %swap3A_492 = vector.shape_cast %add3A_488 : vector<16xf32> to vector<1x16xf32>
          tpu.vector_store %arg7[%swap3A, %swap3A_489], %swap3A_492 {strides = array<i32>} : memref<256x128xf32, #tpu.memory_space<vmem>>, vector<1x16xf32>,
        }
        %scan3A_477 = arith.constant 8 : i32
      }
      %scan3A_470 = arith.constant 32 : i32
      "tpu.region"() ({
        %run_scoped3A = tpu.sem_alloc : memref<!tpu.dma_semaphore, #tpu.memory_space<semaphore_mem>>
        %dma_start3A_471 = arith.constant 0 : i32
        %dma_start3A_472 = arith.constant 0 : i32
        %dma_start3A_473 = tpu.memref_slice %arg7[%dma_start3A_471, %dma_start3A_472] : memref<256x128xf32, #tpu.memory_space<vmem>> -> memref<32x128xf32, #tpu.memory_space<vmem>>
        %dma_start3A_474 = arith.constant 65536 : i32
        %dma_start3A_475 = arith.constant 0 : i32
        %dma_start3A_476 = tpu.memref_slice %arg6[%dma_start3A_474, %dma_start3A_475] : memref<65568x128xf32, #tpu.memory_space<hbm>> -> memref<32x128xf32, #tpu.memory_space<hbm>>
        %dma_start3A_477 = arith.constant 65536 : i32
        %dma_start3A_478 = arith.constant 0 : i32
        %dma_start3A_479 = tpu.memref_slice %arg6[%dma_start3A_477, %dma_start3A_478] : memref<65568x128xf32, #tpu.memory_space<hbm>> -> memref<32x128xf32, #tpu.memory_space<hbm>>
        %dma_start3A_480 = arith.constant 0 : i32
        %dma_start3A_481 = arith.constant 0 : i32
        %dma_start3A_482 = tpu.memref_slice %arg7[%dma_start3A_480, %dma_start3A_481] : memref<256x128xf32, #tpu.memory_space<vmem>> -> memref<32x128xf32, #tpu.memory_space<vmem>>
        tpu.enqueue_dma source(%dma_start3A_482 : memref<32x128xf32, #tpu.memory_space<vmem>>) target(%dma_start3A_479 : memref<32x128xf32, #tpu.memory_space<hbm>>) target_semaphore(%run_scoped3A : memref<!tpu.dma_semaphore, #tpu.memory_space<semaphore_mem>>)
        %dma_wait3A_483 = arith.constant 0 : i32
        %dma_wait3A_484 = arith.constant 0 : i32
        %dma_wait3A_485 = tpu.memref_slice %arg7[%dma_wait3A_483, %dma_wait3A_484] : memref<256x128xf32, #tpu.memory_space<vmem>> -> memref<32x128xf32, #tpu.memory_space<vmem>>
        %dma_wait3A_486 = arith.constant 65536 : i32
        %dma_wait3A_487 = arith.constant 0 : i32
        %dma_wait3A_488 = tpu.memref_slice %arg6[%dma_wait3A_486, %dma_wait3A_487] : memref<65568x128xf32, #tpu.memory_space<hbm>> -> memref<32x128xf32, #tpu.memory_space<hbm>>
        %dma_wait3A_489 = arith.constant 65536 : i32
        %dma_wait3A_490 = arith.constant 0 : i32
        %dma_wait3A_491 = tpu.memref_slice %arg6[%dma_wait3A_489, %dma_wait3A_490] : memref<65568x128xf32, #tpu.memory_space<hbm>> -> memref<32x128xf32, #tpu.memory_space<hbm>>
        %dma_wait3A_492 = arith.constant 0 : i32
        %dma_wait3A_493 = arith.constant 0 : i32
        %dma_wait3A_494 = tpu.memref_slice %arg7[%dma_wait3A_492, %dma_wait3A_493] : memref<256x128xf32, #tpu.memory_space<vmem>> -> memref<32x128xf32, #tpu.memory_space<vmem>>
        tpu.wait_dma2 semaphore(%run_scoped3A : memref<!tpu.dma_semaphore, #tpu.memory_space<semaphore_mem>>) src(%dma_wait3A_494 : memref<32x128xf32, #tpu.memory_space<vmem>>) dst(%dma_wait3A_491 : memref<32x128xf32, #tpu.memory_space<hbm>>)
        tpu.yield
      }) : () -> ()
    } else {
    }
    return
  }
}

module attributes {stable_mosaic.version = 14 : i64} {
  func.func @_prep_body(%arg0: i32, %arg1: memref<1x1x2048xf32, #tpu.memory_space<vmem>>, %arg2: memref<1x2048x1xf32, #tpu.memory_space<vmem>>, %arg3: memref<1x2049x1024xf32, #tpu.memory_space<vmem>>, %arg4: memref<1x1x2048xi32, #tpu.memory_space<vmem>>, %arg5: memref<1x1x1024xf32, #tpu.memory_space<vmem>>) attributes {dimension_semantics = [#tpu.dimension_semantics<arbitrary>], iteration_bounds = array<i64: 4>, scalar_prefetch = 0 : i64, scratch_operands = 0 : i64, tpu.core_type = #tpu.core_type<tc>, window_params = [{transform_indices = @transform_0, window_bounds = array<i64: 1, 1, 2048>}, {transform_indices = @transform_1, window_bounds = array<i64: 1, 2048, 1>}, {transform_indices = @transform_2, window_bounds = array<i64: 1, 2049, 1024>}, {transform_indices = @transform_3, window_bounds = array<i64: 1, 1, 2048>}, {transform_indices = @transform_4, window_bounds = array<i64: 1, 1, 1024>}]} {
    %get3A = arith.constant 0 : index
    %get3A_0 = arith.constant 0 : index
    %get3A_1 = arith.constant 0 : index
    %get3A_2 = vector.load %arg1[%get3A, %get3A_0, %get3A_1] : memref<1x1x2048xf32, #tpu.memory_space<vmem>>, vector<1x1x2048xf32>
    %get3A_3 = vector.shape_cast %get3A_2 : vector<1x1x2048xf32> to vector<1x2048xf32>
    %get3A_4 = arith.constant 0 : index
    %get3A_5 = arith.constant 0 : index
    %get3A_6 = arith.constant 0 : index
    %get3A_7 = vector.load %arg2[%get3A_4, %get3A_5, %get3A_6] : memref<1x2048x1xf32, #tpu.memory_space<vmem>>, vector<1x2048x1xf32>
    %get3A_8 = vector.shape_cast %get3A_7 : vector<1x2048x1xf32> to vector<2048x1xf32>
    %iota3A = tpu.iota {dimensions = array<i32: 1>} : vector<1x2048xi32>
    %slice3A = vector.extract_strided_slice %get3A_8 {offsets = [0, 0], sizes = [256, 1], strides = [1, 1]} : vector<2048x1xf32> to vector<256x1xf32>
    %iota3A_9 = tpu.iota {dimensions = array<i32: 0>} : vector<256x1xi32>
    %add3A = arith.constant 0 : i32
    %add3A_10 = vector.broadcast %add3A : i32 to vector<256x1xi32>
    %add3A_11 = arith.addi %iota3A_9, %add3A_10 : vector<256x1xi32>
    %gt3A = vector.broadcast %get3A_3 : vector<1x2048xf32> to vector<256x2048xf32>
    %gt3A_12 = vector.broadcast %slice3A : vector<256x1xf32> to vector<256x2048xf32>
    %gt3A_13 = arith.cmpf ogt, %gt3A, %gt3A_12 : vector<256x2048xf32>
    %eq3A = vector.broadcast %get3A_3 : vector<1x2048xf32> to vector<256x2048xf32>
    %eq3A_14 = vector.broadcast %slice3A : vector<256x1xf32> to vector<256x2048xf32>
    %eq3A_15 = arith.cmpf oeq, %eq3A, %eq3A_14 : vector<256x2048xf32>
    %lt3A = vector.broadcast %iota3A : vector<1x2048xi32> to vector<256x2048xi32>
    %lt3A_16 = vector.broadcast %add3A_11 : vector<256x1xi32> to vector<256x2048xi32>
    %lt3A_17 = arith.cmpi slt, %lt3A, %lt3A_16 : vector<256x2048xi32>
    %and3A = arith.andi %eq3A_15, %lt3A_17 : vector<256x2048xi1>
    %or3A = arith.ori %gt3A_13, %and3A : vector<256x2048xi1>
    %convert_element_type3A = arith.extui %or3A : vector<256x2048xi1> to vector<256x2048xi32>
    %convert_element_type3A_18 = arith.sitofp %convert_element_type3A : vector<256x2048xi32> to vector<256x2048xf32>
    %reduce_sum3A = arith.constant dense<0.000000e+00> : vector<256xf32>
    %reduce_sum3A_19 = vector.multi_reduction <add>, %convert_element_type3A_18, %reduce_sum3A [1] : vector<256x2048xf32> to vector<256xf32>
    %broadcast_in_dim3A = vector.shape_cast %reduce_sum3A_19 : vector<256xf32> to vector<256x1xf32>
    %slice3A_20 = vector.extract_strided_slice %get3A_8 {offsets = [256, 0], sizes = [256, 1], strides = [1, 1]} : vector<2048x1xf32> to vector<256x1xf32>
    %iota3A_21 = tpu.iota {dimensions = array<i32: 0>} : vector<256x1xi32>
    %add3A_22 = arith.constant 256 : i32
    %add3A_23 = vector.broadcast %add3A_22 : i32 to vector<256x1xi32>
    %add3A_24 = arith.addi %iota3A_21, %add3A_23 : vector<256x1xi32>
    %gt3A_25 = vector.broadcast %get3A_3 : vector<1x2048xf32> to vector<256x2048xf32>
    %gt3A_26 = vector.broadcast %slice3A_20 : vector<256x1xf32> to vector<256x2048xf32>
    %gt3A_27 = arith.cmpf ogt, %gt3A_25, %gt3A_26 : vector<256x2048xf32>
    %eq3A_28 = vector.broadcast %get3A_3 : vector<1x2048xf32> to vector<256x2048xf32>
    %eq3A_29 = vector.broadcast %slice3A_20 : vector<256x1xf32> to vector<256x2048xf32>
    %eq3A_30 = arith.cmpf oeq, %eq3A_28, %eq3A_29 : vector<256x2048xf32>
    %lt3A_31 = vector.broadcast %iota3A : vector<1x2048xi32> to vector<256x2048xi32>
    %lt3A_32 = vector.broadcast %add3A_24 : vector<256x1xi32> to vector<256x2048xi32>
    %lt3A_33 = arith.cmpi slt, %lt3A_31, %lt3A_32 : vector<256x2048xi32>
    %and3A_34 = arith.andi %eq3A_30, %lt3A_33 : vector<256x2048xi1>
    %or3A_35 = arith.ori %gt3A_27, %and3A_34 : vector<256x2048xi1>
    %convert_element_type3A_36 = arith.extui %or3A_35 : vector<256x2048xi1> to vector<256x2048xi32>
    %convert_element_type3A_37 = arith.sitofp %convert_element_type3A_36 : vector<256x2048xi32> to vector<256x2048xf32>
    %reduce_sum3A_38 = arith.constant dense<0.000000e+00> : vector<256xf32>
    %reduce_sum3A_39 = vector.multi_reduction <add>, %convert_element_type3A_37, %reduce_sum3A_38 [1] : vector<256x2048xf32> to vector<256xf32>
    %broadcast_in_dim3A_40 = vector.shape_cast %reduce_sum3A_39 : vector<256xf32> to vector<256x1xf32>
    %slice3A_41 = vector.extract_strided_slice %get3A_8 {offsets = [512, 0], sizes = [256, 1], strides = [1, 1]} : vector<2048x1xf32> to vector<256x1xf32>
    %iota3A_42 = tpu.iota {dimensions = array<i32: 0>} : vector<256x1xi32>
    %add3A_43 = arith.constant 512 : i32
    %add3A_44 = vector.broadcast %add3A_43 : i32 to vector<256x1xi32>
    %add3A_45 = arith.addi %iota3A_42, %add3A_44 : vector<256x1xi32>
    %gt3A_46 = vector.broadcast %get3A_3 : vector<1x2048xf32> to vector<256x2048xf32>
    %gt3A_47 = vector.broadcast %slice3A_41 : vector<256x1xf32> to vector<256x2048xf32>
    %gt3A_48 = arith.cmpf ogt, %gt3A_46, %gt3A_47 : vector<256x2048xf32>
    %eq3A_49 = vector.broadcast %get3A_3 : vector<1x2048xf32> to vector<256x2048xf32>
    %eq3A_50 = vector.broadcast %slice3A_41 : vector<256x1xf32> to vector<256x2048xf32>
    %eq3A_51 = arith.cmpf oeq, %eq3A_49, %eq3A_50 : vector<256x2048xf32>
    %lt3A_52 = vector.broadcast %iota3A : vector<1x2048xi32> to vector<256x2048xi32>
    %lt3A_53 = vector.broadcast %add3A_45 : vector<256x1xi32> to vector<256x2048xi32>
    %lt3A_54 = arith.cmpi slt, %lt3A_52, %lt3A_53 : vector<256x2048xi32>
    %and3A_55 = arith.andi %eq3A_51, %lt3A_54 : vector<256x2048xi1>
    %or3A_56 = arith.ori %gt3A_48, %and3A_55 : vector<256x2048xi1>
    %convert_element_type3A_57 = arith.extui %or3A_56 : vector<256x2048xi1> to vector<256x2048xi32>
    %convert_element_type3A_58 = arith.sitofp %convert_element_type3A_57 : vector<256x2048xi32> to vector<256x2048xf32>
    %reduce_sum3A_59 = arith.constant dense<0.000000e+00> : vector<256xf32>
    %reduce_sum3A_60 = vector.multi_reduction <add>, %convert_element_type3A_58, %reduce_sum3A_59 [1] : vector<256x2048xf32> to vector<256xf32>
    %broadcast_in_dim3A_61 = vector.shape_cast %reduce_sum3A_60 : vector<256xf32> to vector<256x1xf32>
    %slice3A_62 = vector.extract_strided_slice %get3A_8 {offsets = [768, 0], sizes = [256, 1], strides = [1, 1]} : vector<2048x1xf32> to vector<256x1xf32>
    %iota3A_63 = tpu.iota {dimensions = array<i32: 0>} : vector<256x1xi32>
    %add3A_64 = arith.constant 768 : i32
    %add3A_65 = vector.broadcast %add3A_64 : i32 to vector<256x1xi32>
    %add3A_66 = arith.addi %iota3A_63, %add3A_65 : vector<256x1xi32>
    %gt3A_67 = vector.broadcast %get3A_3 : vector<1x2048xf32> to vector<256x2048xf32>
    %gt3A_68 = vector.broadcast %slice3A_62 : vector<256x1xf32> to vector<256x2048xf32>
    %gt3A_69 = arith.cmpf ogt, %gt3A_67, %gt3A_68 : vector<256x2048xf32>
    %eq3A_70 = vector.broadcast %get3A_3 : vector<1x2048xf32> to vector<256x2048xf32>
    %eq3A_71 = vector.broadcast %slice3A_62 : vector<256x1xf32> to vector<256x2048xf32>
    %eq3A_72 = arith.cmpf oeq, %eq3A_70, %eq3A_71 : vector<256x2048xf32>
    %lt3A_73 = vector.broadcast %iota3A : vector<1x2048xi32> to vector<256x2048xi32>
    %lt3A_74 = vector.broadcast %add3A_66 : vector<256x1xi32> to vector<256x2048xi32>
    %lt3A_75 = arith.cmpi slt, %lt3A_73, %lt3A_74 : vector<256x2048xi32>
    %and3A_76 = arith.andi %eq3A_72, %lt3A_75 : vector<256x2048xi1>
    %or3A_77 = arith.ori %gt3A_69, %and3A_76 : vector<256x2048xi1>
    %convert_element_type3A_78 = arith.extui %or3A_77 : vector<256x2048xi1> to vector<256x2048xi32>
    %convert_element_type3A_79 = arith.sitofp %convert_element_type3A_78 : vector<256x2048xi32> to vector<256x2048xf32>
    %reduce_sum3A_80 = arith.constant dense<0.000000e+00> : vector<256xf32>
    %reduce_sum3A_81 = vector.multi_reduction <add>, %convert_element_type3A_79, %reduce_sum3A_80 [1] : vector<256x2048xf32> to vector<256xf32>
    %broadcast_in_dim3A_82 = vector.shape_cast %reduce_sum3A_81 : vector<256xf32> to vector<256x1xf32>
    %slice3A_83 = vector.extract_strided_slice %get3A_8 {offsets = [1024, 0], sizes = [256, 1], strides = [1, 1]} : vector<2048x1xf32> to vector<256x1xf32>
    %iota3A_84 = tpu.iota {dimensions = array<i32: 0>} : vector<256x1xi32>
    %add3A_85 = arith.constant 1024 : i32
    %add3A_86 = vector.broadcast %add3A_85 : i32 to vector<256x1xi32>
    %add3A_87 = arith.addi %iota3A_84, %add3A_86 : vector<256x1xi32>
    %gt3A_88 = vector.broadcast %get3A_3 : vector<1x2048xf32> to vector<256x2048xf32>
    %gt3A_89 = vector.broadcast %slice3A_83 : vector<256x1xf32> to vector<256x2048xf32>
    %gt3A_90 = arith.cmpf ogt, %gt3A_88, %gt3A_89 : vector<256x2048xf32>
    %eq3A_91 = vector.broadcast %get3A_3 : vector<1x2048xf32> to vector<256x2048xf32>
    %eq3A_92 = vector.broadcast %slice3A_83 : vector<256x1xf32> to vector<256x2048xf32>
    %eq3A_93 = arith.cmpf oeq, %eq3A_91, %eq3A_92 : vector<256x2048xf32>
    %lt3A_94 = vector.broadcast %iota3A : vector<1x2048xi32> to vector<256x2048xi32>
    %lt3A_95 = vector.broadcast %add3A_87 : vector<256x1xi32> to vector<256x2048xi32>
    %lt3A_96 = arith.cmpi slt, %lt3A_94, %lt3A_95 : vector<256x2048xi32>
    %and3A_97 = arith.andi %eq3A_93, %lt3A_96 : vector<256x2048xi1>
    %or3A_98 = arith.ori %gt3A_90, %and3A_97 : vector<256x2048xi1>
    %convert_element_type3A_99 = arith.extui %or3A_98 : vector<256x2048xi1> to vector<256x2048xi32>
    %convert_element_type3A_100 = arith.sitofp %convert_element_type3A_99 : vector<256x2048xi32> to vector<256x2048xf32>
    %reduce_sum3A_101 = arith.constant dense<0.000000e+00> : vector<256xf32>
    %reduce_sum3A_102 = vector.multi_reduction <add>, %convert_element_type3A_100, %reduce_sum3A_101 [1] : vector<256x2048xf32> to vector<256xf32>
    %broadcast_in_dim3A_103 = vector.shape_cast %reduce_sum3A_102 : vector<256xf32> to vector<256x1xf32>
    %slice3A_104 = vector.extract_strided_slice %get3A_8 {offsets = [1280, 0], sizes = [256, 1], strides = [1, 1]} : vector<2048x1xf32> to vector<256x1xf32>
    %iota3A_105 = tpu.iota {dimensions = array<i32: 0>} : vector<256x1xi32>
    %add3A_106 = arith.constant 1280 : i32
    %add3A_107 = vector.broadcast %add3A_106 : i32 to vector<256x1xi32>
    %add3A_108 = arith.addi %iota3A_105, %add3A_107 : vector<256x1xi32>
    %gt3A_109 = vector.broadcast %get3A_3 : vector<1x2048xf32> to vector<256x2048xf32>
    %gt3A_110 = vector.broadcast %slice3A_104 : vector<256x1xf32> to vector<256x2048xf32>
    %gt3A_111 = arith.cmpf ogt, %gt3A_109, %gt3A_110 : vector<256x2048xf32>
    %eq3A_112 = vector.broadcast %get3A_3 : vector<1x2048xf32> to vector<256x2048xf32>
    %eq3A_113 = vector.broadcast %slice3A_104 : vector<256x1xf32> to vector<256x2048xf32>
    %eq3A_114 = arith.cmpf oeq, %eq3A_112, %eq3A_113 : vector<256x2048xf32>
    %lt3A_115 = vector.broadcast %iota3A : vector<1x2048xi32> to vector<256x2048xi32>
    %lt3A_116 = vector.broadcast %add3A_108 : vector<256x1xi32> to vector<256x2048xi32>
    %lt3A_117 = arith.cmpi slt, %lt3A_115, %lt3A_116 : vector<256x2048xi32>
    %and3A_118 = arith.andi %eq3A_114, %lt3A_117 : vector<256x2048xi1>
    %or3A_119 = arith.ori %gt3A_111, %and3A_118 : vector<256x2048xi1>
    %convert_element_type3A_120 = arith.extui %or3A_119 : vector<256x2048xi1> to vector<256x2048xi32>
    %convert_element_type3A_121 = arith.sitofp %convert_element_type3A_120 : vector<256x2048xi32> to vector<256x2048xf32>
    %reduce_sum3A_122 = arith.constant dense<0.000000e+00> : vector<256xf32>
    %reduce_sum3A_123 = vector.multi_reduction <add>, %convert_element_type3A_121, %reduce_sum3A_122 [1] : vector<256x2048xf32> to vector<256xf32>
    %broadcast_in_dim3A_124 = vector.shape_cast %reduce_sum3A_123 : vector<256xf32> to vector<256x1xf32>
    %slice3A_125 = vector.extract_strided_slice %get3A_8 {offsets = [1536, 0], sizes = [256, 1], strides = [1, 1]} : vector<2048x1xf32> to vector<256x1xf32>
    %iota3A_126 = tpu.iota {dimensions = array<i32: 0>} : vector<256x1xi32>
    %add3A_127 = arith.constant 1536 : i32
    %add3A_128 = vector.broadcast %add3A_127 : i32 to vector<256x1xi32>
    %add3A_129 = arith.addi %iota3A_126, %add3A_128 : vector<256x1xi32>
    %gt3A_130 = vector.broadcast %get3A_3 : vector<1x2048xf32> to vector<256x2048xf32>
    %gt3A_131 = vector.broadcast %slice3A_125 : vector<256x1xf32> to vector<256x2048xf32>
    %gt3A_132 = arith.cmpf ogt, %gt3A_130, %gt3A_131 : vector<256x2048xf32>
    %eq3A_133 = vector.broadcast %get3A_3 : vector<1x2048xf32> to vector<256x2048xf32>
    %eq3A_134 = vector.broadcast %slice3A_125 : vector<256x1xf32> to vector<256x2048xf32>
    %eq3A_135 = arith.cmpf oeq, %eq3A_133, %eq3A_134 : vector<256x2048xf32>
    %lt3A_136 = vector.broadcast %iota3A : vector<1x2048xi32> to vector<256x2048xi32>
    %lt3A_137 = vector.broadcast %add3A_129 : vector<256x1xi32> to vector<256x2048xi32>
    %lt3A_138 = arith.cmpi slt, %lt3A_136, %lt3A_137 : vector<256x2048xi32>
    %and3A_139 = arith.andi %eq3A_135, %lt3A_138 : vector<256x2048xi1>
    %or3A_140 = arith.ori %gt3A_132, %and3A_139 : vector<256x2048xi1>
    %convert_element_type3A_141 = arith.extui %or3A_140 : vector<256x2048xi1> to vector<256x2048xi32>
    %convert_element_type3A_142 = arith.sitofp %convert_element_type3A_141 : vector<256x2048xi32> to vector<256x2048xf32>
    %reduce_sum3A_143 = arith.constant dense<0.000000e+00> : vector<256xf32>
    %reduce_sum3A_144 = vector.multi_reduction <add>, %convert_element_type3A_142, %reduce_sum3A_143 [1] : vector<256x2048xf32> to vector<256xf32>
    %broadcast_in_dim3A_145 = vector.shape_cast %reduce_sum3A_144 : vector<256xf32> to vector<256x1xf32>
    %slice3A_146 = vector.extract_strided_slice %get3A_8 {offsets = [1792, 0], sizes = [256, 1], strides = [1, 1]} : vector<2048x1xf32> to vector<256x1xf32>
    %iota3A_147 = tpu.iota {dimensions = array<i32: 0>} : vector<256x1xi32>
    %add3A_148 = arith.constant 1792 : i32
    %add3A_149 = vector.broadcast %add3A_148 : i32 to vector<256x1xi32>
    %add3A_150 = arith.addi %iota3A_147, %add3A_149 : vector<256x1xi32>
    %gt3A_151 = vector.broadcast %get3A_3 : vector<1x2048xf32> to vector<256x2048xf32>
    %gt3A_152 = vector.broadcast %slice3A_146 : vector<256x1xf32> to vector<256x2048xf32>
    %gt3A_153 = arith.cmpf ogt, %gt3A_151, %gt3A_152 : vector<256x2048xf32>
    %eq3A_154 = vector.broadcast %get3A_3 : vector<1x2048xf32> to vector<256x2048xf32>
    %eq3A_155 = vector.broadcast %slice3A_146 : vector<256x1xf32> to vector<256x2048xf32>
    %eq3A_156 = arith.cmpf oeq, %eq3A_154, %eq3A_155 : vector<256x2048xf32>
    %lt3A_157 = vector.broadcast %iota3A : vector<1x2048xi32> to vector<256x2048xi32>
    %lt3A_158 = vector.broadcast %add3A_150 : vector<256x1xi32> to vector<256x2048xi32>
    %lt3A_159 = arith.cmpi slt, %lt3A_157, %lt3A_158 : vector<256x2048xi32>
    %and3A_160 = arith.andi %eq3A_156, %lt3A_159 : vector<256x2048xi1>
    %or3A_161 = arith.ori %gt3A_153, %and3A_160 : vector<256x2048xi1>
    %convert_element_type3A_162 = arith.extui %or3A_161 : vector<256x2048xi1> to vector<256x2048xi32>
    %convert_element_type3A_163 = arith.sitofp %convert_element_type3A_162 : vector<256x2048xi32> to vector<256x2048xf32>
    %reduce_sum3A_164 = arith.constant dense<0.000000e+00> : vector<256xf32>
    %reduce_sum3A_165 = vector.multi_reduction <add>, %convert_element_type3A_163, %reduce_sum3A_164 [1] : vector<256x2048xf32> to vector<256xf32>
    %broadcast_in_dim3A_166 = vector.shape_cast %reduce_sum3A_165 : vector<256xf32> to vector<256x1xf32>
    %concatenate3A = tpu.concatenate %broadcast_in_dim3A, %broadcast_in_dim3A_40, %broadcast_in_dim3A_61, %broadcast_in_dim3A_82, %broadcast_in_dim3A_103, %broadcast_in_dim3A_124, %broadcast_in_dim3A_145, %broadcast_in_dim3A_166 in 0 : vector<256x1xf32>, vector<256x1xf32>, vector<256x1xf32>, vector<256x1xf32>, vector<256x1xf32>, vector<256x1xf32>, vector<256x1xf32>, vector<256x1xf32> -> vector<2048x1xf32>
    %iota3A_167 = tpu.iota {dimensions = array<i32: 0>} : vector<2048x1xi32>
    %convert_element_type3A_168 = arith.sitofp %iota3A_167 : vector<2048x1xi32> to vector<2048x1xf32>
    %convert_element_type3A_169 = arith.fptosi %concatenate3A : vector<2048x1xf32> to vector<2048x1xi32>
    %iota3A_170 = tpu.iota {dimensions = array<i32: 1>} : vector<1x256xi32>
    %add3A_171 = arith.constant 0 : i32
    %add3A_172 = vector.broadcast %add3A_171 : i32 to vector<1x256xi32>
    %add3A_173 = arith.addi %iota3A_170, %add3A_172 : vector<1x256xi32>
    %eq3A_174 = vector.broadcast %convert_element_type3A_169 : vector<2048x1xi32> to vector<2048x256xi32>
    %eq3A_175 = vector.broadcast %add3A_173 : vector<1x256xi32> to vector<2048x256xi32>
    %eq3A_176 = arith.cmpi eq, %eq3A_174, %eq3A_175 : vector<2048x256xi32>
    %convert_element_type3A_177 = arith.extui %eq3A_176 : vector<2048x256xi1> to vector<2048x256xi32>
    %convert_element_type3A_178 = arith.sitofp %convert_element_type3A_177 : vector<2048x256xi32> to vector<2048x256xf32>
    %mul3A = vector.broadcast %convert_element_type3A_168 : vector<2048x1xf32> to vector<2048x256xf32>
    %mul3A_179 = arith.mulf %convert_element_type3A_178, %mul3A : vector<2048x256xf32>
    %reduce_sum3A_180 = arith.constant dense<0.000000e+00> : vector<256xf32>
    %reduce_sum3A_181 = vector.multi_reduction <add>, %mul3A_179, %reduce_sum3A_180 [0] : vector<2048x256xf32> to vector<256xf32>
    %broadcast_in_dim3A_182 = vector.shape_cast %reduce_sum3A_181 : vector<256xf32> to vector<1x256xf32>
    %iota3A_183 = tpu.iota {dimensions = array<i32: 1>} : vector<1x256xi32>
    %add3A_184 = arith.constant 256 : i32
    %add3A_185 = vector.broadcast %add3A_184 : i32 to vector<1x256xi32>
    %add3A_186 = arith.addi %iota3A_183, %add3A_185 : vector<1x256xi32>
    %eq3A_187 = vector.broadcast %convert_element_type3A_169 : vector<2048x1xi32> to vector<2048x256xi32>
    %eq3A_188 = vector.broadcast %add3A_186 : vector<1x256xi32> to vector<2048x256xi32>
    %eq3A_189 = arith.cmpi eq, %eq3A_187, %eq3A_188 : vector<2048x256xi32>
    %convert_element_type3A_190 = arith.extui %eq3A_189 : vector<2048x256xi1> to vector<2048x256xi32>
    %convert_element_type3A_191 = arith.sitofp %convert_element_type3A_190 : vector<2048x256xi32> to vector<2048x256xf32>
    %mul3A_192 = vector.broadcast %convert_element_type3A_168 : vector<2048x1xf32> to vector<2048x256xf32>
    %mul3A_193 = arith.mulf %convert_element_type3A_191, %mul3A_192 : vector<2048x256xf32>
    %reduce_sum3A_194 = arith.constant dense<0.000000e+00> : vector<256xf32>
    %reduce_sum3A_195 = vector.multi_reduction <add>, %mul3A_193, %reduce_sum3A_194 [0] : vector<2048x256xf32> to vector<256xf32>
    %broadcast_in_dim3A_196 = vector.shape_cast %reduce_sum3A_195 : vector<256xf32> to vector<1x256xf32>
    %iota3A_197 = tpu.iota {dimensions = array<i32: 1>} : vector<1x256xi32>
    %add3A_198 = arith.constant 512 : i32
    %add3A_199 = vector.broadcast %add3A_198 : i32 to vector<1x256xi32>
    %add3A_200 = arith.addi %iota3A_197, %add3A_199 : vector<1x256xi32>
    %eq3A_201 = vector.broadcast %convert_element_type3A_169 : vector<2048x1xi32> to vector<2048x256xi32>
    %eq3A_202 = vector.broadcast %add3A_200 : vector<1x256xi32> to vector<2048x256xi32>
    %eq3A_203 = arith.cmpi eq, %eq3A_201, %eq3A_202 : vector<2048x256xi32>
    %convert_element_type3A_204 = arith.extui %eq3A_203 : vector<2048x256xi1> to vector<2048x256xi32>
    %convert_element_type3A_205 = arith.sitofp %convert_element_type3A_204 : vector<2048x256xi32> to vector<2048x256xf32>
    %mul3A_206 = vector.broadcast %convert_element_type3A_168 : vector<2048x1xf32> to vector<2048x256xf32>
    %mul3A_207 = arith.mulf %convert_element_type3A_205, %mul3A_206 : vector<2048x256xf32>
    %reduce_sum3A_208 = arith.constant dense<0.000000e+00> : vector<256xf32>
    %reduce_sum3A_209 = vector.multi_reduction <add>, %mul3A_207, %reduce_sum3A_208 [0] : vector<2048x256xf32> to vector<256xf32>
    %broadcast_in_dim3A_210 = vector.shape_cast %reduce_sum3A_209 : vector<256xf32> to vector<1x256xf32>
    %iota3A_211 = tpu.iota {dimensions = array<i32: 1>} : vector<1x256xi32>
    %add3A_212 = arith.constant 768 : i32
    %add3A_213 = vector.broadcast %add3A_212 : i32 to vector<1x256xi32>
    %add3A_214 = arith.addi %iota3A_211, %add3A_213 : vector<1x256xi32>
    %eq3A_215 = vector.broadcast %convert_element_type3A_169 : vector<2048x1xi32> to vector<2048x256xi32>
    %eq3A_216 = vector.broadcast %add3A_214 : vector<1x256xi32> to vector<2048x256xi32>
    %eq3A_217 = arith.cmpi eq, %eq3A_215, %eq3A_216 : vector<2048x256xi32>
    %convert_element_type3A_218 = arith.extui %eq3A_217 : vector<2048x256xi1> to vector<2048x256xi32>
    %convert_element_type3A_219 = arith.sitofp %convert_element_type3A_218 : vector<2048x256xi32> to vector<2048x256xf32>
    %mul3A_220 = vector.broadcast %convert_element_type3A_168 : vector<2048x1xf32> to vector<2048x256xf32>
    %mul3A_221 = arith.mulf %convert_element_type3A_219, %mul3A_220 : vector<2048x256xf32>
    %reduce_sum3A_222 = arith.constant dense<0.000000e+00> : vector<256xf32>
    %reduce_sum3A_223 = vector.multi_reduction <add>, %mul3A_221, %reduce_sum3A_222 [0] : vector<2048x256xf32> to vector<256xf32>
    %broadcast_in_dim3A_224 = vector.shape_cast %reduce_sum3A_223 : vector<256xf32> to vector<1x256xf32>
    %iota3A_225 = tpu.iota {dimensions = array<i32: 1>} : vector<1x256xi32>
    %add3A_226 = arith.constant 1024 : i32
    %add3A_227 = vector.broadcast %add3A_226 : i32 to vector<1x256xi32>
    %add3A_228 = arith.addi %iota3A_225, %add3A_227 : vector<1x256xi32>
    %eq3A_229 = vector.broadcast %convert_element_type3A_169 : vector<2048x1xi32> to vector<2048x256xi32>
    %eq3A_230 = vector.broadcast %add3A_228 : vector<1x256xi32> to vector<2048x256xi32>
    %eq3A_231 = arith.cmpi eq, %eq3A_229, %eq3A_230 : vector<2048x256xi32>
    %convert_element_type3A_232 = arith.extui %eq3A_231 : vector<2048x256xi1> to vector<2048x256xi32>
    %convert_element_type3A_233 = arith.sitofp %convert_element_type3A_232 : vector<2048x256xi32> to vector<2048x256xf32>
    %mul3A_234 = vector.broadcast %convert_element_type3A_168 : vector<2048x1xf32> to vector<2048x256xf32>
    %mul3A_235 = arith.mulf %convert_element_type3A_233, %mul3A_234 : vector<2048x256xf32>
    %reduce_sum3A_236 = arith.constant dense<0.000000e+00> : vector<256xf32>
    %reduce_sum3A_237 = vector.multi_reduction <add>, %mul3A_235, %reduce_sum3A_236 [0] : vector<2048x256xf32> to vector<256xf32>
    %broadcast_in_dim3A_238 = vector.shape_cast %reduce_sum3A_237 : vector<256xf32> to vector<1x256xf32>
    %iota3A_239 = tpu.iota {dimensions = array<i32: 1>} : vector<1x256xi32>
    %add3A_240 = arith.constant 1280 : i32
    %add3A_241 = vector.broadcast %add3A_240 : i32 to vector<1x256xi32>
    %add3A_242 = arith.addi %iota3A_239, %add3A_241 : vector<1x256xi32>
    %eq3A_243 = vector.broadcast %convert_element_type3A_169 : vector<2048x1xi32> to vector<2048x256xi32>
    %eq3A_244 = vector.broadcast %add3A_242 : vector<1x256xi32> to vector<2048x256xi32>
    %eq3A_245 = arith.cmpi eq, %eq3A_243, %eq3A_244 : vector<2048x256xi32>
    %convert_element_type3A_246 = arith.extui %eq3A_245 : vector<2048x256xi1> to vector<2048x256xi32>
    %convert_element_type3A_247 = arith.sitofp %convert_element_type3A_246 : vector<2048x256xi32> to vector<2048x256xf32>
    %mul3A_248 = vector.broadcast %convert_element_type3A_168 : vector<2048x1xf32> to vector<2048x256xf32>
    %mul3A_249 = arith.mulf %convert_element_type3A_247, %mul3A_248 : vector<2048x256xf32>
    %reduce_sum3A_250 = arith.constant dense<0.000000e+00> : vector<256xf32>
    %reduce_sum3A_251 = vector.multi_reduction <add>, %mul3A_249, %reduce_sum3A_250 [0] : vector<2048x256xf32> to vector<256xf32>
    %broadcast_in_dim3A_252 = vector.shape_cast %reduce_sum3A_251 : vector<256xf32> to vector<1x256xf32>
    %iota3A_253 = tpu.iota {dimensions = array<i32: 1>} : vector<1x256xi32>
    %add3A_254 = arith.constant 1536 : i32
    %add3A_255 = vector.broadcast %add3A_254 : i32 to vector<1x256xi32>
    %add3A_256 = arith.addi %iota3A_253, %add3A_255 : vector<1x256xi32>
    %eq3A_257 = vector.broadcast %convert_element_type3A_169 : vector<2048x1xi32> to vector<2048x256xi32>
    %eq3A_258 = vector.broadcast %add3A_256 : vector<1x256xi32> to vector<2048x256xi32>
    %eq3A_259 = arith.cmpi eq, %eq3A_257, %eq3A_258 : vector<2048x256xi32>
    %convert_element_type3A_260 = arith.extui %eq3A_259 : vector<2048x256xi1> to vector<2048x256xi32>
    %convert_element_type3A_261 = arith.sitofp %convert_element_type3A_260 : vector<2048x256xi32> to vector<2048x256xf32>
    %mul3A_262 = vector.broadcast %convert_element_type3A_168 : vector<2048x1xf32> to vector<2048x256xf32>
    %mul3A_263 = arith.mulf %convert_element_type3A_261, %mul3A_262 : vector<2048x256xf32>
    %reduce_sum3A_264 = arith.constant dense<0.000000e+00> : vector<256xf32>
    %reduce_sum3A_265 = vector.multi_reduction <add>, %mul3A_263, %reduce_sum3A_264 [0] : vector<2048x256xf32> to vector<256xf32>
    %broadcast_in_dim3A_266 = vector.shape_cast %reduce_sum3A_265 : vector<256xf32> to vector<1x256xf32>
    %iota3A_267 = tpu.iota {dimensions = array<i32: 1>} : vector<1x256xi32>
    %add3A_268 = arith.constant 1792 : i32
    %add3A_269 = vector.broadcast %add3A_268 : i32 to vector<1x256xi32>
    %add3A_270 = arith.addi %iota3A_267, %add3A_269 : vector<1x256xi32>
    %eq3A_271 = vector.broadcast %convert_element_type3A_169 : vector<2048x1xi32> to vector<2048x256xi32>
    %eq3A_272 = vector.broadcast %add3A_270 : vector<1x256xi32> to vector<2048x256xi32>
    %eq3A_273 = arith.cmpi eq, %eq3A_271, %eq3A_272 : vector<2048x256xi32>
    %convert_element_type3A_274 = arith.extui %eq3A_273 : vector<2048x256xi1> to vector<2048x256xi32>
    %convert_element_type3A_275 = arith.sitofp %convert_element_type3A_274 : vector<2048x256xi32> to vector<2048x256xf32>
    %mul3A_276 = vector.broadcast %convert_element_type3A_168 : vector<2048x1xf32> to vector<2048x256xf32>
    %mul3A_277 = arith.mulf %convert_element_type3A_275, %mul3A_276 : vector<2048x256xf32>
    %reduce_sum3A_278 = arith.constant dense<0.000000e+00> : vector<256xf32>
    %reduce_sum3A_279 = vector.multi_reduction <add>, %mul3A_277, %reduce_sum3A_278 [0] : vector<2048x256xf32> to vector<256xf32>
    %broadcast_in_dim3A_280 = vector.shape_cast %reduce_sum3A_279 : vector<256xf32> to vector<1x256xf32>
    %concatenate3A_281 = tpu.concatenate %broadcast_in_dim3A_182, %broadcast_in_dim3A_196, %broadcast_in_dim3A_210, %broadcast_in_dim3A_224, %broadcast_in_dim3A_238, %broadcast_in_dim3A_252, %broadcast_in_dim3A_266, %broadcast_in_dim3A_280 in 1 : vector<1x256xf32>, vector<1x256xf32>, vector<1x256xf32>, vector<1x256xf32>, vector<1x256xf32>, vector<1x256xf32>, vector<1x256xf32>, vector<1x256xf32> -> vector<1x2048xf32>
    %convert_element_type3A_282 = arith.fptosi %concatenate3A_281 : vector<1x2048xf32> to vector<1x2048xi32>
    %swap3A = arith.constant 0 : index
    %swap3A_283 = arith.constant 0 : index
    %swap3A_284 = arith.constant 0 : index
    %swap3A_285 = vector.load %arg4[%swap3A, %swap3A_283, %swap3A_284] : memref<1x1x2048xi32, #tpu.memory_space<vmem>>, vector<1x1x2048xi32>
    %swap3A_286 = vector.shape_cast %swap3A_285 : vector<1x1x2048xi32> to vector<1x2048xi32>
    %swap3A_287 = vector.shape_cast %convert_element_type3A_282 : vector<1x2048xi32> to vector<1x1x2048xi32>
    tpu.vector_store %arg4[%swap3A, %swap3A_283, %swap3A_284], %swap3A_287 {strides = array<i32>} : memref<1x1x2048xi32, #tpu.memory_space<vmem>>, vector<1x1x2048xi32>,
    %ge3A = arith.constant 1.024000e+03 : f32
    %ge3A_288 = vector.broadcast %ge3A : f32 to vector<2048x1xf32>
    %ge3A_289 = arith.cmpf oge, %concatenate3A, %ge3A_288 : vector<2048x1xf32>
    %convert_element_type3A_290 = arith.extui %ge3A_289 : vector<2048x1xi1> to vector<2048x1xi32>
    %convert_element_type3A_291 = arith.sitofp %convert_element_type3A_290 : vector<2048x1xi32> to vector<2048x1xf32>
    %mul3A_292 = arith.mulf %convert_element_type3A_291, %get3A_8 : vector<2048x1xf32>
    %get3A_293 = arith.constant 0 : index
    %get3A_294 = arith.constant 1 : index
    %get3A_295 = arith.constant 0 : index
    %get3A_296 = vector.load %arg3[%get3A_293, %get3A_294, %get3A_295] : memref<1x2049x1024xf32, #tpu.memory_space<vmem>>, vector<1x2048x1024xf32>
    %get3A_297 = vector.shape_cast %get3A_296 : vector<1x2048x1024xf32> to vector<2048x1024xf32>
    %dot_general3A = arith.constant dense<0.000000e+00> : vector<1x1024xf32>
    %dot_general3A_298 = tpu.matmul %mul3A_292, %get3A_297, %dot_general3A {dimension_numbers = #tpu.dot_dimension_numbers<[0], [0], [1], [1], [0, 1, 1, 1], [], []>, precision = #tpu.contract_precision<fp32>, transpose_lhs_hint = false} : vector<2048x1xf32>, vector<2048x1024xf32>, vector<1x1024xf32> -> vector<1x1024xf32>
    %reduce_sum3A_299 = vector.shape_cast %mul3A_292 : vector<2048x1xf32> to vector<1x2048x1xf32>
    %reduce_sum3A_300 = arith.constant dense<0.000000e+00> : vector<1xf32>
    %reduce_sum3A_301 = vector.multi_reduction <add>, %reduce_sum3A_299, %reduce_sum3A_300 [1, 2] : vector<1x2048x1xf32> to vector<1xf32>
    %reduce_sum3A_302 = vector.shape_cast %reduce_sum3A_301 : vector<1xf32> to vector<1x1x1xf32>
    %reduce_sum3A_303 = vector.extract %reduce_sum3A_302[0, 0, 0] : f32 from vector<1x1x1xf32>
    %div3A = arith.constant 2.000000e+00 : f32
    %div3A_304 = arith.divf %div3A, %reduce_sum3A_303 : f32
    %mul3A_305 = vector.broadcast %div3A_304 : f32 to vector<1x1024xf32>
    %mul3A_306 = arith.mulf %dot_general3A_298, %mul3A_305 : vector<1x1024xf32>
    %swap3A_307 = arith.constant 0 : index
    %swap3A_308 = arith.constant 0 : index
    %swap3A_309 = arith.constant 0 : index
    %swap3A_310 = vector.load %arg5[%swap3A_307, %swap3A_308, %swap3A_309] : memref<1x1x1024xf32, #tpu.memory_space<vmem>>, vector<1x1x1024xf32>
    %swap3A_311 = vector.shape_cast %swap3A_310 : vector<1x1x1024xf32> to vector<1x1024xf32>
    %swap3A_312 = vector.shape_cast %mul3A_306 : vector<1x1024xf32> to vector<1x1x1024xf32>
    tpu.vector_store %arg5[%swap3A_307, %swap3A_308, %swap3A_309], %swap3A_312 {strides = array<i32>} : memref<1x1x1024xf32, #tpu.memory_space<vmem>>, vector<1x1x1024xf32>,
    return
  }
  func.func @transform_0(%arg0: i32) -> (i32, i32, i32) {
    %c0_i32 = arith.constant 0 : i32
    %c0_i32_0 = arith.constant 0 : i32
    %c0_i32_1 = arith.constant 0 : i32
    return %arg0, %c0_i32, %c0_i32_0 : i32, i32, i32
  }
  func.func @transform_1(%arg0: i32) -> (i32, i32, i32) {
    %c0_i32 = arith.constant 0 : i32
    %c0_i32_0 = arith.constant 0 : i32
    %c0_i32_1 = arith.constant 0 : i32
    return %arg0, %c0_i32, %c0_i32_0 : i32, i32, i32
  }
  func.func @transform_2(%arg0: i32) -> (i32, i32, i32) {
    %c0_i32 = arith.constant 0 : i32
    %c0_i32_0 = arith.constant 0 : i32
    %c0_i32_1 = arith.constant 0 : i32
    return %arg0, %c0_i32, %c0_i32_0 : i32, i32, i32
  }
  func.func @transform_3(%arg0: i32) -> (i32, i32, i32) {
    %c0_i32 = arith.constant 0 : i32
    %c0_i32_0 = arith.constant 0 : i32
    %c0_i32_1 = arith.constant 0 : i32
    return %arg0, %c0_i32, %c0_i32_0 : i32, i32, i32
  }
  func.func @transform_4(%arg0: i32) -> (i32, i32, i32) {
    %c0_i32 = arith.constant 0 : i32
    %c0_i32_0 = arith.constant 0 : i32
    %c0_i32_1 = arith.constant 0 : i32
    return %arg0, %c0_i32, %c0_i32_0 : i32, i32, i32
  }
}

</mosaic_0001>

<sc_bundles>
// kernel: kernel.4.cloned.1.call-start
scs
__scs_entry_jumppad:
0x0: {  	(pc) =	sbr.rel $0x88, $3  }
0x1: {  	(tag) =	ssettag $0x0;
	lr =	simm.s32 $0x1  }
0x2: {  	[smem:$0x3F9F] =	sst lr;
	_ =	strace $0xD0000000  }
0x3: {  	_ = 	snop  }
0x4: {  	_ = 	snop  }
0x5: {  	_ = 	snop  }
0x6: {  	_ = 	snop  }
0x7: {  	_ = 	snop  }
__scs_overlays_trampoline_lowered:
0x8: {  	[smem:$0x3FAE] =	sst s0  }
0x9: {  	[smem:$0x3FAF] =	sst s1  }
0xa: {  	[smem:$0x3FB0] =	sst s2  }
0xb: {  	[smem:$0x3FB1] =	sst s3  }
0xc: {  	[smem:$0x3FB2] =	sst s4  }
0xd: {  	[smem:$0x3FB3] =	sst s5  }
0xe: {  	[smem:$0x3FB4] =	sst s6  }
0xf: {  	[smem:$0x3FB5] =	sst s7  }
0x10: {  	[smem:$0x3FB6] =	sst s8  }
0x11: {  	[smem:$0x3FB7] =	sst s9;
	s0 =	simm.s32 @!p0 $0x0  }
0x12: {  	s1 =	sld [smem:$0x3F9D];
	s0 =	simm.s32 @p0 $0x1  }
0x13: {  	[smem:$0x3FB8] =	sst s0;
	s0 =	simm.s32 @!p1 $0x0  }
0x14: {  	s2 =	sld [smem:$0x3F9C];
	s0 =	simm.s32 @p1 $0x1  }
0x15: {  	[smem:$0x3FB9] =	sst s0;
	s0 =	simm.s32 @!p2 $0x0  }
0x16: {  	s3 =	sld [smem:$0x3FDB];
	s0 =	simm.s32 @p2 $0x1  }
0x17: {  	s4 =	simm.s32 $0x1BF5;
	[smem:$0x3FBB] =	sst s0  }
0x18: {  	s0 =	sld [smem:$0x3F9E];
	_ =	swait.ge [sflag:s4], $0x0  }
0x19: {  	s7 =	sld [smem:$0x3F9F]  }
0x1a: {  	s8 =	sadd.s32 $0xFFFFE003, lr  }
0x1b: {  	s9 =	sadd.s32 $0xFFFFFEF7, lr;
	s5 =	simm.s32 $0xFFFFFFFF;
	p2 =	slt.u32 s8, $0xFFFFF086  }
0x1c: {  	p1 =	slt.u32 s9, $0xF7A;
	s5 =	simm.s32 @!p2 $0x0  }
0x1d: {  	s5 =	simm.s32 @p1 $0x1;
	p0 =	seq.s32 s7, s2  }
0x1e: {  	s7 =	smul.u32 @!p0 $0xF7A, s2;
	p2 =	seq.s32 @!p0 s5, $0x0  }
0x1f: {  	s9 =	smul.u32 $0xF7A, s1;
	s8 =	simm.s32 @!p0 $0x1BF5;
	p2 =	por !p2, p0  }
0x20: {  	[sflag:s8] =	ssyncset.s32 @!p0 $0xFFFFF086;
	s6 =	sadd.s32 @!p0 s3, s7;
	s7 =	simm.s32 @!p0 $0x108  }
0x21: {  	s3 =	sadd.s32 s3, s9;
	s6 =	sadd.s32 @!p0 $0x88, s6;
	s7 =	simm.s32 @p2 $0x1082  }
0x22: {  	[simem:s7], [sflag:s8] =	dma.local @!p0 [hbm:s6], $0xF7A  }
0x23: {  	s9 =	sor.u32 $0xD0000000, s2;
	s6 =	simm.s32 $0x108;
	_ =	swait.ge @!p0 [sflag:s8], $0x0  }
0x24: {  	s3 =	sadd.s32 $0x88, s3;
	s6 =	simm.s32 @!p1 $0x1082;
	[sflag:s4] =	ssyncset.s32 $0xFFFFF086  }
0x25: {  	[simem:s6], [sflag:s4] =	dma.local [hbm:s3], $0xF7A  }
0x26: {  	[smem:$0x3F9F] =	sst s1;
	(tag) =	ssettag s2;
	_ =	strace s9  }
0x27: {  	s1 =	sld [smem:$0x3FAF]  }
0x28: {  	s2 =	sld [smem:$0x3FB0]  }
0x29: {  	s4 =	sld [smem:$0x3FB2]  }
0x2a: {  	p0 =	seq.s32 s5, $0x0;
	s5 =	sld [smem:$0x3FB3]  }
0x2b: {  	s6 =	sld [smem:$0x3FB4]  }
0x2c: {  	s7 =	sld [smem:$0x3FB5]  }
0x2d: {  	s3 =	simm.s32 $0x108;
	s8 =	sld [smem:$0x3FB6]  }
0x2e: {  	s3 =	simm.s32 @!p0 $0x1082;
	s9 =	sld [smem:$0x3FB7]  }
0x2f: {  	lr =	sadd.s32 s0, s3;
	s0 =	sld [smem:$0x3FAE]  }
0x30: {  	s3 =	sld [smem:$0x3FB1]  }
0x31: {  	[smem:$0x3FBA] =	sst s10  }
0x32: {  	s10 =	sld [smem:$0x3FB8];
	_ =	sdelay $0x3  }
0x33: {  	p0 =	seq.s32 s10, $0x1;
	s10 =	sld [smem:$0x3FBA];
	_ =	sdelay $0x3  }
0x34: {  	[smem:$0x3FBA] =	sst s10  }
0x35: {  	s10 =	sld [smem:$0x3FB9];
	_ =	sdelay $0x3  }
0x36: {  	p1 =	seq.s32 s10, $0x1;
	s10 =	sld [smem:$0x3FBA];
	_ =	sdelay $0x3  }
0x37: {  	[smem:$0x3FBA] =	sst s10  }
0x38: {  	s10 =	sld [smem:$0x3FBB]  }
0x39: {  	_ = 	snop;
	(pc) =	sbr.ind lr, $3  }
0x3a: {  	_ = 	snop  }
0x3b: {  	_ = 	snop  }
0x3c: {  	p2 =	seq.s32 s10, $0x1;
	s10 =	sld [smem:$0x3FBA]  }
0x3d: {  	_ =	shalt  }
0x3e: {  	_ =	shalt  }
0x3f: {  	_ =	shalt  }
0x40: {  	_ =	shalt  }
0x41: {  	_ =	shalt  }
0x42: {  	_ =	shalt  }
0x43: {  	_ =	shalt  }
0x44: {  	_ =	shalt  }
0x45: {  	_ =	shalt  }
0x46: {  	_ =	shalt  }
0x47: {  	_ =	shalt  }
0x48: {  	_ =	shalt  }
0x49: {  	_ =	shalt  }
0x4a: {  	_ =	shalt  }
0x4b: {  	_ =	shalt  }
0x4c: {  	_ =	shalt  }
0x4d: {  	_ =	shalt  }
0x4e: {  	_ =	shalt  }
0x4f: {  	_ =	shalt  }
0x50: {  	_ =	shalt  }
0x51: {  	_ =	shalt  }
0x52: {  	_ =	shalt  }
0x53: {  	_ =	shalt  }
0x54: {  	_ =	shalt  }
0x55: {  	_ =	shalt  }
0x56: {  	_ =	shalt  }
0x57: {  	_ =	shalt  }
0x58: {  	_ =	shalt  }
0x59: {  	_ =	shalt  }
0x5a: {  	_ =	shalt  }
0x5b: {  	_ =	shalt  }
0x5c: {  	_ =	shalt  }
0x5d: {  	_ =	shalt  }
0x5e: {  	_ =	shalt  }
0x5f: {  	_ =	shalt  }
0x60: {  	_ =	shalt  }
0x61: {  	_ =	shalt  }
0x62: {  	_ =	shalt  }
0x63: {  	_ =	shalt  }
0x64: {  	_ =	shalt  }
0x65: {  	_ =	shalt  }
0x66: {  	_ =	shalt  }
0x67: {  	_ =	shalt  }
0x68: {  	_ =	shalt  }
0x69: {  	_ =	shalt  }
0x6a: {  	_ =	shalt  }
0x6b: {  	_ =	shalt  }
0x6c: {  	_ =	shalt  }
0x6d: {  	_ =	shalt  }
0x6e: {  	_ =	shalt  }
0x6f: {  	_ =	shalt  }
0x70: {  	_ =	shalt  }
0x71: {  	_ =	shalt  }
0x72: {  	_ =	shalt  }
0x73: {  	_ =	shalt  }
0x74: {  	_ =	shalt  }
0x75: {  	_ =	shalt  }
0x76: {  	_ =	shalt  }
0x77: {  	_ =	shalt  }
0x78: {  	_ =	shalt  }
0x79: {  	_ =	shalt  }
0x7a: {  	_ =	shalt  }
0x7b: {  	_ =	shalt  }
0x7c: {  	_ =	shalt  }
0x7d: {  	_ =	shalt  }
0x7e: {  	_ =	shalt  }
0x7f: {  	_ =	shalt  }
0x80: {  	_ =	shalt  }
0x81: {  	_ =	shalt  }
0x82: {  	_ =	shalt  }
0x83: {  	_ =	shalt  }
0x84: {  	_ =	shalt  }
0x85: {  	_ =	shalt  }
0x86: {  	_ =	shalt  }
0x87: {  	_ =	shalt  }
.Lfunc_end0:
.L_simem_size_0:
called_computation_lowered:
.L_overlay_start_0:
0x88: {  	s2 =	sld [smem:$0x3FD9]  }
0x89: {  	s3 =	sld [smem:$0x3FFE];
	_ =	sdelay $0x1  }
0x8a: {  	s1 =	srdreg.scid  }
0x8b: {  	s0 =	sand.u32 $0x1, s1  }
0x8c: {  	s17 =	sshll.u32 s0, $0xA;
	s2 =	sadd.s32 s3, s2  }
0x8d: {  	s2 =	sadd.s32 s2, s17  }
0x8e: {  	[smem:$0x3FC6] =	sst s2  }
0x8f: {  	_ = 	snop  }
0x90: {  	s2 =	sld [smem:$0x3FC9]  }
0x91: {  	s18 =	sld [smem:$0x3FD0];
	(tm) =	ssettm $0x1  }
0x92: {  	s4 =	sld [smem:$0x3FFB];
	_ =	sdelay $0x3  }
0x93: {  	_ =	strace s4  }
0x94: {  	s4 =	sld [smem:$0x3FFC];
	_ =	sdelay $0x3  }
0x95: {  	_ =	strace s4  }
0x96: {  	s4 =	sld [smem:$0x3FFD];
	_ =	sdelay $0x3  }
0x97: {  	_ =	strace s4  }
0x98: {  	_ =	strace $0x8FFFFFFF  }
0x99: {  	s19 =	sld [smem:$0x3FDB];
	_ =	sdelay $0x1  }
0x9a: {  	s5 =	simm.s32 $_scs_section_size  }
0x9b: {  	s6 =	simm.s32 $_size__tile_overlayer_lowered;
	s7 =	simm.s32 $_tile_overlayer_lowered  }
0x9c: {  	s22 =	simm.s32 $0x1BFF;
	s21 =	sshll.u32 s7, $0x1;
	s4 =	sadd.s32 s5, s19  }
0x9d: {  	s8 =	simm.s32 $0x0;
	s20 =	sshll.u32 s6, $0x1;
	s6 =	sadd.s32 s21, s4  }
0x9e: {  	[timem:s8], [sflag:s22] =	dma.local [hbm:s6], s20  }
0x9f: {  	_ =	swait.ge [sflag:s22], s20  }
0xa0: {  	s5 =	ssub.s32 $0x0, s20;
	[sflag:s22] =	ssyncset.done $0x0  }
0xa1: {  	[sflag:s22] =	ssyncadd.s32 s5;
	_ =	sdelay $0x1  }
0xa2: {  	s23 =	simm.s32 $0x1B8B  }
0xa3: {  	_ =	swait.ge [sflag:s23], $0x1  }
0xa4: {  	[sflag:s23] =	ssyncset.done $0x0  }
0xa5: {  	s25 =	simm.s32 $0x1B8E;
	s24 =	sld [smem:$0x3FFE];
	[sflag:s23] =	ssyncadd.s32 $0xFFFFFFFF  }
0xa6: {  	s26 =	simm.s32 $execute0_lowered;
	[smem:$0x3FD2] =	sst s25  }
0xa7: {  	s6 =	sshll.u32 s26, $0x1;
	_ =	strace $0x80000046;
	[dreg:$0x1] =	wrdreg $0xFFFFFFFF  }
0xa8: {  	s28 =	simm.s32 $_size_execute0_lowered;
	s4 =	sadd.s32 s4, s6;
	[dreg:$0x0] =	wrdreg $0x0  }
0xa9: {  	s6 =	sshll.u32 s28, $0x1;
	[dreg:$0x2] =	wrdreg s4  }
0xaa: {  	[dreg:$0x3] =	wrdreg s6  }
0xab: {  	[dreg:$0x4] =	wrdreg $0xC0  }
0xac: {  	_ =	task [dreg:s8], $0x5FFFF  }
0xad: {  	[dreg:$0x1] =	wrdreg $0xFFFFFFFF  }
0xae: {  	[dreg:$0x0] =	wrdreg $0x60  }
0xaf: {  	[dreg:$0x2] =	wrdreg s2  }
0xb0: {  	[dreg:$0x3] =	wrdreg s24  }
0xb1: {  	[dreg:$0x4] =	wrdreg s18  }
0xb2: {  	[dreg:$0x5] =	wrdreg $0x9  }
0xb3: {  	_ =	task.clear_ibuf [dreg:s8], $0x6FFFF;
	_ =	strace $0x90000046  }
0xb4: {  	s29 =	simm.s32 $0x9;
	_ =	strace $0x80000048  }
0xb5: {  	_ =	swait.ge [sflag:s29], $0x1  }
0xb6: {  	[sflag:s29] =	ssyncadd.s32 $0xFFFFFFFF  }
0xb7: {  	_ =	strace $0x90000048  }
0xb8: {  	_ =	sfence  }
0xb9: {  	s30 =	sld [smem:$0x0];
	_ =	sdelay $0x2  }
0xba: {  	s31 =	sshll.u32 s1, $0xD;
	s1 =	sshrl.u32 s1, $0x2  }
0xbb: {  	s3 =	sand.u32 $0x4000, s31;
	s1 =	sadd.s32 s1, s30  }
0xbc: {  	s0 =	sor.u32 s3, s0;
	s1 =	sshll.u32 s1, $0x11  }
0xbd: {  	s0 =	sor.u32 s1, s0  }
0xbe: {  	s0 =	sadd.s32 $0x8F2B, s0  }
0xbf: {  	[sflag:s0] =	ssyncadd.remote.s32 $0x1  }
0xc0: {  	_ =	sfence.sel $0xFFFF  }
0xc1: {  	[dreg:$0x0] =	wrdreg $0xFFFFFFFF;
	(pc) =	sbr.abs _section_cstart, $3  }
0xc2: {  	[dreg:$0x1] =	wrdreg $0xFFFFFFFF  }
0xc3: {  	_ =	task.clear_ibuf [dreg:s8], $0x2FFFF;
	_ =	strace $0x9FFFFFFF  }
0xc4: {  	(tm) =	ssettm $0x7FFFFFFF  }
0xc5: {  	_ =	shalt  }
tec
execute0_lowered:
.L_overlay_start_1:
0x0: {  	(tag) =	ssettag $0x1  }
0x1: {  	s1 =	rddreg [dreg:$0x0]  }
0x2: {  	s0 =	rddreg [dreg:$0x1]  }
0x3: {  	s2 =	rddreg [dreg:$0x2]  }
0x4: {  	s4 =	srdreg.scid;
	s5 =	stileid.u32  }
0x5: {  	s3 =	simm.s32 $0x0;
	s18 =	simm.s32 $0x8;
	s19 =	simm.s32 $0x18000  }
0x6: {  	s20 =	simm.s32 $0x80;
	s22 =	simm.s32 $0x4000;
	s24 =	simm.s32 $0x8000  }
0x7: {  	s29 =	simm.s32 $0x10000;
	s31 =	simm.s32 $0x14000;
	s23 =	simm.s32 $0x2  }
0x8: {  	s25 =	simm.s32 $0x5;
	s17 =	simm.s32 $0x3;
	s21 =	simm.s32 $0x6  }
0x9: {  	s28 =	simm.s32 $0x0;
	s4 =	sand.u32 $0x1, s4;
	s5 =	sshll.u32 s5, $0x1  }
0xa: {  	[smem:$0x7FF] =	sst s3;
	s26 =	sadd.s32 $0x2800, s0;
	s15 =	sor.u32 s4, s5  }
0xb: {  	_ =	strace $0x80000047;
	[dreg:$0x4] =	wrdreg s26;
	s4 =	ssub.s32 $0x2, s4  }
0xc: {  	s26 =	simm.s32 $0xC000;
	s5 =	sshll.u32 s15, $0x8;
	s30 =	sshrl.u32 s4, $0x1  }
0xd: {  	s7 =	sshll.u32 s15, $0xC;
	p0 =	sne.s32 s15, $0x0;
	p1 =	sne.s32 s15, $0x1F  }
0xe: {  	s6 =	sadd.s32 s5, s0;
	s5 =	sadd.s32 $0x2A00, s0;
	s0 =	ssub.s32 s4, s30  }
.Ltmp0:
0xf: {  	s7 =	sadd.s32 s2, s7;
	s2 =	sadd.s32 $0x100000, s2;
	(pc) =	sbr.rel .LBB2_1-.Ltmp0, $4  }
0x10: {  	s6 =	sadd.s32 $0x800, s6;
	s8 =	sadd.s32 $0x20000, s7;
	s9 =	sadd.s32 $0x40000, s7  }
0x11: {  	s10 =	sadd.s32 $0x60000, s7;
	s11 =	sadd.s32 $0x80000, s7;
	s12 =	sadd.s32 $0xA0000, s7  }
0x12: {  	s13 =	sadd.s32 $0xC0000, s7;
	s14 =	sadd.s32 $0xE0000, s7;
	[dreg:$0x5] =	wrdreg s2  }
0x13: {  	s16 =	smax.u32 s0, $0x1;
	s0 =	simm.s32 $0x1;
	s2 =	simm.s32 $0x4  }
.LBB2_16:
0x14: {  	[tilespmem:s4+$0x0] =	vst v12;
	v5 =	vadd.f32 v5, v10;
	v63 =	vld [tilespmem:s4+$0x70]  }
0x15: {  	[tilespmem:s4+$0x10] =	vst v11;
	v4 =	vadd.f32 v4, v9  }
0x16: {  	v3 =	vadd.f32 v3, v8;
	[tilespmem:s4+$0x20] =	vst v5  }
0x17: {  	v2 =	vadd.f32 v2, v6;
	[tilespmem:s4+$0x30] =	vst v4  }
0x18: {  	v1 =	vadd.f32 v1, v7;
	[tilespmem:s4+$0x40] =	vst v3  }
0x19: {  	[tilespmem:s4+$0x50] =	vst v2;
	v0 =	vadd.f32 v0, v63  }
0x1a: {  	[tilespmem:s4+$0x60] =	vst v1  }
0x1b: {  	s30 =	rddreg [dreg:$0x5];
	[tilespmem:s4+$0x70] =	vst v0  }
0x1c: {  	[hbm4b:s30+s3] =	stream.linear.scatter [tilespmem:s3], [sflag:$0x8], $0x1000, $0x38;
	[tilespmem:$0x19880] =	vst v63  }
0x1d: {  	_ =	swait.ge [sflag:s18], $0x1000  }
0x1e: {  	[sflag:s18] =	ssyncset.done $0x0  }
0x1f: {  	[sflag:s18] =	ssyncadd.s32 $0xFFFFF000  }
.LBB2_17:
0x20: {  	s28 =	sadd.s32 $0x1, s28  }
0x21: {  	p2 =	sne.s32 s28, s16  }
.Ltmp1:
0x22: {  	_ = 	snop;
	(pc) =	sbr.rel @!p2 .LBB2_18-.Ltmp1, $1  }
0x23: {  	_ =	sdelay $0x3  }
.LBB2_1:
0x24: {  	s4 =	simm.s32 $0x18880  }
0x25: {  	[tilespmem:s4], [sflag:$0x8] =	stream.linear.gather [hbm4b:s5+s3], $0x1000, $0x38;
	[tilespmem:$0x19880] =	vst v63  }
0x26: {  	_ =	swait.ge [sflag:s18], $0x1000  }
0x27: {  	[sflag:s18] =	ssyncset.done $0x0  }
0x28: {  	[sflag:s18] =	ssyncadd.s32 $0xFFFFF000  }
0x29: {  	[tilespmem:s19], [sflag:$0x8] =	stream.linear.gather [hbm4b:s6+s3], $0x800, $0x38;
	[tilespmem:$0x19880] =	vst v63  }
0x2a: {  	_ =	swait.ge [sflag:s18], $0x800  }
0x2b: {  	[sflag:s18] =	ssyncset.done $0x0  }
0x2c: {  	[sflag:s18] =	ssyncadd.s32 $0xFFFFF800  }
0x2d: {  	[tilespmem:s3], [sflag:$0x1] =	stream.indirect.gather [hbm4b:s1+s20], $0x80, s19, s20, $0xb8;
	[tilespmem:$0x19880] =	vst v63  }
0x2e: {  	s30 =	simm.s32 $0x18080  }
0x2f: {  	[tilespmem:s22], [sflag:$0x1] =	stream.indirect.gather [hbm4b:s1+s20], $0x80, s30, s20, $0xb8;
	[tilespmem:$0x19880] =	vst v63  }
0x30: {  	s15 =	simm.s32 $0x18100  }
0x31: {  	[tilespmem:s24], [sflag:$0x2] =	stream.indirect.gather [hbm4b:s1+s20], $0x80, s15, s20, $0xb8;
	[tilespmem:$0x19880] =	vst v63  }
0x32: {  	s30 =	simm.s32 $0x18180  }
0x33: {  	[tilespmem:s26], [sflag:$0x2] =	stream.indirect.gather [hbm4b:s1+s20], $0x80, s30, s20, $0xb8;
	[tilespmem:$0x19880] =	vst v63  }
0x34: {  	s15 =	simm.s32 $0x18200  }
0x35: {  	[tilespmem:s29], [sflag:$0x3] =	stream.indirect.gather [hbm4b:s1+s20], $0x80, s15, s20, $0xb8;
	[tilespmem:$0x19880] =	vst v63  }
0x36: {  	s30 =	simm.s32 $0x18280  }
0x37: {  	[tilespmem:s31], [sflag:$0x3] =	stream.indirect.gather [hbm4b:s1+s20], $0x80, s30, s20, $0xb8;
	[tilespmem:$0x19880] =	vst v63  }
0x38: {  	_ =	swait.ge [sflag:s0], $0x4000  }
0x39: {  	[sflag:s0] =	ssyncset.done $0x0  }
0x3a: {  	[sflag:s0] =	ssyncadd.s32 $0xFFFFC000  }
0x3b: {  	_ =	swait.ge [sflag:s0], $0x4000  }
0x3c: {  	[sflag:s0] =	ssyncset.done $0x0  }
0x3d: {  	[sflag:s0] =	ssyncadd.s32 $0xFFFFC000  }
0x3e: {  	[hbm4b:s7+s3] =	stream.linear.scatter [tilespmem:s3], [sflag:$0x4], $0x8000, $0x38;
	[tilespmem:$0x19880] =	vst v63  }
0x3f: {  	_ =	swait.ge [sflag:s2], $0x8000  }
0x40: {  	[sflag:s2] =	ssyncset.done $0x0  }
0x41: {  	s15 =	simm.s32 $0x18300;
	[sflag:s2] =	ssyncadd.s32 $0xFFFF8000  }
0x42: {  	[tilespmem:s3], [sflag:$0x1] =	stream.indirect.gather [hbm4b:s1+s20], $0x80, s15, s20, $0xb8;
	[tilespmem:$0x19880] =	vst v63  }
0x43: {  	s30 =	simm.s32 $0x18380  }
0x44: {  	[tilespmem:s22], [sflag:$0x1] =	stream.indirect.gather [hbm4b:s1+s20], $0x80, s30, s20, $0xb8;
	[tilespmem:$0x19880] =	vst v63  }
0x45: {  	_ =	swait.ge [sflag:s23], $0x4000  }
0x46: {  	[sflag:s23] =	ssyncset.done $0x0  }
0x47: {  	[sflag:s23] =	ssyncadd.s32 $0xFFFFC000  }
0x48: {  	_ =	swait.ge [sflag:s23], $0x4000  }
0x49: {  	[sflag:s23] =	ssyncset.done $0x0  }
0x4a: {  	[sflag:s23] =	ssyncadd.s32 $0xFFFFC000  }
0x4b: {  	[hbm4b:s8+s3] =	stream.linear.scatter [tilespmem:s24], [sflag:$0x5], $0x8000, $0x38;
	[tilespmem:$0x19880] =	vst v63  }
0x4c: {  	_ =	swait.ge [sflag:s25], $0x8000  }
0x4d: {  	[sflag:s25] =	ssyncset.done $0x0  }
0x4e: {  	s15 =	simm.s32 $0x18400;
	[sflag:s25] =	ssyncadd.s32 $0xFFFF8000  }
0x4f: {  	[tilespmem:s24], [sflag:$0x2] =	stream.indirect.gather [hbm4b:s1+s20], $0x80, s15, s20, $0xb8;
	[tilespmem:$0x19880] =	vst v63  }
0x50: {  	s30 =	simm.s32 $0x18480  }
0x51: {  	[tilespmem:s26], [sflag:$0x2] =	stream.indirect.gather [hbm4b:s1+s20], $0x80, s30, s20, $0xb8;
	[tilespmem:$0x19880] =	vst v63  }
0x52: {  	_ =	swait.ge [sflag:s17], $0x4000  }
0x53: {  	[sflag:s17] =	ssyncset.done $0x0  }
0x54: {  	[sflag:s17] =	ssyncadd.s32 $0xFFFFC000  }
0x55: {  	_ =	swait.ge [sflag:s17], $0x4000  }
0x56: {  	[sflag:s17] =	ssyncset.done $0x0  }
0x57: {  	[sflag:s17] =	ssyncadd.s32 $0xFFFFC000  }
0x58: {  	[hbm4b:s9+s3] =	stream.linear.scatter [tilespmem:s29], [sflag:$0x6], $0x8000, $0x38;
	[tilespmem:$0x19880] =	vst v63  }
0x59: {  	_ =	swait.ge [sflag:s21], $0x8000  }
0x5a: {  	[sflag:s21] =	ssyncset.done $0x0  }
0x5b: {  	s15 =	simm.s32 $0x18500;
	[sflag:s21] =	ssyncadd.s32 $0xFFFF8000  }
0x5c: {  	[tilespmem:s29], [sflag:$0x3] =	stream.indirect.gather [hbm4b:s1+s20], $0x80, s15, s20, $0xb8;
	[tilespmem:$0x19880] =	vst v63  }
0x5d: {  	s30 =	simm.s32 $0x18580  }
0x5e: {  	[tilespmem:s31], [sflag:$0x3] =	stream.indirect.gather [hbm4b:s1+s20], $0x80, s30, s20, $0xb8;
	[tilespmem:$0x19880] =	vst v63  }
0x5f: {  	_ =	swait.ge [sflag:s0], $0x4000  }
0x60: {  	[sflag:s0] =	ssyncset.done $0x0  }
0x61: {  	[sflag:s0] =	ssyncadd.s32 $0xFFFFC000  }
0x62: {  	_ =	swait.ge [sflag:s0], $0x4000  }
0x63: {  	[sflag:s0] =	ssyncset.done $0x0  }
0x64: {  	[sflag:s0] =	ssyncadd.s32 $0xFFFFC000  }
0x65: {  	[hbm4b:s10+s3] =	stream.linear.scatter [tilespmem:s3], [sflag:$0x4], $0x8000, $0x38;
	[tilespmem:$0x19880] =	vst v63  }
0x66: {  	_ =	swait.ge [sflag:s2], $0x8000  }
0x67: {  	[sflag:s2] =	ssyncset.done $0x0  }
0x68: {  	s15 =	simm.s32 $0x18600;
	[sflag:s2] =	ssyncadd.s32 $0xFFFF8000  }
0x69: {  	[tilespmem:s3], [sflag:$0x1] =	stream.indirect.gather [hbm4b:s1+s20], $0x80, s15, s20, $0xb8;
	[tilespmem:$0x19880] =	vst v63  }
0x6a: {  	s30 =	simm.s32 $0x18680  }
0x6b: {  	[tilespmem:s22], [sflag:$0x1] =	stream.indirect.gather [hbm4b:s1+s20], $0x80, s30, s20, $0xb8;
	[tilespmem:$0x19880] =	vst v63  }
0x6c: {  	_ =	swait.ge [sflag:s23], $0x4000  }
0x6d: {  	[sflag:s23] =	ssyncset.done $0x0  }
0x6e: {  	[sflag:s23] =	ssyncadd.s32 $0xFFFFC000  }
0x6f: {  	_ =	swait.ge [sflag:s23], $0x4000  }
0x70: {  	[sflag:s23] =	ssyncset.done $0x0  }
0x71: {  	s4 =	simm.s32 $0x0;
	[sflag:s23] =	ssyncadd.s32 $0xFFFFC000  }
0x72: {  	v3 =	vld [tilespmem:s4+$0x18880]  }
0x73: {  	v4 =	vld [tilespmem:s4+$0x18890]  }
0x74: {  	v5 =	vld [tilespmem:s4+$0x188A0]  }
0x75: {  	v6 =	vld [tilespmem:s4+$0x188B0]  }
0x76: {  	v7 =	vld [tilespmem:s4+$0x188C0]  }
0x77: {  	v2 =	vld [tilespmem:s4+$0x188D0]  }
0x78: {  	v8 =	vld [tilespmem:s4+$0x8000]  }
0x79: {  	v9 =	vld [tilespmem:s4+$0x9000]  }
0x7a: {  	v10 =	vld [tilespmem:s4+$0xA000]  }
0x7b: {  	v11 =	vld [tilespmem:s4+$0xB000]  }
0x7c: {  	v12 =	vld [tilespmem:s4+$0xC000]  }
0x7d: {  	v13 =	vld [tilespmem:s4+$0xD000]  }
0x7e: {  	v14 =	vld [tilespmem:s4+$0xE000]  }
0x7f: {  	v32 =	vld [tilespmem:s4+$0x8010]  }
0x80: {  	v33 =	vld [tilespmem:s4+$0x9010]  }
0x81: {  	v34 =	vld [tilespmem:s4+$0xA010]  }
0x82: {  	v35 =	vld [tilespmem:s4+$0xB010];
	v8 =	vadd.f32 v8, v3  }
0x83: {  	v38 =	vld [tilespmem:s4+$0x8020];
	v9 =	vadd.f32 v9, v3  }
0x84: {  	v10 =	vadd.f32 v10, v3;
	[tilespmem:s4+$0x8000] =	vst v8;
	v8 =	vld [tilespmem:s4+$0xF000]  }
0x85: {  	v39 =	vld [tilespmem:s4+$0x9020];
	v11 =	vadd.f32 v11, v3;
	[tilespmem:s4+$0x9000] =	vst v9  }
0x86: {  	v40 =	vld [tilespmem:s4+$0xA020];
	v12 =	vadd.f32 v12, v3;
	[tilespmem:s4+$0xA000] =	vst v10  }
0x87: {  	v41 =	vld [tilespmem:s4+$0xB020];
	v13 =	vadd.f32 v13, v3;
	[tilespmem:s4+$0xB000] =	vst v11  }
0x88: {  	v46 =	vld [tilespmem:s4+$0x8030];
	v14 =	vadd.f32 v14, v3;
	[tilespmem:s4+$0xC000] =	vst v12  }
0x89: {  	v36 =	vld [tilespmem:s4+$0xC010];
	[tilespmem:s4+$0xD000] =	vst v13;
	v3 =	vadd.f32 v8, v3  }
0x8a: {  	v42 =	vadd.f32 v38, v5;
	[tilespmem:s4+$0xE000] =	vst v14;
	v8 =	vld [tilespmem:s4+$0xD010]  }
0x8b: {  	v43 =	vadd.f32 v39, v5;
	[tilespmem:s4+$0xF000] =	vst v3;
	v3 =	vld [tilespmem:s4+$0xE010]  }
0x8c: {  	v37 =	vld [tilespmem:s4+$0xF010];
	v45 =	vadd.f32 v40, v5;
	[tilespmem:s4+$0x8020] =	vst v42  }
0x8d: {  	v48 =	vld [tilespmem:s4+$0x9030];
	v47 =	vadd.f32 v41, v5;
	v50 =	vadd.f32 v46, v6;
	[tilespmem:s4+$0x9020] =	vst v43  }
0x8e: {  	v49 =	vld [tilespmem:s4+$0xA030];
	v9 =	vadd.f32 v32, v4;
	v10 =	vadd.f32 v33, v4;
	[tilespmem:s4+$0xA020] =	vst v45  }
0x8f: {  	v54 =	vld [tilespmem:s4+$0x8040];
	v11 =	vadd.f32 v34, v4;
	[tilespmem:s4+$0xB020] =	vst v47;
	v8 =	vadd.f32 v8, v4  }
0x90: {  	v55 =	vld [tilespmem:s4+$0x9040];
	v12 =	vadd.f32 v35, v4;
	[tilespmem:s4+$0x8030] =	vst v50;
	v3 =	vadd.f32 v3, v4  }
0x91: {  	v13 =	vadd.f32 v36, v4;
	[tilespmem:s4+$0xD010] =	vst v8;
	v8 =	vld [tilespmem:s4+$0xC020];
	v4 =	vadd.f32 v37, v4  }
0x92: {  	v51 =	vadd.f32 v48, v6;
	[tilespmem:s4+$0xE010] =	vst v3;
	v3 =	vld [tilespmem:s4+$0xD020]  }
0x93: {  	v53 =	vadd.f32 v49, v6;
	[tilespmem:s4+$0xF010] =	vst v4;
	v4 =	vld [tilespmem:s4+$0xE020]  }
0x94: {  	v44 =	vld [tilespmem:s4+$0xF020];
	v56 =	vadd.f32 v54, v7;
	[tilespmem:s4+$0x9030] =	vst v51  }
0x95: {  	v59 =	vld [tilespmem:s4+$0x8050];
	v57 =	vadd.f32 v55, v7;
	[tilespmem:s4+$0xA030] =	vst v53  }
0x96: {  	[tilespmem:s4+$0x8040] =	vst v56;
	v8 =	vadd.f32 v8, v5  }
0x97: {  	v52 =	vld [tilespmem:s4+$0xF030];
	[tilespmem:s4+$0x9040] =	vst v57;
	v3 =	vadd.f32 v3, v5  }
0x98: {  	[tilespmem:s4+$0xC020] =	vst v8;
	v8 =	vld [tilespmem:s4+$0xB030];
	v4 =	vadd.f32 v4, v5  }
0x99: {  	v5 =	vadd.f32 v44, v5;
	[tilespmem:s4+$0xD020] =	vst v3;
	v3 =	vld [tilespmem:s4+$0xC030]  }
0x9a: {  	v60 =	vadd.f32 v59, v2;
	[tilespmem:s4+$0xE020] =	vst v4;
	v4 =	vld [tilespmem:s4+$0xD030]  }
0x9b: {  	[tilespmem:s4+$0xF020] =	vst v5;
	v5 =	vld [tilespmem:s4+$0xE030]  }
0x9c: {  	[tilespmem:s4+$0x8050] =	vst v60  }
0x9d: {  	[tilespmem:s4+$0x8010] =	vst v9;
	v8 =	vadd.f32 v8, v6  }
0x9e: {  	v1 =	vld [tilespmem:s4+$0x188E0];
	[tilespmem:s4+$0x9010] =	vst v10;
	v3 =	vadd.f32 v3, v6  }
0x9f: {  	[tilespmem:s4+$0xB030] =	vst v8;
	v8 =	vld [tilespmem:s4+$0xA040];
	v4 =	vadd.f32 v4, v6  }
0xa0: {  	v5 =	vadd.f32 v5, v6;
	v6 =	vadd.f32 v52, v6;
	[tilespmem:s4+$0xC030] =	vst v3;
	v3 =	vld [tilespmem:s4+$0xB040]  }
0xa1: {  	[tilespmem:s4+$0xD030] =	vst v4;
	v4 =	vld [tilespmem:s4+$0xC040]  }
0xa2: {  	[tilespmem:s4+$0xF030] =	vst v6;
	v6 =	vld [tilespmem:s4+$0xE040]  }
0xa3: {  	[tilespmem:s4+$0xE030] =	vst v5;
	v5 =	vld [tilespmem:s4+$0xD040]  }
0xa4: {  	v58 =	vld [tilespmem:s4+$0xF040];
	[tilespmem:s4+$0xA010] =	vst v11;
	v8 =	vadd.f32 v8, v7  }
0xa5: {  	v0 =	vld [tilespmem:s4+$0x188F0];
	[tilespmem:s4+$0xB010] =	vst v12;
	v3 =	vadd.f32 v3, v7  }
0xa6: {  	[tilespmem:s4+$0xA040] =	vst v8;
	v8 =	vld [tilespmem:s4+$0x9050];
	v4 =	vadd.f32 v4, v7  }
0xa7: {  	v6 =	vadd.f32 v6, v7;
	[tilespmem:s4+$0xB040] =	vst v3;
	v3 =	vld [tilespmem:s4+$0xA050]  }
0xa8: {  	v5 =	vadd.f32 v5, v7;
	[tilespmem:s4+$0xC040] =	vst v4;
	v4 =	vld [tilespmem:s4+$0xB050]  }
0xa9: {  	v7 =	vadd.f32 v58, v7;
	[tilespmem:s4+$0xE040] =	vst v6;
	v6 =	vld [tilespmem:s4+$0xD050]  }
0xaa: {  	[tilespmem:s4+$0xD040] =	vst v5;
	v5 =	vld [tilespmem:s4+$0xC050]  }
0xab: {  	[tilespmem:s4+$0xF040] =	vst v7;
	v7 =	vld [tilespmem:s4+$0xE050];
	v8 =	vadd.f32 v8, v2  }
0xac: {  	v61 =	vld [tilespmem:s4+$0xF050];
	[tilespmem:s4+$0xC010] =	vst v13;
	v3 =	vadd.f32 v3, v2  }
0xad: {  	[tilespmem:s4+$0x9050] =	vst v8;
	v8 =	vld [tilespmem:s4+$0x8060];
	v4 =	vadd.f32 v4, v2  }
0xae: {  	v6 =	vadd.f32 v6, v2;
	[tilespmem:s4+$0xA050] =	vst v3;
	v3 =	vld [tilespmem:s4+$0x9060]  }
0xaf: {  	v5 =	vadd.f32 v5, v2;
	[tilespmem:s4+$0xB050] =	vst v4;
	v4 =	vld [tilespmem:s4+$0xA060]  }
0xb0: {  	v7 =	vadd.f32 v7, v2;
	[tilespmem:s4+$0xD050] =	vst v6;
	v6 =	vld [tilespmem:s4+$0xC060]  }
0xb1: {  	v2 =	vadd.f32 v61, v2;
	[tilespmem:s4+$0xC050] =	vst v5;
	v5 =	vld [tilespmem:s4+$0xB060]  }
0xb2: {  	[tilespmem:s4+$0xE050] =	vst v7;
	v7 =	vld [tilespmem:s4+$0xD060];
	v8 =	vadd.f32 v8, v1  }
0xb3: {  	v62 =	vld [tilespmem:s4+$0xE060];
	[tilespmem:s4+$0xF050] =	vst v2;
	v2 =	vadd.f32 v3, v1  }
0xb4: {  	[tilespmem:s4+$0x8060] =	vst v8;
	v8 =	vld [tilespmem:s4+$0xF060];
	v3 =	vadd.f32 v4, v1  }
0xb5: {  	v63 =	vld [tilespmem:s4+$0x8070];
	v4 =	vadd.f32 v6, v1;
	[tilespmem:s4+$0x9060] =	vst v2  }
0xb6: {  	v2 =	vadd.f32 v5, v1;
	[tilespmem:s4+$0xA060] =	vst v3;
	v5 =	vld [tilespmem:s4+$0x9070]  }
0xb7: {  	v6 =	vadd.f32 v7, v1;
	v3 =	vld [tilespmem:s4+$0xA070];
	[tilespmem:s4+$0xC060] =	vst v4  }
0xb8: {  	v7 =	vadd.f32 v62, v1;
	[tilespmem:s4+$0xB060] =	vst v2;
	v2 =	vld [tilespmem:s4+$0xB070]  }
0xb9: {  	[tilespmem:s4+$0xD060] =	vst v6;
	v4 =	vld [tilespmem:s4+$0xC070];
	v6 =	vadd.f32 v8, v1  }
0xba: {  	[tilespmem:s4+$0xE060] =	vst v7;
	v7 =	vadd.f32 v63, v0;
	v1 =	vld [tilespmem:s4+$0xD070]  }
0xbb: {  	s15 =	simm.s32 $0x200;
	[tilespmem:s4+$0xF060] =	vst v6;
	v6 =	vadd.f32 v5, v0;
	v5 =	vld [tilespmem:s4+$0xE070]  }
.LBB2_2:
0xbc: {  	s30 =	sshra.s32 s15, $0x2;
	p2 =	sne.s32 s15, $0x3E00;
	[tilespmem:s4+$0x8070] =	vst v7;
	v3 =	vadd.f32 v3, v0;
	v7 =	vld [tilespmem:s4+$0xF070]  }
0xbd: {  	v8 =	vld [tilespmem:s30+$0x18880];
	[tilespmem:s4+$0x9070] =	vst v6;
	v2 =	vadd.f32 v2, v0  }
0xbe: {  	v6 =	vld [tilespmem:s30+$0x18890];
	[tilespmem:s4+$0xA070] =	vst v3;
	v3 =	vadd.f32 v4, v0  }
0xbf: {  	v9 =	vld [tilespmem:s30+$0x188A0];
	[tilespmem:s4+$0xB070] =	vst v2;
	v1 =	vadd.f32 v1, v0  }
0xc0: {  	v4 =	vld [tilespmem:s30+$0x188B0];
	[tilespmem:s4+$0xC070] =	vst v3;
	v5 =	vadd.f32 v5, v0  }
0xc1: {  	v3 =	vld [tilespmem:s30+$0x188C0];
	[tilespmem:s4+$0xD070] =	vst v1;
	v0 =	vadd.f32 v7, v0  }
0xc2: {  	v2 =	vld [tilespmem:s30+$0x188D0];
	[tilespmem:s4+$0xE070] =	vst v5  }
0xc3: {  	v1 =	vld [tilespmem:s30+$0x188E0];
	[tilespmem:s4+$0xF070] =	vst v0;
	s4 =	smov.u32 s30  }
0xc4: {  	v0 =	vld [tilespmem:s4+$0x188F0]  }
0xc5: {  	v5 =	vld [tilespmem:s4+$0x8000]  }
0xc6: {  	v7 =	vld [tilespmem:s4+$0x9000]  }
0xc7: {  	v10 =	vld [tilespmem:s4+$0xA000]  }
0xc8: {  	v11 =	vld [tilespmem:s4+$0xB000]  }
0xc9: {  	v12 =	vld [tilespmem:s4+$0xC000]  }
0xca: {  	v5 =	vadd.f32 v5, v8;
	v13 =	vld [tilespmem:s4+$0xD000]  }
0xcb: {  	v7 =	vadd.f32 v7, v8;
	v14 =	vld [tilespmem:s4+$0xE000]  }
0xcc: {  	[tilespmem:s4+$0x8000] =	vst v5;
	v5 =	vadd.f32 v10, v8;
	v10 =	vld [tilespmem:s4+$0xF000]  }
0xcd: {  	[tilespmem:s4+$0x9000] =	vst v7;
	v7 =	vadd.f32 v11, v8;
	v11 =	vld [tilespmem:s4+$0x8010]  }
0xce: {  	[tilespmem:s4+$0xA000] =	vst v5;
	v5 =	vadd.f32 v12, v8;
	v12 =	vld [tilespmem:s4+$0x9010]  }
0xcf: {  	[tilespmem:s4+$0xB000] =	vst v7;
	v7 =	vadd.f32 v13, v8;
	v13 =	vld [tilespmem:s4+$0xA010]  }
0xd0: {  	[tilespmem:s4+$0xC000] =	vst v5;
	v5 =	vadd.f32 v14, v8;
	v14 =	vld [tilespmem:s4+$0xB010]  }
0xd1: {  	[tilespmem:s4+$0xD000] =	vst v7;
	v7 =	vadd.f32 v10, v8;
	v8 =	vld [tilespmem:s4+$0xC010]  }
0xd2: {  	[tilespmem:s4+$0xE000] =	vst v5;
	v5 =	vadd.f32 v11, v6;
	v10 =	vld [tilespmem:s4+$0xD010]  }
0xd3: {  	[tilespmem:s4+$0xF000] =	vst v7;
	v7 =	vadd.f32 v12, v6;
	v11 =	vld [tilespmem:s4+$0xE010]  }
0xd4: {  	[tilespmem:s4+$0x8010] =	vst v5;
	v5 =	vadd.f32 v13, v6;
	v12 =	vld [tilespmem:s4+$0xF010]  }
0xd5: {  	[tilespmem:s4+$0x9010] =	vst v7;
	v7 =	vadd.f32 v14, v6;
	v13 =	vld [tilespmem:s4+$0x8020]  }
0xd6: {  	[tilespmem:s4+$0xA010] =	vst v5;
	v5 =	vadd.f32 v8, v6;
	v8 =	vld [tilespmem:s4+$0x9020]  }
0xd7: {  	[tilespmem:s4+$0xB010] =	vst v7;
	v7 =	vadd.f32 v10, v6;
	v10 =	vld [tilespmem:s4+$0xA020]  }
0xd8: {  	[tilespmem:s4+$0xC010] =	vst v5;
	v5 =	vadd.f32 v11, v6;
	v11 =	vld [tilespmem:s4+$0xB020]  }
0xd9: {  	[tilespmem:s4+$0xD010] =	vst v7;
	v6 =	vadd.f32 v12, v6;
	v7 =	vld [tilespmem:s4+$0xC020]  }
0xda: {  	[tilespmem:s4+$0xE010] =	vst v5;
	v5 =	vadd.f32 v13, v9;
	v12 =	vld [tilespmem:s4+$0xD020]  }
0xdb: {  	[tilespmem:s4+$0xF010] =	vst v6;
	v6 =	vadd.f32 v8, v9;
	v8 =	vld [tilespmem:s4+$0xE020]  }
0xdc: {  	[tilespmem:s4+$0x8020] =	vst v5;
	v5 =	vadd.f32 v10, v9;
	v10 =	vld [tilespmem:s4+$0xF020]  }
0xdd: {  	[tilespmem:s4+$0x9020] =	vst v6;
	v6 =	vadd.f32 v11, v9;
	v11 =	vld [tilespmem:s4+$0x8030]  }
0xde: {  	[tilespmem:s4+$0xA020] =	vst v5;
	v5 =	vadd.f32 v7, v9;
	v7 =	vld [tilespmem:s4+$0x9030]  }
0xdf: {  	[tilespmem:s4+$0xB020] =	vst v6;
	v6 =	vadd.f32 v12, v9;
	v12 =	vld [tilespmem:s4+$0xA030]  }
0xe0: {  	[tilespmem:s4+$0xC020] =	vst v5;
	v5 =	vadd.f32 v8, v9;
	v8 =	vld [tilespmem:s4+$0xB030]  }
0xe1: {  	[tilespmem:s4+$0xD020] =	vst v6;
	v6 =	vadd.f32 v10, v9;
	v9 =	vld [tilespmem:s4+$0xC030]  }
0xe2: {  	[tilespmem:s4+$0xE020] =	vst v5;
	v5 =	vadd.f32 v11, v4;
	v10 =	vld [tilespmem:s4+$0xD030]  }
0xe3: {  	[tilespmem:s4+$0xF020] =	vst v6;
	v6 =	vadd.f32 v7, v4;
	v7 =	vld [tilespmem:s4+$0xE030]  }
0xe4: {  	[tilespmem:s4+$0x8030] =	vst v5;
	v5 =	vadd.f32 v12, v4;
	v11 =	vld [tilespmem:s4+$0xF030]  }
0xe5: {  	[tilespmem:s4+$0x9030] =	vst v6;
	v6 =	vadd.f32 v8, v4;
	v8 =	vld [tilespmem:s4+$0x8040]  }
0xe6: {  	[tilespmem:s4+$0xA030] =	vst v5;
	v5 =	vadd.f32 v9, v4;
	v9 =	vld [tilespmem:s4+$0x9040]  }
0xe7: {  	[tilespmem:s4+$0xB030] =	vst v6;
	v6 =	vadd.f32 v10, v4;
	v10 =	vld [tilespmem:s4+$0xA040]  }
0xe8: {  	[tilespmem:s4+$0xC030] =	vst v5;
	v5 =	vadd.f32 v7, v4;
	v7 =	vld [tilespmem:s4+$0xB040]  }
0xe9: {  	[tilespmem:s4+$0xD030] =	vst v6;
	v4 =	vadd.f32 v11, v4;
	v6 =	vld [tilespmem:s4+$0xC040]  }
0xea: {  	[tilespmem:s4+$0xE030] =	vst v5;
	v5 =	vadd.f32 v8, v3;
	v8 =	vld [tilespmem:s4+$0xD040]  }
0xeb: {  	[tilespmem:s4+$0xF030] =	vst v4;
	v4 =	vadd.f32 v9, v3;
	v9 =	vld [tilespmem:s4+$0xE040]  }
0xec: {  	[tilespmem:s4+$0x8040] =	vst v5;
	v5 =	vadd.f32 v10, v3;
	v10 =	vld [tilespmem:s4+$0xF040]  }
0xed: {  	[tilespmem:s4+$0x9040] =	vst v4;
	v4 =	vadd.f32 v7, v3;
	v7 =	vld [tilespmem:s4+$0x8050]  }
0xee: {  	[tilespmem:s4+$0xA040] =	vst v5;
	v5 =	vadd.f32 v6, v3;
	v6 =	vld [tilespmem:s4+$0x9050]  }
0xef: {  	[tilespmem:s4+$0xB040] =	vst v4;
	v4 =	vadd.f32 v8, v3;
	v8 =	vld [tilespmem:s4+$0xA050]  }
0xf0: {  	[tilespmem:s4+$0xC040] =	vst v5;
	v5 =	vadd.f32 v9, v3;
	v9 =	vld [tilespmem:s4+$0xB050]  }
0xf1: {  	[tilespmem:s4+$0xD040] =	vst v4;
	v3 =	vadd.f32 v10, v3;
	v4 =	vld [tilespmem:s4+$0xC050]  }
0xf2: {  	[tilespmem:s4+$0xE040] =	vst v5;
	v5 =	vadd.f32 v7, v2;
	v7 =	vld [tilespmem:s4+$0xD050]  }
0xf3: {  	[tilespmem:s4+$0xF040] =	vst v3;
	v3 =	vadd.f32 v6, v2;
	v6 =	vld [tilespmem:s4+$0xE050]  }
0xf4: {  	[tilespmem:s4+$0x8050] =	vst v5;
	v5 =	vadd.f32 v8, v2;
	v8 =	vld [tilespmem:s4+$0xF050]  }
0xf5: {  	[tilespmem:s4+$0x9050] =	vst v3;
	v3 =	vadd.f32 v9, v2;
	v9 =	vld [tilespmem:s4+$0x8060]  }
0xf6: {  	[tilespmem:s4+$0xA050] =	vst v5;
	v4 =	vadd.f32 v4, v2;
	v5 =	vld [tilespmem:s4+$0x9060]  }
0xf7: {  	[tilespmem:s4+$0xB050] =	vst v3;
	v3 =	vadd.f32 v7, v2;
	v7 =	vld [tilespmem:s4+$0xA060]  }
0xf8: {  	[tilespmem:s4+$0xC050] =	vst v4;
	v4 =	vadd.f32 v6, v2;
	v6 =	vld [tilespmem:s4+$0xB060]  }
0xf9: {  	[tilespmem:s4+$0xD050] =	vst v3;
	v2 =	vadd.f32 v8, v2;
	v3 =	vld [tilespmem:s4+$0xC060]  }
0xfa: {  	[tilespmem:s4+$0xE050] =	vst v4;
	v4 =	vadd.f32 v9, v1;
	v8 =	vld [tilespmem:s4+$0xD060]  }
0xfb: {  	[tilespmem:s4+$0xF050] =	vst v2;
	v2 =	vadd.f32 v5, v1;
	v5 =	vld [tilespmem:s4+$0xE060]  }
0xfc: {  	[tilespmem:s4+$0x8060] =	vst v4;
	v4 =	vadd.f32 v7, v1;
	v7 =	vld [tilespmem:s4+$0xF060]  }
0xfd: {  	[tilespmem:s4+$0x9060] =	vst v2;
	v2 =	vadd.f32 v6, v1;
	v6 =	vld [tilespmem:s4+$0x8070]  }
0xfe: {  	[tilespmem:s4+$0xA060] =	vst v4;
	v4 =	vadd.f32 v3, v1;
	v9 =	vld [tilespmem:s4+$0x9070]  }
.Ltmp2:
0xff: {  	[tilespmem:s4+$0xB060] =	vst v2;
	v8 =	vadd.f32 v8, v1;
	v3 =	vld [tilespmem:s4+$0xA070];
	(pc) =	sbr.rel @p2 .LBB2_2-.Ltmp2, $4  }
0x100: {  	[tilespmem:s4+$0xC060] =	vst v4;
	v5 =	vadd.f32 v5, v1;
	v2 =	vld [tilespmem:s4+$0xB070]  }
0x101: {  	[tilespmem:s4+$0xD060] =	vst v8;
	v8 =	vadd.f32 v7, v1;
	v4 =	vld [tilespmem:s4+$0xC070]  }
0x102: {  	[tilespmem:s4+$0xE060] =	vst v5;
	v7 =	vadd.f32 v6, v0;
	v1 =	vld [tilespmem:s4+$0xD070]  }
0x103: {  	s15 =	sadd.s32 $0x200, s15;
	[tilespmem:s4+$0xF060] =	vst v8;
	v6 =	vadd.f32 v9, v0;
	v5 =	vld [tilespmem:s4+$0xE070]  }
0x104: {  	[tilespmem:s4+$0x8070] =	vst v7;
	v3 =	vadd.f32 v3, v0;
	v60 =	vld [tilespmem:s4+$0xF070]  }
0x105: {  	[tilespmem:s4+$0x9070] =	vst v6;
	v2 =	vadd.f32 v2, v0  }
0x106: {  	[tilespmem:s4+$0xA070] =	vst v3;
	v61 =	vadd.f32 v4, v0  }
.Ltmp3:
0x107: {  	[tilespmem:s4+$0xB070] =	vst v2;
	v1 =	vadd.f32 v1, v0;
	(pc) =	sbr.rel @p0 .LBB2_7-.Ltmp3, $4  }
0x108: {  	[tilespmem:s4+$0xC070] =	vst v61;
	v62 =	vadd.f32 v5, v0  }
0x109: {  	[tilespmem:s4+$0xD070] =	vst v1;
	v63 =	vadd.f32 v60, v0  }
0x10a: {  	[tilespmem:s4+$0xE070] =	vst v62  }
0x10b: {  	[tilespmem:s4+$0xF070] =	vst v63  }
0x10c: {  	s4 =	simm.s32 $0x0  }
0x10d: {  	v7 =	vld [tilespmem:s4+$0x18880]  }
0x10e: {  	v11 =	vld [tilespmem:s4+$0x18890]  }
0x10f: {  	v5 =	vld [tilespmem:s4+$0x188A0]  }
0x110: {  	v4 =	vld [tilespmem:s4+$0x188B0]  }
0x111: {  	v3 =	vld [tilespmem:s4+$0x188C0]  }
0x112: {  	v2 =	vld [tilespmem:s4+$0x188D0]  }
0x113: {  	v1 =	vld [tilespmem:s4+$0x188E0]  }
0x114: {  	v0 =	vld [tilespmem:s4+$0x188F0]  }
0x115: {  	v12 =	vld [tilespmem:s4+$0x8000]  }
0x116: {  	v13 =	vld [tilespmem:s4+$0x8010]  }
0x117: {  	v10 =	vld [tilespmem:s4+$0x8020]  }
0x118: {  	v9 =	vld [tilespmem:s4+$0x8030]  }
0x119: {  	v8 =	vld [tilespmem:s4+$0x8040]  }
0x11a: {  	v6 =	vld [tilespmem:s4+$0x8050];
	v12 =	vsub.f32 v12, v7  }
0x11b: {  	s15 =	simm.s32 $0x200;
	v11 =	vsub.f32 v13, v11;
	v7 =	vld [tilespmem:s4+$0x8060]  }
.LBB2_5:
0x11c: {  	s30 =	sshra.s32 s15, $0x2;
	p2 =	sne.s32 s15, $0x3E00;
	[tilespmem:s4+$0x8000] =	vst v12;
	v5 =	vsub.f32 v10, v5;
	v10 =	vld [tilespmem:s4+$0x8070]  }
0x11d: {  	v12 =	vld [tilespmem:s30+$0x18880];
	[tilespmem:s4+$0x8010] =	vst v11;
	v4 =	vsub.f32 v9, v4  }
0x11e: {  	v11 =	vld [tilespmem:s30+$0x18890];
	[tilespmem:s4+$0x8020] =	vst v5;
	v3 =	vsub.f32 v8, v3  }
0x11f: {  	v5 =	vld [tilespmem:s30+$0x188A0];
	[tilespmem:s4+$0x8030] =	vst v4;
	v2 =	vsub.f32 v6, v2  }
0x120: {  	v4 =	vld [tilespmem:s30+$0x188B0];
	[tilespmem:s4+$0x8040] =	vst v3;
	v1 =	vsub.f32 v7, v1  }
0x121: {  	v3 =	vld [tilespmem:s30+$0x188C0];
	[tilespmem:s4+$0x8050] =	vst v2;
	v0 =	vsub.f32 v10, v0  }
0x122: {  	v2 =	vld [tilespmem:s30+$0x188D0];
	[tilespmem:s4+$0x8060] =	vst v1  }
0x123: {  	v1 =	vld [tilespmem:s30+$0x188E0];
	[tilespmem:s4+$0x8070] =	vst v0;
	s4 =	smov.u32 s30  }
0x124: {  	v0 =	vld [tilespmem:s4+$0x188F0]  }
0x125: {  	v6 =	vld [tilespmem:s4+$0x8000]  }
0x126: {  	v7 =	vld [tilespmem:s4+$0x8010]  }
.Ltmp4:
0x127: {  	v10 =	vld [tilespmem:s4+$0x8020];
	(pc) =	sbr.rel @p2 .LBB2_5-.Ltmp4, $4  }
0x128: {  	v9 =	vld [tilespmem:s4+$0x8030]  }
0x129: {  	v8 =	vld [tilespmem:s4+$0x8040]  }
0x12a: {  	v12 =	vsub.f32 v6, v12;
	v6 =	vld [tilespmem:s4+$0x8050]  }
0x12b: {  	s15 =	sadd.s32 $0x200, s15;
	v11 =	vsub.f32 v7, v11;
	v7 =	vld [tilespmem:s4+$0x8060]  }
0x12c: {  	[tilespmem:s4+$0x8000] =	vst v12;
	v5 =	vsub.f32 v10, v5;
	v63 =	vld [tilespmem:s4+$0x8070]  }
0x12d: {  	[tilespmem:s4+$0x8010] =	vst v11;
	v4 =	vsub.f32 v9, v4  }
0x12e: {  	[tilespmem:s4+$0x8020] =	vst v5;
	v3 =	vsub.f32 v8, v3  }
0x12f: {  	[tilespmem:s4+$0x8030] =	vst v4;
	v2 =	vsub.f32 v6, v2  }
0x130: {  	[tilespmem:s4+$0x8040] =	vst v3;
	v1 =	vsub.f32 v7, v1  }
0x131: {  	[tilespmem:s4+$0x8050] =	vst v2;
	v0 =	vsub.f32 v63, v0  }
0x132: {  	[tilespmem:s4+$0x8060] =	vst v1  }
0x133: {  	[tilespmem:s4+$0x8070] =	vst v0  }
.LBB2_7:
0x134: {  	s4 =	simm.s32 $0x0  }
0x135: {  	[hbm4b:s11+s4] =	stream.linear.scatter [tilespmem:s24], [sflag:$0x5], $0x8000, $0x38;
	[tilespmem:$0x19880] =	vst v63  }
0x136: {  	_ =	swait.ge [sflag:s25], $0x8000  }
0x137: {  	[sflag:s25] =	ssyncset.done $0x0  }
0x138: {  	s15 =	simm.s32 $0x18700;
	[sflag:s25] =	ssyncadd.s32 $0xFFFF8000  }
0x139: {  	[tilespmem:s24], [sflag:$0x2] =	stream.indirect.gather [hbm4b:s1+s20], $0x80, s15, s20, $0xb8;
	[tilespmem:$0x19880] =	vst v63  }
0x13a: {  	s30 =	simm.s32 $0x18780  }
0x13b: {  	[tilespmem:s26], [sflag:$0x2] =	stream.indirect.gather [hbm4b:s1+s20], $0x80, s30, s20, $0xb8;
	[tilespmem:$0x19880] =	vst v63  }
0x13c: {  	_ =	swait.ge [sflag:s17], $0x4000  }
0x13d: {  	[sflag:s17] =	ssyncset.done $0x0  }
0x13e: {  	[sflag:s17] =	ssyncadd.s32 $0xFFFFC000  }
0x13f: {  	_ =	swait.ge [sflag:s17], $0x4000  }
0x140: {  	[sflag:s17] =	ssyncset.done $0x0  }
0x141: {  	s4 =	simm.s32 $0x0;
	[sflag:s17] =	ssyncadd.s32 $0xFFFFC000  }
0x142: {  	v3 =	vld [tilespmem:s4+$0x18880]  }
0x143: {  	v4 =	vld [tilespmem:s4+$0x18890]  }
0x144: {  	v5 =	vld [tilespmem:s4+$0x188A0]  }
0x145: {  	v6 =	vld [tilespmem:s4+$0x188B0]  }
0x146: {  	v7 =	vld [tilespmem:s4+$0x188C0]  }
0x147: {  	v2 =	vld [tilespmem:s4+$0x188D0]  }
0x148: {  	v8 =	vld [tilespmem:s4+$0x10000]  }
0x149: {  	v9 =	vld [tilespmem:s4+$0x11000]  }
0x14a: {  	v10 =	vld [tilespmem:s4+$0x12000]  }
0x14b: {  	v11 =	vld [tilespmem:s4+$0x13000]  }
0x14c: {  	v12 =	vld [tilespmem:s4+$0x14000]  }
0x14d: {  	v13 =	vld [tilespmem:s4+$0x15000]  }
0x14e: {  	v14 =	vld [tilespmem:s4+$0x16000]  }
0x14f: {  	v32 =	vld [tilespmem:s4+$0x10010]  }
0x150: {  	v33 =	vld [tilespmem:s4+$0x11010]  }
0x151: {  	v34 =	vld [tilespmem:s4+$0x12010]  }
0x152: {  	v35 =	vld [tilespmem:s4+$0x13010];
	v8 =	vadd.f32 v8, v3  }
0x153: {  	v38 =	vld [tilespmem:s4+$0x10020];
	v9 =	vadd.f32 v9, v3  }
0x154: {  	v10 =	vadd.f32 v10, v3;
	[tilespmem:s4+$0x10000] =	vst v8;
	v8 =	vld [tilespmem:s4+$0x17000]  }
0x155: {  	v39 =	vld [tilespmem:s4+$0x11020];
	v11 =	vadd.f32 v11, v3;
	[tilespmem:s4+$0x11000] =	vst v9  }
0x156: {  	v40 =	vld [tilespmem:s4+$0x12020];
	v12 =	vadd.f32 v12, v3;
	[tilespmem:s4+$0x12000] =	vst v10  }
0x157: {  	v41 =	vld [tilespmem:s4+$0x13020];
	v13 =	vadd.f32 v13, v3;
	[tilespmem:s4+$0x13000] =	vst v11  }
0x158: {  	v46 =	vld [tilespmem:s4+$0x10030];
	v14 =	vadd.f32 v14, v3;
	[tilespmem:s4+$0x14000] =	vst v12  }
0x159: {  	v36 =	vld [tilespmem:s4+$0x14010];
	[tilespmem:s4+$0x15000] =	vst v13;
	v3 =	vadd.f32 v8, v3  }
0x15a: {  	v42 =	vadd.f32 v38, v5;
	[tilespmem:s4+$0x16000] =	vst v14;
	v8 =	vld [tilespmem:s4+$0x15010]  }
0x15b: {  	v43 =	vadd.f32 v39, v5;
	[tilespmem:s4+$0x17000] =	vst v3;
	v3 =	vld [tilespmem:s4+$0x16010]  }
0x15c: {  	v37 =	vld [tilespmem:s4+$0x17010];
	v45 =	vadd.f32 v40, v5;
	[tilespmem:s4+$0x10020] =	vst v42  }
0x15d: {  	v48 =	vld [tilespmem:s4+$0x11030];
	v47 =	vadd.f32 v41, v5;
	v50 =	vadd.f32 v46, v6;
	[tilespmem:s4+$0x11020] =	vst v43  }
0x15e: {  	v49 =	vld [tilespmem:s4+$0x12030];
	v9 =	vadd.f32 v32, v4;
	v10 =	vadd.f32 v33, v4;
	[tilespmem:s4+$0x12020] =	vst v45  }
0x15f: {  	v54 =	vld [tilespmem:s4+$0x10040];
	v11 =	vadd.f32 v34, v4;
	[tilespmem:s4+$0x13020] =	vst v47;
	v8 =	vadd.f32 v8, v4  }
0x160: {  	v55 =	vld [tilespmem:s4+$0x11040];
	v12 =	vadd.f32 v35, v4;
	[tilespmem:s4+$0x10030] =	vst v50;
	v3 =	vadd.f32 v3, v4  }
0x161: {  	v13 =	vadd.f32 v36, v4;
	[tilespmem:s4+$0x15010] =	vst v8;
	v8 =	vld [tilespmem:s4+$0x14020];
	v4 =	vadd.f32 v37, v4  }
0x162: {  	v51 =	vadd.f32 v48, v6;
	[tilespmem:s4+$0x16010] =	vst v3;
	v3 =	vld [tilespmem:s4+$0x15020]  }
0x163: {  	v53 =	vadd.f32 v49, v6;
	[tilespmem:s4+$0x17010] =	vst v4;
	v4 =	vld [tilespmem:s4+$0x16020]  }
0x164: {  	v44 =	vld [tilespmem:s4+$0x17020];
	v56 =	vadd.f32 v54, v7;
	[tilespmem:s4+$0x11030] =	vst v51  }
0x165: {  	v59 =	vld [tilespmem:s4+$0x10050];
	v57 =	vadd.f32 v55, v7;
	[tilespmem:s4+$0x12030] =	vst v53  }
0x166: {  	[tilespmem:s4+$0x10040] =	vst v56;
	v8 =	vadd.f32 v8, v5  }
0x167: {  	v52 =	vld [tilespmem:s4+$0x17030];
	[tilespmem:s4+$0x11040] =	vst v57;
	v3 =	vadd.f32 v3, v5  }
0x168: {  	[tilespmem:s4+$0x14020] =	vst v8;
	v8 =	vld [tilespmem:s4+$0x13030];
	v4 =	vadd.f32 v4, v5  }
0x169: {  	v5 =	vadd.f32 v44, v5;
	[tilespmem:s4+$0x15020] =	vst v3;
	v3 =	vld [tilespmem:s4+$0x14030]  }
0x16a: {  	v60 =	vadd.f32 v59, v2;
	[tilespmem:s4+$0x16020] =	vst v4;
	v4 =	vld [tilespmem:s4+$0x15030]  }
0x16b: {  	[tilespmem:s4+$0x17020] =	vst v5;
	v5 =	vld [tilespmem:s4+$0x16030]  }
0x16c: {  	[tilespmem:s4+$0x10050] =	vst v60  }
0x16d: {  	[tilespmem:s4+$0x10010] =	vst v9;
	v8 =	vadd.f32 v8, v6  }
0x16e: {  	v1 =	vld [tilespmem:s4+$0x188E0];
	[tilespmem:s4+$0x11010] =	vst v10;
	v3 =	vadd.f32 v3, v6  }
0x16f: {  	[tilespmem:s4+$0x13030] =	vst v8;
	v8 =	vld [tilespmem:s4+$0x12040];
	v4 =	vadd.f32 v4, v6  }
0x170: {  	v5 =	vadd.f32 v5, v6;
	v6 =	vadd.f32 v52, v6;
	[tilespmem:s4+$0x14030] =	vst v3;
	v3 =	vld [tilespmem:s4+$0x13040]  }
0x171: {  	[tilespmem:s4+$0x15030] =	vst v4;
	v4 =	vld [tilespmem:s4+$0x14040]  }
0x172: {  	[tilespmem:s4+$0x17030] =	vst v6;
	v6 =	vld [tilespmem:s4+$0x16040]  }
0x173: {  	[tilespmem:s4+$0x16030] =	vst v5;
	v5 =	vld [tilespmem:s4+$0x15040]  }
0x174: {  	v58 =	vld [tilespmem:s4+$0x17040];
	[tilespmem:s4+$0x12010] =	vst v11;
	v8 =	vadd.f32 v8, v7  }
0x175: {  	v0 =	vld [tilespmem:s4+$0x188F0];
	[tilespmem:s4+$0x13010] =	vst v12;
	v3 =	vadd.f32 v3, v7  }
0x176: {  	[tilespmem:s4+$0x12040] =	vst v8;
	v8 =	vld [tilespmem:s4+$0x11050];
	v4 =	vadd.f32 v4, v7  }
0x177: {  	v6 =	vadd.f32 v6, v7;
	[tilespmem:s4+$0x13040] =	vst v3;
	v3 =	vld [tilespmem:s4+$0x12050]  }
0x178: {  	v5 =	vadd.f32 v5, v7;
	[tilespmem:s4+$0x14040] =	vst v4;
	v4 =	vld [tilespmem:s4+$0x13050]  }
0x179: {  	v7 =	vadd.f32 v58, v7;
	[tilespmem:s4+$0x16040] =	vst v6;
	v6 =	vld [tilespmem:s4+$0x15050]  }
0x17a: {  	[tilespmem:s4+$0x15040] =	vst v5;
	v5 =	vld [tilespmem:s4+$0x14050]  }
0x17b: {  	[tilespmem:s4+$0x17040] =	vst v7;
	v7 =	vld [tilespmem:s4+$0x16050];
	v8 =	vadd.f32 v8, v2  }
0x17c: {  	v61 =	vld [tilespmem:s4+$0x17050];
	[tilespmem:s4+$0x14010] =	vst v13;
	v3 =	vadd.f32 v3, v2  }
0x17d: {  	[tilespmem:s4+$0x11050] =	vst v8;
	v8 =	vld [tilespmem:s4+$0x10060];
	v4 =	vadd.f32 v4, v2  }
0x17e: {  	v6 =	vadd.f32 v6, v2;
	[tilespmem:s4+$0x12050] =	vst v3;
	v3 =	vld [tilespmem:s4+$0x11060]  }
0x17f: {  	v5 =	vadd.f32 v5, v2;
	[tilespmem:s4+$0x13050] =	vst v4;
	v4 =	vld [tilespmem:s4+$0x12060]  }
0x180: {  	v7 =	vadd.f32 v7, v2;
	[tilespmem:s4+$0x15050] =	vst v6;
	v6 =	vld [tilespmem:s4+$0x14060]  }
0x181: {  	v2 =	vadd.f32 v61, v2;
	[tilespmem:s4+$0x14050] =	vst v5;
	v5 =	vld [tilespmem:s4+$0x13060]  }
0x182: {  	[tilespmem:s4+$0x16050] =	vst v7;
	v7 =	vld [tilespmem:s4+$0x15060];
	v8 =	vadd.f32 v8, v1  }
0x183: {  	v62 =	vld [tilespmem:s4+$0x16060];
	[tilespmem:s4+$0x17050] =	vst v2;
	v2 =	vadd.f32 v3, v1  }
0x184: {  	[tilespmem:s4+$0x10060] =	vst v8;
	v8 =	vld [tilespmem:s4+$0x17060];
	v3 =	vadd.f32 v4, v1  }
0x185: {  	v63 =	vld [tilespmem:s4+$0x10070];
	v4 =	vadd.f32 v6, v1;
	[tilespmem:s4+$0x11060] =	vst v2  }
0x186: {  	v2 =	vadd.f32 v5, v1;
	[tilespmem:s4+$0x12060] =	vst v3;
	v5 =	vld [tilespmem:s4+$0x11070]  }
0x187: {  	v6 =	vadd.f32 v7, v1;
	v3 =	vld [tilespmem:s4+$0x12070];
	[tilespmem:s4+$0x14060] =	vst v4  }
0x188: {  	v7 =	vadd.f32 v62, v1;
	[tilespmem:s4+$0x13060] =	vst v2;
	v2 =	vld [tilespmem:s4+$0x13070]  }
0x189: {  	[tilespmem:s4+$0x15060] =	vst v6;
	v4 =	vld [tilespmem:s4+$0x14070];
	v6 =	vadd.f32 v8, v1  }
0x18a: {  	[tilespmem:s4+$0x16060] =	vst v7;
	v7 =	vadd.f32 v63, v0;
	v1 =	vld [tilespmem:s4+$0x15070]  }
0x18b: {  	s15 =	simm.s32 $0x200;
	[tilespmem:s4+$0x17060] =	vst v6;
	v6 =	vadd.f32 v5, v0;
	v5 =	vld [tilespmem:s4+$0x16070]  }
.LBB2_8:
0x18c: {  	s30 =	sshra.s32 s15, $0x2;
	p2 =	sne.s32 s15, $0x3E00;
	[tilespmem:s4+$0x10070] =	vst v7;
	v3 =	vadd.f32 v3, v0;
	v7 =	vld [tilespmem:s4+$0x17070]  }
0x18d: {  	v8 =	vld [tilespmem:s30+$0x18880];
	[tilespmem:s4+$0x11070] =	vst v6;
	v2 =	vadd.f32 v2, v0  }
0x18e: {  	v6 =	vld [tilespmem:s30+$0x18890];
	[tilespmem:s4+$0x12070] =	vst v3;
	v3 =	vadd.f32 v4, v0  }
0x18f: {  	v9 =	vld [tilespmem:s30+$0x188A0];
	[tilespmem:s4+$0x13070] =	vst v2;
	v1 =	vadd.f32 v1, v0  }
0x190: {  	v4 =	vld [tilespmem:s30+$0x188B0];
	[tilespmem:s4+$0x14070] =	vst v3;
	v5 =	vadd.f32 v5, v0  }
0x191: {  	v3 =	vld [tilespmem:s30+$0x188C0];
	[tilespmem:s4+$0x15070] =	vst v1;
	v0 =	vadd.f32 v7, v0  }
0x192: {  	v2 =	vld [tilespmem:s30+$0x188D0];
	[tilespmem:s4+$0x16070] =	vst v5  }
0x193: {  	v1 =	vld [tilespmem:s30+$0x188E0];
	[tilespmem:s4+$0x17070] =	vst v0;
	s4 =	smov.u32 s30  }
0x194: {  	v0 =	vld [tilespmem:s4+$0x188F0]  }
0x195: {  	v5 =	vld [tilespmem:s4+$0x10000]  }
0x196: {  	v7 =	vld [tilespmem:s4+$0x11000]  }
0x197: {  	v10 =	vld [tilespmem:s4+$0x12000]  }
0x198: {  	v11 =	vld [tilespmem:s4+$0x13000]  }
0x199: {  	v12 =	vld [tilespmem:s4+$0x14000]  }
0x19a: {  	v5 =	vadd.f32 v5, v8;
	v13 =	vld [tilespmem:s4+$0x15000]  }
0x19b: {  	v7 =	vadd.f32 v7, v8;
	v14 =	vld [tilespmem:s4+$0x16000]  }
0x19c: {  	[tilespmem:s4+$0x10000] =	vst v5;
	v5 =	vadd.f32 v10, v8;
	v10 =	vld [tilespmem:s4+$0x17000]  }
0x19d: {  	[tilespmem:s4+$0x11000] =	vst v7;
	v7 =	vadd.f32 v11, v8;
	v11 =	vld [tilespmem:s4+$0x10010]  }
0x19e: {  	[tilespmem:s4+$0x12000] =	vst v5;
	v5 =	vadd.f32 v12, v8;
	v12 =	vld [tilespmem:s4+$0x11010]  }
0x19f: {  	[tilespmem:s4+$0x13000] =	vst v7;
	v7 =	vadd.f32 v13, v8;
	v13 =	vld [tilespmem:s4+$0x12010]  }
0x1a0: {  	[tilespmem:s4+$0x14000] =	vst v5;
	v5 =	vadd.f32 v14, v8;
	v14 =	vld [tilespmem:s4+$0x13010]  }
0x1a1: {  	[tilespmem:s4+$0x15000] =	vst v7;
	v7 =	vadd.f32 v10, v8;
	v8 =	vld [tilespmem:s4+$0x14010]  }
0x1a2: {  	[tilespmem:s4+$0x16000] =	vst v5;
	v5 =	vadd.f32 v11, v6;
	v10 =	vld [tilespmem:s4+$0x15010]  }
0x1a3: {  	[tilespmem:s4+$0x17000] =	vst v7;
	v7 =	vadd.f32 v12, v6;
	v11 =	vld [tilespmem:s4+$0x16010]  }
0x1a4: {  	[tilespmem:s4+$0x10010] =	vst v5;
	v5 =	vadd.f32 v13, v6;
	v12 =	vld [tilespmem:s4+$0x17010]  }
0x1a5: {  	[tilespmem:s4+$0x11010] =	vst v7;
	v7 =	vadd.f32 v14, v6;
	v13 =	vld [tilespmem:s4+$0x10020]  }
0x1a6: {  	[tilespmem:s4+$0x12010] =	vst v5;
	v5 =	vadd.f32 v8, v6;
	v8 =	vld [tilespmem:s4+$0x11020]  }
0x1a7: {  	[tilespmem:s4+$0x13010] =	vst v7;
	v7 =	vadd.f32 v10, v6;
	v10 =	vld [tilespmem:s4+$0x12020]  }
0x1a8: {  	[tilespmem:s4+$0x14010] =	vst v5;
	v5 =	vadd.f32 v11, v6;
	v11 =	vld [tilespmem:s4+$0x13020]  }
0x1a9: {  	[tilespmem:s4+$0x15010] =	vst v7;
	v6 =	vadd.f32 v12, v6;
	v7 =	vld [tilespmem:s4+$0x14020]  }
0x1aa: {  	[tilespmem:s4+$0x16010] =	vst v5;
	v5 =	vadd.f32 v13, v9;
	v12 =	vld [tilespmem:s4+$0x15020]  }
0x1ab: {  	[tilespmem:s4+$0x17010] =	vst v6;
	v6 =	vadd.f32 v8, v9;
	v8 =	vld [tilespmem:s4+$0x16020]  }
0x1ac: {  	[tilespmem:s4+$0x10020] =	vst v5;
	v5 =	vadd.f32 v10, v9;
	v10 =	vld [tilespmem:s4+$0x17020]  }
0x1ad: {  	[tilespmem:s4+$0x11020] =	vst v6;
	v6 =	vadd.f32 v11, v9;
	v11 =	vld [tilespmem:s4+$0x10030]  }
0x1ae: {  	[tilespmem:s4+$0x12020] =	vst v5;
	v5 =	vadd.f32 v7, v9;
	v7 =	vld [tilespmem:s4+$0x11030]  }
0x1af: {  	[tilespmem:s4+$0x13020] =	vst v6;
	v6 =	vadd.f32 v12, v9;
	v12 =	vld [tilespmem:s4+$0x12030]  }
0x1b0: {  	[tilespmem:s4+$0x14020] =	vst v5;
	v5 =	vadd.f32 v8, v9;
	v8 =	vld [tilespmem:s4+$0x13030]  }
0x1b1: {  	[tilespmem:s4+$0x15020] =	vst v6;
	v6 =	vadd.f32 v10, v9;
	v9 =	vld [tilespmem:s4+$0x14030]  }
0x1b2: {  	[tilespmem:s4+$0x16020] =	vst v5;
	v5 =	vadd.f32 v11, v4;
	v10 =	vld [tilespmem:s4+$0x15030]  }
0x1b3: {  	[tilespmem:s4+$0x17020] =	vst v6;
	v6 =	vadd.f32 v7, v4;
	v7 =	vld [tilespmem:s4+$0x16030]  }
0x1b4: {  	[tilespmem:s4+$0x10030] =	vst v5;
	v5 =	vadd.f32 v12, v4;
	v11 =	vld [tilespmem:s4+$0x17030]  }
0x1b5: {  	[tilespmem:s4+$0x11030] =	vst v6;
	v6 =	vadd.f32 v8, v4;
	v8 =	vld [tilespmem:s4+$0x10040]  }
0x1b6: {  	[tilespmem:s4+$0x12030] =	vst v5;
	v5 =	vadd.f32 v9, v4;
	v9 =	vld [tilespmem:s4+$0x11040]  }
0x1b7: {  	[tilespmem:s4+$0x13030] =	vst v6;
	v6 =	vadd.f32 v10, v4;
	v10 =	vld [tilespmem:s4+$0x12040]  }
0x1b8: {  	[tilespmem:s4+$0x14030] =	vst v5;
	v5 =	vadd.f32 v7, v4;
	v7 =	vld [tilespmem:s4+$0x13040]  }
0x1b9: {  	[tilespmem:s4+$0x15030] =	vst v6;
	v4 =	vadd.f32 v11, v4;
	v6 =	vld [tilespmem:s4+$0x14040]  }
0x1ba: {  	[tilespmem:s4+$0x16030] =	vst v5;
	v5 =	vadd.f32 v8, v3;
	v8 =	vld [tilespmem:s4+$0x15040]  }
0x1bb: {  	[tilespmem:s4+$0x17030] =	vst v4;
	v4 =	vadd.f32 v9, v3;
	v9 =	vld [tilespmem:s4+$0x16040]  }
0x1bc: {  	[tilespmem:s4+$0x10040] =	vst v5;
	v5 =	vadd.f32 v10, v3;
	v10 =	vld [tilespmem:s4+$0x17040]  }
0x1bd: {  	[tilespmem:s4+$0x11040] =	vst v4;
	v4 =	vadd.f32 v7, v3;
	v7 =	vld [tilespmem:s4+$0x10050]  }
0x1be: {  	[tilespmem:s4+$0x12040] =	vst v5;
	v5 =	vadd.f32 v6, v3;
	v6 =	vld [tilespmem:s4+$0x11050]  }
0x1bf: {  	[tilespmem:s4+$0x13040] =	vst v4;
	v4 =	vadd.f32 v8, v3;
	v8 =	vld [tilespmem:s4+$0x12050]  }
0x1c0: {  	[tilespmem:s4+$0x14040] =	vst v5;
	v5 =	vadd.f32 v9, v3;
	v9 =	vld [tilespmem:s4+$0x13050]  }
0x1c1: {  	[tilespmem:s4+$0x15040] =	vst v4;
	v3 =	vadd.f32 v10, v3;
	v4 =	vld [tilespmem:s4+$0x14050]  }
0x1c2: {  	[tilespmem:s4+$0x16040] =	vst v5;
	v5 =	vadd.f32 v7, v2;
	v7 =	vld [tilespmem:s4+$0x15050]  }
0x1c3: {  	[tilespmem:s4+$0x17040] =	vst v3;
	v3 =	vadd.f32 v6, v2;
	v6 =	vld [tilespmem:s4+$0x16050]  }
0x1c4: {  	[tilespmem:s4+$0x10050] =	vst v5;
	v5 =	vadd.f32 v8, v2;
	v8 =	vld [tilespmem:s4+$0x17050]  }
0x1c5: {  	[tilespmem:s4+$0x11050] =	vst v3;
	v3 =	vadd.f32 v9, v2;
	v9 =	vld [tilespmem:s4+$0x10060]  }
0x1c6: {  	[tilespmem:s4+$0x12050] =	vst v5;
	v4 =	vadd.f32 v4, v2;
	v5 =	vld [tilespmem:s4+$0x11060]  }
0x1c7: {  	[tilespmem:s4+$0x13050] =	vst v3;
	v3 =	vadd.f32 v7, v2;
	v7 =	vld [tilespmem:s4+$0x12060]  }
0x1c8: {  	[tilespmem:s4+$0x14050] =	vst v4;
	v4 =	vadd.f32 v6, v2;
	v6 =	vld [tilespmem:s4+$0x13060]  }
0x1c9: {  	[tilespmem:s4+$0x15050] =	vst v3;
	v2 =	vadd.f32 v8, v2;
	v3 =	vld [tilespmem:s4+$0x14060]  }
0x1ca: {  	[tilespmem:s4+$0x16050] =	vst v4;
	v4 =	vadd.f32 v9, v1;
	v8 =	vld [tilespmem:s4+$0x15060]  }
0x1cb: {  	[tilespmem:s4+$0x17050] =	vst v2;
	v2 =	vadd.f32 v5, v1;
	v5 =	vld [tilespmem:s4+$0x16060]  }
0x1cc: {  	[tilespmem:s4+$0x10060] =	vst v4;
	v4 =	vadd.f32 v7, v1;
	v7 =	vld [tilespmem:s4+$0x17060]  }
0x1cd: {  	[tilespmem:s4+$0x11060] =	vst v2;
	v2 =	vadd.f32 v6, v1;
	v6 =	vld [tilespmem:s4+$0x10070]  }
0x1ce: {  	[tilespmem:s4+$0x12060] =	vst v4;
	v4 =	vadd.f32 v3, v1;
	v9 =	vld [tilespmem:s4+$0x11070]  }
.Ltmp5:
0x1cf: {  	[tilespmem:s4+$0x13060] =	vst v2;
	v8 =	vadd.f32 v8, v1;
	v3 =	vld [tilespmem:s4+$0x12070];
	(pc) =	sbr.rel @p2 .LBB2_8-.Ltmp5, $4  }
0x1d0: {  	[tilespmem:s4+$0x14060] =	vst v4;
	v5 =	vadd.f32 v5, v1;
	v2 =	vld [tilespmem:s4+$0x13070]  }
0x1d1: {  	[tilespmem:s4+$0x15060] =	vst v8;
	v8 =	vadd.f32 v7, v1;
	v4 =	vld [tilespmem:s4+$0x14070]  }
0x1d2: {  	[tilespmem:s4+$0x16060] =	vst v5;
	v7 =	vadd.f32 v6, v0;
	v1 =	vld [tilespmem:s4+$0x15070]  }
0x1d3: {  	s15 =	sadd.s32 $0x200, s15;
	[tilespmem:s4+$0x17060] =	vst v8;
	v6 =	vadd.f32 v9, v0;
	v5 =	vld [tilespmem:s4+$0x16070]  }
0x1d4: {  	[tilespmem:s4+$0x10070] =	vst v7;
	v3 =	vadd.f32 v3, v0;
	v7 =	vld [tilespmem:s4+$0x17070]  }
0x1d5: {  	[tilespmem:s4+$0x11070] =	vst v6;
	v2 =	vadd.f32 v2, v0  }
0x1d6: {  	[tilespmem:s4+$0x12070] =	vst v3;
	v3 =	vadd.f32 v4, v0  }
0x1d7: {  	[tilespmem:s4+$0x13070] =	vst v2;
	v1 =	vadd.f32 v1, v0  }
0x1d8: {  	[tilespmem:s4+$0x14070] =	vst v3;
	v2 =	vadd.f32 v5, v0  }
0x1d9: {  	[tilespmem:s4+$0x15070] =	vst v1;
	v0 =	vadd.f32 v7, v0  }
0x1da: {  	[tilespmem:s4+$0x16070] =	vst v2  }
0x1db: {  	s30 =	simm.s32 $0x0;
	[tilespmem:s4+$0x17070] =	vst v0  }
0x1dc: {  	[hbm4b:s12+s30] =	stream.linear.scatter [tilespmem:s29], [sflag:$0x6], $0x8000, $0x38;
	[tilespmem:$0x19880] =	vst v63  }
0x1dd: {  	_ =	swait.ge [sflag:s0], $0x4000  }
0x1de: {  	[sflag:s0] =	ssyncset.done $0x0  }
0x1df: {  	[sflag:s0] =	ssyncadd.s32 $0xFFFFC000  }
0x1e0: {  	_ =	swait.ge [sflag:s0], $0x4000  }
0x1e1: {  	[sflag:s0] =	ssyncset.done $0x0  }
0x1e2: {  	s4 =	simm.s32 $0x0;
	[sflag:s0] =	ssyncadd.s32 $0xFFFFC000  }
0x1e3: {  	v3 =	vld [tilespmem:s4+$0x18880]  }
0x1e4: {  	v4 =	vld [tilespmem:s4+$0x18890]  }
0x1e5: {  	v5 =	vld [tilespmem:s4+$0x188A0]  }
0x1e6: {  	v6 =	vld [tilespmem:s4+$0x188B0]  }
0x1e7: {  	v7 =	vld [tilespmem:s4+$0x188C0]  }
0x1e8: {  	v2 =	vld [tilespmem:s4+$0x188D0]  }
0x1e9: {  	v8 =	vld [tilespmem:s4+$0x0]  }
0x1ea: {  	v9 =	vld [tilespmem:s4+$0x1000]  }
0x1eb: {  	v10 =	vld [tilespmem:s4+$0x2000]  }
0x1ec: {  	v11 =	vld [tilespmem:s4+$0x3000]  }
0x1ed: {  	v12 =	vld [tilespmem:s4+$0x4000]  }
0x1ee: {  	v13 =	vld [tilespmem:s4+$0x5000]  }
0x1ef: {  	v14 =	vld [tilespmem:s4+$0x6000]  }
0x1f0: {  	v32 =	vld [tilespmem:s4+$0x10]  }
0x1f1: {  	v33 =	vld [tilespmem:s4+$0x1010]  }
0x1f2: {  	v34 =	vld [tilespmem:s4+$0x2010]  }
0x1f3: {  	v35 =	vld [tilespmem:s4+$0x3010];
	v8 =	vadd.f32 v8, v3  }
0x1f4: {  	v38 =	vld [tilespmem:s4+$0x20];
	v9 =	vadd.f32 v9, v3  }
0x1f5: {  	v10 =	vadd.f32 v10, v3;
	[tilespmem:s4+$0x0] =	vst v8;
	v8 =	vld [tilespmem:s4+$0x7000]  }
0x1f6: {  	v39 =	vld [tilespmem:s4+$0x1020];
	v11 =	vadd.f32 v11, v3;
	[tilespmem:s4+$0x1000] =	vst v9  }
0x1f7: {  	v40 =	vld [tilespmem:s4+$0x2020];
	v12 =	vadd.f32 v12, v3;
	[tilespmem:s4+$0x2000] =	vst v10  }
0x1f8: {  	v41 =	vld [tilespmem:s4+$0x3020];
	v13 =	vadd.f32 v13, v3;
	[tilespmem:s4+$0x3000] =	vst v11  }
0x1f9: {  	v46 =	vld [tilespmem:s4+$0x30];
	v14 =	vadd.f32 v14, v3;
	[tilespmem:s4+$0x4000] =	vst v12  }
0x1fa: {  	v36 =	vld [tilespmem:s4+$0x4010];
	[tilespmem:s4+$0x5000] =	vst v13;
	v3 =	vadd.f32 v8, v3  }
0x1fb: {  	v42 =	vadd.f32 v38, v5;
	[tilespmem:s4+$0x6000] =	vst v14;
	v8 =	vld [tilespmem:s4+$0x5010]  }
0x1fc: {  	v43 =	vadd.f32 v39, v5;
	[tilespmem:s4+$0x7000] =	vst v3;
	v3 =	vld [tilespmem:s4+$0x6010]  }
0x1fd: {  	v37 =	vld [tilespmem:s4+$0x7010];
	v45 =	vadd.f32 v40, v5;
	[tilespmem:s4+$0x20] =	vst v42  }
0x1fe: {  	v48 =	vld [tilespmem:s4+$0x1030];
	v47 =	vadd.f32 v41, v5;
	v50 =	vadd.f32 v46, v6;
	[tilespmem:s4+$0x1020] =	vst v43  }
0x1ff: {  	v49 =	vld [tilespmem:s4+$0x2030];
	v9 =	vadd.f32 v32, v4;
	v10 =	vadd.f32 v33, v4;
	[tilespmem:s4+$0x2020] =	vst v45  }
0x200: {  	v54 =	vld [tilespmem:s4+$0x40];
	v11 =	vadd.f32 v34, v4;
	[tilespmem:s4+$0x3020] =	vst v47;
	v8 =	vadd.f32 v8, v4  }
0x201: {  	v55 =	vld [tilespmem:s4+$0x1040];
	v12 =	vadd.f32 v35, v4;
	[tilespmem:s4+$0x30] =	vst v50;
	v3 =	vadd.f32 v3, v4  }
0x202: {  	v13 =	vadd.f32 v36, v4;
	[tilespmem:s4+$0x5010] =	vst v8;
	v8 =	vld [tilespmem:s4+$0x4020];
	v4 =	vadd.f32 v37, v4  }
0x203: {  	v51 =	vadd.f32 v48, v6;
	[tilespmem:s4+$0x6010] =	vst v3;
	v3 =	vld [tilespmem:s4+$0x5020]  }
0x204: {  	v53 =	vadd.f32 v49, v6;
	[tilespmem:s4+$0x7010] =	vst v4;
	v4 =	vld [tilespmem:s4+$0x6020]  }
0x205: {  	v44 =	vld [tilespmem:s4+$0x7020];
	v56 =	vadd.f32 v54, v7;
	[tilespmem:s4+$0x1030] =	vst v51  }
0x206: {  	v59 =	vld [tilespmem:s4+$0x50];
	v57 =	vadd.f32 v55, v7;
	[tilespmem:s4+$0x2030] =	vst v53  }
0x207: {  	[tilespmem:s4+$0x40] =	vst v56;
	v8 =	vadd.f32 v8, v5  }
0x208: {  	v52 =	vld [tilespmem:s4+$0x7030];
	[tilespmem:s4+$0x1040] =	vst v57;
	v3 =	vadd.f32 v3, v5  }
0x209: {  	[tilespmem:s4+$0x4020] =	vst v8;
	v8 =	vld [tilespmem:s4+$0x3030];
	v4 =	vadd.f32 v4, v5  }
0x20a: {  	v5 =	vadd.f32 v44, v5;
	[tilespmem:s4+$0x5020] =	vst v3;
	v3 =	vld [tilespmem:s4+$0x4030]  }
0x20b: {  	v60 =	vadd.f32 v59, v2;
	[tilespmem:s4+$0x6020] =	vst v4;
	v4 =	vld [tilespmem:s4+$0x5030]  }
0x20c: {  	[tilespmem:s4+$0x7020] =	vst v5;
	v5 =	vld [tilespmem:s4+$0x6030]  }
0x20d: {  	[tilespmem:s4+$0x50] =	vst v60  }
0x20e: {  	[tilespmem:s4+$0x10] =	vst v9;
	v8 =	vadd.f32 v8, v6  }
0x20f: {  	v1 =	vld [tilespmem:s4+$0x188E0];
	[tilespmem:s4+$0x1010] =	vst v10;
	v3 =	vadd.f32 v3, v6  }
0x210: {  	[tilespmem:s4+$0x3030] =	vst v8;
	v8 =	vld [tilespmem:s4+$0x2040];
	v4 =	vadd.f32 v4, v6  }
0x211: {  	v5 =	vadd.f32 v5, v6;
	v6 =	vadd.f32 v52, v6;
	[tilespmem:s4+$0x4030] =	vst v3;
	v3 =	vld [tilespmem:s4+$0x3040]  }
0x212: {  	[tilespmem:s4+$0x5030] =	vst v4;
	v4 =	vld [tilespmem:s4+$0x4040]  }
0x213: {  	[tilespmem:s4+$0x7030] =	vst v6;
	v6 =	vld [tilespmem:s4+$0x6040]  }
0x214: {  	[tilespmem:s4+$0x6030] =	vst v5;
	v5 =	vld [tilespmem:s4+$0x5040]  }
0x215: {  	v58 =	vld [tilespmem:s4+$0x7040];
	[tilespmem:s4+$0x2010] =	vst v11;
	v8 =	vadd.f32 v8, v7  }
0x216: {  	v0 =	vld [tilespmem:s4+$0x188F0];
	[tilespmem:s4+$0x3010] =	vst v12;
	v3 =	vadd.f32 v3, v7  }
0x217: {  	[tilespmem:s4+$0x2040] =	vst v8;
	v8 =	vld [tilespmem:s4+$0x1050];
	v4 =	vadd.f32 v4, v7  }
0x218: {  	v6 =	vadd.f32 v6, v7;
	[tilespmem:s4+$0x3040] =	vst v3;
	v3 =	vld [tilespmem:s4+$0x2050]  }
0x219: {  	v5 =	vadd.f32 v5, v7;
	[tilespmem:s4+$0x4040] =	vst v4;
	v4 =	vld [tilespmem:s4+$0x3050]  }
0x21a: {  	v7 =	vadd.f32 v58, v7;
	[tilespmem:s4+$0x6040] =	vst v6;
	v6 =	vld [tilespmem:s4+$0x5050]  }
0x21b: {  	[tilespmem:s4+$0x5040] =	vst v5;
	v5 =	vld [tilespmem:s4+$0x4050]  }
0x21c: {  	[tilespmem:s4+$0x7040] =	vst v7;
	v7 =	vld [tilespmem:s4+$0x6050];
	v8 =	vadd.f32 v8, v2  }
0x21d: {  	v61 =	vld [tilespmem:s4+$0x7050];
	[tilespmem:s4+$0x4010] =	vst v13;
	v3 =	vadd.f32 v3, v2  }
0x21e: {  	[tilespmem:s4+$0x1050] =	vst v8;
	v8 =	vld [tilespmem:s4+$0x60];
	v4 =	vadd.f32 v4, v2  }
0x21f: {  	v6 =	vadd.f32 v6, v2;
	[tilespmem:s4+$0x2050] =	vst v3;
	v3 =	vld [tilespmem:s4+$0x1060]  }
0x220: {  	v5 =	vadd.f32 v5, v2;
	[tilespmem:s4+$0x3050] =	vst v4;
	v4 =	vld [tilespmem:s4+$0x2060]  }
0x221: {  	v7 =	vadd.f32 v7, v2;
	[tilespmem:s4+$0x5050] =	vst v6;
	v6 =	vld [tilespmem:s4+$0x4060]  }
0x222: {  	v2 =	vadd.f32 v61, v2;
	[tilespmem:s4+$0x4050] =	vst v5;
	v5 =	vld [tilespmem:s4+$0x3060]  }
0x223: {  	[tilespmem:s4+$0x6050] =	vst v7;
	v7 =	vld [tilespmem:s4+$0x5060];
	v8 =	vadd.f32 v8, v1  }
0x224: {  	v62 =	vld [tilespmem:s4+$0x6060];
	[tilespmem:s4+$0x7050] =	vst v2;
	v2 =	vadd.f32 v3, v1  }
0x225: {  	[tilespmem:s4+$0x60] =	vst v8;
	v8 =	vld [tilespmem:s4+$0x7060];
	v3 =	vadd.f32 v4, v1  }
0x226: {  	v63 =	vld [tilespmem:s4+$0x70];
	v4 =	vadd.f32 v6, v1;
	[tilespmem:s4+$0x1060] =	vst v2  }
0x227: {  	v2 =	vadd.f32 v5, v1;
	[tilespmem:s4+$0x2060] =	vst v3;
	v5 =	vld [tilespmem:s4+$0x1070]  }
0x228: {  	v6 =	vadd.f32 v7, v1;
	v3 =	vld [tilespmem:s4+$0x2070];
	[tilespmem:s4+$0x4060] =	vst v4  }
0x229: {  	v7 =	vadd.f32 v62, v1;
	[tilespmem:s4+$0x3060] =	vst v2;
	v2 =	vld [tilespmem:s4+$0x3070]  }
0x22a: {  	[tilespmem:s4+$0x5060] =	vst v6;
	v4 =	vld [tilespmem:s4+$0x4070];
	v6 =	vadd.f32 v8, v1  }
0x22b: {  	[tilespmem:s4+$0x6060] =	vst v7;
	v7 =	vadd.f32 v63, v0;
	v1 =	vld [tilespmem:s4+$0x5070]  }
0x22c: {  	s15 =	simm.s32 $0x200;
	[tilespmem:s4+$0x7060] =	vst v6;
	v6 =	vadd.f32 v5, v0;
	v5 =	vld [tilespmem:s4+$0x6070]  }
.LBB2_10:
0x22d: {  	s30 =	sshra.s32 s15, $0x2;
	p2 =	sne.s32 s15, $0x3E00;
	[tilespmem:s4+$0x70] =	vst v7;
	v3 =	vadd.f32 v3, v0;
	v7 =	vld [tilespmem:s4+$0x7070]  }
0x22e: {  	v8 =	vld [tilespmem:s30+$0x18880];
	[tilespmem:s4+$0x1070] =	vst v6;
	v2 =	vadd.f32 v2, v0  }
0x22f: {  	v6 =	vld [tilespmem:s30+$0x18890];
	[tilespmem:s4+$0x2070] =	vst v3;
	v3 =	vadd.f32 v4, v0  }
0x230: {  	v9 =	vld [tilespmem:s30+$0x188A0];
	[tilespmem:s4+$0x3070] =	vst v2;
	v1 =	vadd.f32 v1, v0  }
0x231: {  	v4 =	vld [tilespmem:s30+$0x188B0];
	[tilespmem:s4+$0x4070] =	vst v3;
	v5 =	vadd.f32 v5, v0  }
0x232: {  	v3 =	vld [tilespmem:s30+$0x188C0];
	[tilespmem:s4+$0x5070] =	vst v1;
	v0 =	vadd.f32 v7, v0  }
0x233: {  	v2 =	vld [tilespmem:s30+$0x188D0];
	[tilespmem:s4+$0x6070] =	vst v5  }
0x234: {  	v1 =	vld [tilespmem:s30+$0x188E0];
	[tilespmem:s4+$0x7070] =	vst v0;
	s4 =	smov.u32 s30  }
0x235: {  	v0 =	vld [tilespmem:s4+$0x188F0]  }
0x236: {  	v5 =	vld [tilespmem:s4+$0x0]  }
0x237: {  	v7 =	vld [tilespmem:s4+$0x1000]  }
0x238: {  	v10 =	vld [tilespmem:s4+$0x2000]  }
0x239: {  	v11 =	vld [tilespmem:s4+$0x3000]  }
0x23a: {  	v12 =	vld [tilespmem:s4+$0x4000]  }
0x23b: {  	v5 =	vadd.f32 v5, v8;
	v13 =	vld [tilespmem:s4+$0x5000]  }
0x23c: {  	v7 =	vadd.f32 v7, v8;
	v14 =	vld [tilespmem:s4+$0x6000]  }
0x23d: {  	[tilespmem:s4+$0x0] =	vst v5;
	v5 =	vadd.f32 v10, v8;
	v10 =	vld [tilespmem:s4+$0x7000]  }
0x23e: {  	[tilespmem:s4+$0x1000] =	vst v7;
	v7 =	vadd.f32 v11, v8;
	v11 =	vld [tilespmem:s4+$0x10]  }
0x23f: {  	[tilespmem:s4+$0x2000] =	vst v5;
	v5 =	vadd.f32 v12, v8;
	v12 =	vld [tilespmem:s4+$0x1010]  }
0x240: {  	[tilespmem:s4+$0x3000] =	vst v7;
	v7 =	vadd.f32 v13, v8;
	v13 =	vld [tilespmem:s4+$0x2010]  }
0x241: {  	[tilespmem:s4+$0x4000] =	vst v5;
	v5 =	vadd.f32 v14, v8;
	v14 =	vld [tilespmem:s4+$0x3010]  }
0x242: {  	[tilespmem:s4+$0x5000] =	vst v7;
	v7 =	vadd.f32 v10, v8;
	v8 =	vld [tilespmem:s4+$0x4010]  }
0x243: {  	[tilespmem:s4+$0x6000] =	vst v5;
	v5 =	vadd.f32 v11, v6;
	v10 =	vld [tilespmem:s4+$0x5010]  }
0x244: {  	[tilespmem:s4+$0x7000] =	vst v7;
	v7 =	vadd.f32 v12, v6;
	v11 =	vld [tilespmem:s4+$0x6010]  }
0x245: {  	[tilespmem:s4+$0x10] =	vst v5;
	v5 =	vadd.f32 v13, v6;
	v12 =	vld [tilespmem:s4+$0x7010]  }
0x246: {  	[tilespmem:s4+$0x1010] =	vst v7;
	v7 =	vadd.f32 v14, v6;
	v13 =	vld [tilespmem:s4+$0x20]  }
0x247: {  	[tilespmem:s4+$0x2010] =	vst v5;
	v5 =	vadd.f32 v8, v6;
	v8 =	vld [tilespmem:s4+$0x1020]  }
0x248: {  	[tilespmem:s4+$0x3010] =	vst v7;
	v7 =	vadd.f32 v10, v6;
	v10 =	vld [tilespmem:s4+$0x2020]  }
0x249: {  	[tilespmem:s4+$0x4010] =	vst v5;
	v5 =	vadd.f32 v11, v6;
	v11 =	vld [tilespmem:s4+$0x3020]  }
0x24a: {  	[tilespmem:s4+$0x5010] =	vst v7;
	v6 =	vadd.f32 v12, v6;
	v7 =	vld [tilespmem:s4+$0x4020]  }
0x24b: {  	[tilespmem:s4+$0x6010] =	vst v5;
	v5 =	vadd.f32 v13, v9;
	v12 =	vld [tilespmem:s4+$0x5020]  }
0x24c: {  	[tilespmem:s4+$0x7010] =	vst v6;
	v6 =	vadd.f32 v8, v9;
	v8 =	vld [tilespmem:s4+$0x6020]  }
0x24d: {  	[tilespmem:s4+$0x20] =	vst v5;
	v5 =	vadd.f32 v10, v9;
	v10 =	vld [tilespmem:s4+$0x7020]  }
0x24e: {  	[tilespmem:s4+$0x1020] =	vst v6;
	v6 =	vadd.f32 v11, v9;
	v11 =	vld [tilespmem:s4+$0x30]  }
0x24f: {  	[tilespmem:s4+$0x2020] =	vst v5;
	v5 =	vadd.f32 v7, v9;
	v7 =	vld [tilespmem:s4+$0x1030]  }
0x250: {  	[tilespmem:s4+$0x3020] =	vst v6;
	v6 =	vadd.f32 v12, v9;
	v12 =	vld [tilespmem:s4+$0x2030]  }
0x251: {  	[tilespmem:s4+$0x4020] =	vst v5;
	v5 =	vadd.f32 v8, v9;
	v8 =	vld [tilespmem:s4+$0x3030]  }
0x252: {  	[tilespmem:s4+$0x5020] =	vst v6;
	v6 =	vadd.f32 v10, v9;
	v9 =	vld [tilespmem:s4+$0x4030]  }
0x253: {  	[tilespmem:s4+$0x6020] =	vst v5;
	v5 =	vadd.f32 v11, v4;
	v10 =	vld [tilespmem:s4+$0x5030]  }
0x254: {  	[tilespmem:s4+$0x7020] =	vst v6;
	v6 =	vadd.f32 v7, v4;
	v7 =	vld [tilespmem:s4+$0x6030]  }
0x255: {  	[tilespmem:s4+$0x30] =	vst v5;
	v5 =	vadd.f32 v12, v4;
	v11 =	vld [tilespmem:s4+$0x7030]  }
0x256: {  	[tilespmem:s4+$0x1030] =	vst v6;
	v6 =	vadd.f32 v8, v4;
	v8 =	vld [tilespmem:s4+$0x40]  }
0x257: {  	[tilespmem:s4+$0x2030] =	vst v5;
	v5 =	vadd.f32 v9, v4;
	v9 =	vld [tilespmem:s4+$0x1040]  }
0x258: {  	[tilespmem:s4+$0x3030] =	vst v6;
	v6 =	vadd.f32 v10, v4;
	v10 =	vld [tilespmem:s4+$0x2040]  }
0x259: {  	[tilespmem:s4+$0x4030] =	vst v5;
	v5 =	vadd.f32 v7, v4;
	v7 =	vld [tilespmem:s4+$0x3040]  }
0x25a: {  	[tilespmem:s4+$0x5030] =	vst v6;
	v4 =	vadd.f32 v11, v4;
	v6 =	vld [tilespmem:s4+$0x4040]  }
0x25b: {  	[tilespmem:s4+$0x6030] =	vst v5;
	v5 =	vadd.f32 v8, v3;
	v8 =	vld [tilespmem:s4+$0x5040]  }
0x25c: {  	[tilespmem:s4+$0x7030] =	vst v4;
	v4 =	vadd.f32 v9, v3;
	v9 =	vld [tilespmem:s4+$0x6040]  }
0x25d: {  	[tilespmem:s4+$0x40] =	vst v5;
	v5 =	vadd.f32 v10, v3;
	v10 =	vld [tilespmem:s4+$0x7040]  }
0x25e: {  	[tilespmem:s4+$0x1040] =	vst v4;
	v4 =	vadd.f32 v7, v3;
	v7 =	vld [tilespmem:s4+$0x50]  }
0x25f: {  	[tilespmem:s4+$0x2040] =	vst v5;
	v5 =	vadd.f32 v6, v3;
	v6 =	vld [tilespmem:s4+$0x1050]  }
0x260: {  	[tilespmem:s4+$0x3040] =	vst v4;
	v4 =	vadd.f32 v8, v3;
	v8 =	vld [tilespmem:s4+$0x2050]  }
0x261: {  	[tilespmem:s4+$0x4040] =	vst v5;
	v5 =	vadd.f32 v9, v3;
	v9 =	vld [tilespmem:s4+$0x3050]  }
0x262: {  	[tilespmem:s4+$0x5040] =	vst v4;
	v3 =	vadd.f32 v10, v3;
	v4 =	vld [tilespmem:s4+$0x4050]  }
0x263: {  	[tilespmem:s4+$0x6040] =	vst v5;
	v5 =	vadd.f32 v7, v2;
	v7 =	vld [tilespmem:s4+$0x5050]  }
0x264: {  	[tilespmem:s4+$0x7040] =	vst v3;
	v3 =	vadd.f32 v6, v2;
	v6 =	vld [tilespmem:s4+$0x6050]  }
0x265: {  	[tilespmem:s4+$0x50] =	vst v5;
	v5 =	vadd.f32 v8, v2;
	v8 =	vld [tilespmem:s4+$0x7050]  }
0x266: {  	[tilespmem:s4+$0x1050] =	vst v3;
	v3 =	vadd.f32 v9, v2;
	v9 =	vld [tilespmem:s4+$0x60]  }
0x267: {  	[tilespmem:s4+$0x2050] =	vst v5;
	v4 =	vadd.f32 v4, v2;
	v5 =	vld [tilespmem:s4+$0x1060]  }
0x268: {  	[tilespmem:s4+$0x3050] =	vst v3;
	v3 =	vadd.f32 v7, v2;
	v7 =	vld [tilespmem:s4+$0x2060]  }
0x269: {  	[tilespmem:s4+$0x4050] =	vst v4;
	v4 =	vadd.f32 v6, v2;
	v6 =	vld [tilespmem:s4+$0x3060]  }
0x26a: {  	[tilespmem:s4+$0x5050] =	vst v3;
	v2 =	vadd.f32 v8, v2;
	v3 =	vld [tilespmem:s4+$0x4060]  }
0x26b: {  	[tilespmem:s4+$0x6050] =	vst v4;
	v4 =	vadd.f32 v9, v1;
	v8 =	vld [tilespmem:s4+$0x5060]  }
0x26c: {  	[tilespmem:s4+$0x7050] =	vst v2;
	v2 =	vadd.f32 v5, v1;
	v5 =	vld [tilespmem:s4+$0x6060]  }
0x26d: {  	[tilespmem:s4+$0x60] =	vst v4;
	v4 =	vadd.f32 v7, v1;
	v7 =	vld [tilespmem:s4+$0x7060]  }
0x26e: {  	[tilespmem:s4+$0x1060] =	vst v2;
	v2 =	vadd.f32 v6, v1;
	v6 =	vld [tilespmem:s4+$0x70]  }
0x26f: {  	[tilespmem:s4+$0x2060] =	vst v4;
	v4 =	vadd.f32 v3, v1;
	v9 =	vld [tilespmem:s4+$0x1070]  }
.Ltmp6:
0x270: {  	[tilespmem:s4+$0x3060] =	vst v2;
	v8 =	vadd.f32 v8, v1;
	v3 =	vld [tilespmem:s4+$0x2070];
	(pc) =	sbr.rel @p2 .LBB2_10-.Ltmp6, $4  }
0x271: {  	[tilespmem:s4+$0x4060] =	vst v4;
	v5 =	vadd.f32 v5, v1;
	v2 =	vld [tilespmem:s4+$0x3070]  }
0x272: {  	[tilespmem:s4+$0x5060] =	vst v8;
	v8 =	vadd.f32 v7, v1;
	v4 =	vld [tilespmem:s4+$0x4070]  }
0x273: {  	[tilespmem:s4+$0x6060] =	vst v5;
	v7 =	vadd.f32 v6, v0;
	v1 =	vld [tilespmem:s4+$0x5070]  }
0x274: {  	s15 =	sadd.s32 $0x200, s15;
	[tilespmem:s4+$0x7060] =	vst v8;
	v6 =	vadd.f32 v9, v0;
	v5 =	vld [tilespmem:s4+$0x6070]  }
0x275: {  	[tilespmem:s4+$0x70] =	vst v7;
	v3 =	vadd.f32 v3, v0;
	v7 =	vld [tilespmem:s4+$0x7070]  }
0x276: {  	[tilespmem:s4+$0x1070] =	vst v6;
	v2 =	vadd.f32 v2, v0  }
0x277: {  	[tilespmem:s4+$0x2070] =	vst v3;
	v3 =	vadd.f32 v4, v0  }
0x278: {  	[tilespmem:s4+$0x3070] =	vst v2;
	v1 =	vadd.f32 v1, v0  }
0x279: {  	[tilespmem:s4+$0x4070] =	vst v3;
	v2 =	vadd.f32 v5, v0  }
0x27a: {  	[tilespmem:s4+$0x5070] =	vst v1;
	v0 =	vadd.f32 v7, v0  }
0x27b: {  	[tilespmem:s4+$0x6070] =	vst v2  }
0x27c: {  	s30 =	simm.s32 $0x0;
	[tilespmem:s4+$0x7070] =	vst v0  }
0x27d: {  	[hbm4b:s13+s30] =	stream.linear.scatter [tilespmem:s30], [sflag:$0x4], $0x8000, $0x38;
	[tilespmem:$0x19880] =	vst v63  }
0x27e: {  	_ =	swait.ge [sflag:s23], $0x4000  }
0x27f: {  	[sflag:s23] =	ssyncset.done $0x0  }
0x280: {  	[sflag:s23] =	ssyncadd.s32 $0xFFFFC000  }
0x281: {  	_ =	swait.ge [sflag:s23], $0x4000  }
0x282: {  	[sflag:s23] =	ssyncset.done $0x0  }
0x283: {  	s4 =	simm.s32 $0x0;
	[sflag:s23] =	ssyncadd.s32 $0xFFFFC000  }
0x284: {  	v3 =	vld [tilespmem:s4+$0x18880]  }
0x285: {  	v4 =	vld [tilespmem:s4+$0x18890]  }
0x286: {  	v5 =	vld [tilespmem:s4+$0x188A0]  }
0x287: {  	v6 =	vld [tilespmem:s4+$0x188B0]  }
0x288: {  	v7 =	vld [tilespmem:s4+$0x188C0]  }
0x289: {  	v2 =	vld [tilespmem:s4+$0x188D0]  }
0x28a: {  	v8 =	vld [tilespmem:s4+$0x8000]  }
0x28b: {  	v9 =	vld [tilespmem:s4+$0x9000]  }
0x28c: {  	v10 =	vld [tilespmem:s4+$0xA000]  }
0x28d: {  	v11 =	vld [tilespmem:s4+$0xB000]  }
0x28e: {  	v12 =	vld [tilespmem:s4+$0xC000]  }
0x28f: {  	v13 =	vld [tilespmem:s4+$0xD000]  }
0x290: {  	v14 =	vld [tilespmem:s4+$0xE000]  }
0x291: {  	v32 =	vld [tilespmem:s4+$0x8010]  }
0x292: {  	v33 =	vld [tilespmem:s4+$0x9010]  }
0x293: {  	v34 =	vld [tilespmem:s4+$0xA010]  }
0x294: {  	v35 =	vld [tilespmem:s4+$0xB010];
	v8 =	vadd.f32 v8, v3  }
0x295: {  	v38 =	vld [tilespmem:s4+$0x8020];
	v9 =	vadd.f32 v9, v3  }
0x296: {  	v10 =	vadd.f32 v10, v3;
	[tilespmem:s4+$0x8000] =	vst v8;
	v8 =	vld [tilespmem:s4+$0xF000]  }
0x297: {  	v39 =	vld [tilespmem:s4+$0x9020];
	v11 =	vadd.f32 v11, v3;
	[tilespmem:s4+$0x9000] =	vst v9  }
0x298: {  	v40 =	vld [tilespmem:s4+$0xA020];
	v12 =	vadd.f32 v12, v3;
	[tilespmem:s4+$0xA000] =	vst v10  }
0x299: {  	v41 =	vld [tilespmem:s4+$0xB020];
	v13 =	vadd.f32 v13, v3;
	[tilespmem:s4+$0xB000] =	vst v11  }
0x29a: {  	v46 =	vld [tilespmem:s4+$0x8030];
	v14 =	vadd.f32 v14, v3;
	[tilespmem:s4+$0xC000] =	vst v12  }
0x29b: {  	v36 =	vld [tilespmem:s4+$0xC010];
	[tilespmem:s4+$0xD000] =	vst v13;
	v3 =	vadd.f32 v8, v3  }
0x29c: {  	v42 =	vadd.f32 v38, v5;
	[tilespmem:s4+$0xE000] =	vst v14;
	v8 =	vld [tilespmem:s4+$0xD010]  }
0x29d: {  	v43 =	vadd.f32 v39, v5;
	[tilespmem:s4+$0xF000] =	vst v3;
	v3 =	vld [tilespmem:s4+$0xE010]  }
0x29e: {  	v37 =	vld [tilespmem:s4+$0xF010];
	v45 =	vadd.f32 v40, v5;
	[tilespmem:s4+$0x8020] =	vst v42  }
0x29f: {  	v48 =	vld [tilespmem:s4+$0x9030];
	v47 =	vadd.f32 v41, v5;
	v50 =	vadd.f32 v46, v6;
	[tilespmem:s4+$0x9020] =	vst v43  }
0x2a0: {  	v49 =	vld [tilespmem:s4+$0xA030];
	v9 =	vadd.f32 v32, v4;
	v10 =	vadd.f32 v33, v4;
	[tilespmem:s4+$0xA020] =	vst v45  }
0x2a1: {  	v54 =	vld [tilespmem:s4+$0x8040];
	v11 =	vadd.f32 v34, v4;
	[tilespmem:s4+$0xB020] =	vst v47;
	v8 =	vadd.f32 v8, v4  }
0x2a2: {  	v55 =	vld [tilespmem:s4+$0x9040];
	v12 =	vadd.f32 v35, v4;
	[tilespmem:s4+$0x8030] =	vst v50;
	v3 =	vadd.f32 v3, v4  }
0x2a3: {  	v13 =	vadd.f32 v36, v4;
	[tilespmem:s4+$0xD010] =	vst v8;
	v8 =	vld [tilespmem:s4+$0xC020];
	v4 =	vadd.f32 v37, v4  }
0x2a4: {  	v51 =	vadd.f32 v48, v6;
	[tilespmem:s4+$0xE010] =	vst v3;
	v3 =	vld [tilespmem:s4+$0xD020]  }
0x2a5: {  	v53 =	vadd.f32 v49, v6;
	[tilespmem:s4+$0xF010] =	vst v4;
	v4 =	vld [tilespmem:s4+$0xE020]  }
0x2a6: {  	v44 =	vld [tilespmem:s4+$0xF020];
	v56 =	vadd.f32 v54, v7;
	[tilespmem:s4+$0x9030] =	vst v51  }
0x2a7: {  	v59 =	vld [tilespmem:s4+$0x8050];
	v57 =	vadd.f32 v55, v7;
	[tilespmem:s4+$0xA030] =	vst v53  }
0x2a8: {  	[tilespmem:s4+$0x8040] =	vst v56;
	v8 =	vadd.f32 v8, v5  }
0x2a9: {  	v52 =	vld [tilespmem:s4+$0xF030];
	[tilespmem:s4+$0x9040] =	vst v57;
	v3 =	vadd.f32 v3, v5  }
0x2aa: {  	[tilespmem:s4+$0xC020] =	vst v8;
	v8 =	vld [tilespmem:s4+$0xB030];
	v4 =	vadd.f32 v4, v5  }
0x2ab: {  	v5 =	vadd.f32 v44, v5;
	[tilespmem:s4+$0xD020] =	vst v3;
	v3 =	vld [tilespmem:s4+$0xC030]  }
0x2ac: {  	v60 =	vadd.f32 v59, v2;
	[tilespmem:s4+$0xE020] =	vst v4;
	v4 =	vld [tilespmem:s4+$0xD030]  }
0x2ad: {  	[tilespmem:s4+$0xF020] =	vst v5;
	v5 =	vld [tilespmem:s4+$0xE030]  }
0x2ae: {  	[tilespmem:s4+$0x8050] =	vst v60  }
0x2af: {  	[tilespmem:s4+$0x8010] =	vst v9;
	v8 =	vadd.f32 v8, v6  }
0x2b0: {  	v1 =	vld [tilespmem:s4+$0x188E0];
	[tilespmem:s4+$0x9010] =	vst v10;
	v3 =	vadd.f32 v3, v6  }
0x2b1: {  	[tilespmem:s4+$0xB030] =	vst v8;
	v8 =	vld [tilespmem:s4+$0xA040];
	v4 =	vadd.f32 v4, v6  }
0x2b2: {  	v5 =	vadd.f32 v5, v6;
	v6 =	vadd.f32 v52, v6;
	[tilespmem:s4+$0xC030] =	vst v3;
	v3 =	vld [tilespmem:s4+$0xB040]  }
0x2b3: {  	[tilespmem:s4+$0xD030] =	vst v4;
	v4 =	vld [tilespmem:s4+$0xC040]  }
0x2b4: {  	[tilespmem:s4+$0xF030] =	vst v6;
	v6 =	vld [tilespmem:s4+$0xE040]  }
0x2b5: {  	[tilespmem:s4+$0xE030] =	vst v5;
	v5 =	vld [tilespmem:s4+$0xD040]  }
0x2b6: {  	v58 =	vld [tilespmem:s4+$0xF040];
	[tilespmem:s4+$0xA010] =	vst v11;
	v8 =	vadd.f32 v8, v7  }
0x2b7: {  	v0 =	vld [tilespmem:s4+$0x188F0];
	[tilespmem:s4+$0xB010] =	vst v12;
	v3 =	vadd.f32 v3, v7  }
0x2b8: {  	[tilespmem:s4+$0xA040] =	vst v8;
	v8 =	vld [tilespmem:s4+$0x9050];
	v4 =	vadd.f32 v4, v7  }
0x2b9: {  	v6 =	vadd.f32 v6, v7;
	[tilespmem:s4+$0xB040] =	vst v3;
	v3 =	vld [tilespmem:s4+$0xA050]  }
0x2ba: {  	v5 =	vadd.f32 v5, v7;
	[tilespmem:s4+$0xC040] =	vst v4;
	v4 =	vld [tilespmem:s4+$0xB050]  }
0x2bb: {  	v7 =	vadd.f32 v58, v7;
	[tilespmem:s4+$0xE040] =	vst v6;
	v6 =	vld [tilespmem:s4+$0xD050]  }
0x2bc: {  	[tilespmem:s4+$0xD040] =	vst v5;
	v5 =	vld [tilespmem:s4+$0xC050]  }
0x2bd: {  	[tilespmem:s4+$0xF040] =	vst v7;
	v7 =	vld [tilespmem:s4+$0xE050];
	v8 =	vadd.f32 v8, v2  }
0x2be: {  	v61 =	vld [tilespmem:s4+$0xF050];
	[tilespmem:s4+$0xC010] =	vst v13;
	v3 =	vadd.f32 v3, v2  }
0x2bf: {  	[tilespmem:s4+$0x9050] =	vst v8;
	v8 =	vld [tilespmem:s4+$0x8060];
	v4 =	vadd.f32 v4, v2  }
0x2c0: {  	v6 =	vadd.f32 v6, v2;
	[tilespmem:s4+$0xA050] =	vst v3;
	v3 =	vld [tilespmem:s4+$0x9060]  }
0x2c1: {  	v5 =	vadd.f32 v5, v2;
	[tilespmem:s4+$0xB050] =	vst v4;
	v4 =	vld [tilespmem:s4+$0xA060]  }
0x2c2: {  	v7 =	vadd.f32 v7, v2;
	[tilespmem:s4+$0xD050] =	vst v6;
	v6 =	vld [tilespmem:s4+$0xC060]  }
0x2c3: {  	v2 =	vadd.f32 v61, v2;
	[tilespmem:s4+$0xC050] =	vst v5;
	v5 =	vld [tilespmem:s4+$0xB060]  }
0x2c4: {  	[tilespmem:s4+$0xE050] =	vst v7;
	v7 =	vld [tilespmem:s4+$0xD060];
	v8 =	vadd.f32 v8, v1  }
0x2c5: {  	v62 =	vld [tilespmem:s4+$0xE060];
	[tilespmem:s4+$0xF050] =	vst v2;
	v2 =	vadd.f32 v3, v1  }
0x2c6: {  	[tilespmem:s4+$0x8060] =	vst v8;
	v8 =	vld [tilespmem:s4+$0xF060];
	v3 =	vadd.f32 v4, v1  }
0x2c7: {  	v63 =	vld [tilespmem:s4+$0x8070];
	v4 =	vadd.f32 v6, v1;
	[tilespmem:s4+$0x9060] =	vst v2  }
0x2c8: {  	v2 =	vadd.f32 v5, v1;
	[tilespmem:s4+$0xA060] =	vst v3;
	v5 =	vld [tilespmem:s4+$0x9070]  }
0x2c9: {  	v6 =	vadd.f32 v7, v1;
	v3 =	vld [tilespmem:s4+$0xA070];
	[tilespmem:s4+$0xC060] =	vst v4  }
0x2ca: {  	v7 =	vadd.f32 v62, v1;
	[tilespmem:s4+$0xB060] =	vst v2;
	v2 =	vld [tilespmem:s4+$0xB070]  }
0x2cb: {  	[tilespmem:s4+$0xD060] =	vst v6;
	v4 =	vld [tilespmem:s4+$0xC070];
	v6 =	vadd.f32 v8, v1  }
0x2cc: {  	[tilespmem:s4+$0xE060] =	vst v7;
	v7 =	vadd.f32 v63, v0;
	v1 =	vld [tilespmem:s4+$0xD070]  }
0x2cd: {  	s15 =	simm.s32 $0x200;
	[tilespmem:s4+$0xF060] =	vst v6;
	v6 =	vadd.f32 v5, v0;
	v5 =	vld [tilespmem:s4+$0xE070]  }
.LBB2_12:
0x2ce: {  	s30 =	sshra.s32 s15, $0x2;
	p2 =	sne.s32 s15, $0x3E00;
	[tilespmem:s4+$0x8070] =	vst v7;
	v3 =	vadd.f32 v3, v0;
	v7 =	vld [tilespmem:s4+$0xF070]  }
0x2cf: {  	v8 =	vld [tilespmem:s30+$0x18880];
	[tilespmem:s4+$0x9070] =	vst v6;
	v2 =	vadd.f32 v2, v0  }
0x2d0: {  	v6 =	vld [tilespmem:s30+$0x18890];
	[tilespmem:s4+$0xA070] =	vst v3;
	v3 =	vadd.f32 v4, v0  }
0x2d1: {  	v9 =	vld [tilespmem:s30+$0x188A0];
	[tilespmem:s4+$0xB070] =	vst v2;
	v1 =	vadd.f32 v1, v0  }
0x2d2: {  	v4 =	vld [tilespmem:s30+$0x188B0];
	[tilespmem:s4+$0xC070] =	vst v3;
	v5 =	vadd.f32 v5, v0  }
0x2d3: {  	v3 =	vld [tilespmem:s30+$0x188C0];
	[tilespmem:s4+$0xD070] =	vst v1;
	v0 =	vadd.f32 v7, v0  }
0x2d4: {  	v2 =	vld [tilespmem:s30+$0x188D0];
	[tilespmem:s4+$0xE070] =	vst v5  }
0x2d5: {  	v1 =	vld [tilespmem:s30+$0x188E0];
	[tilespmem:s4+$0xF070] =	vst v0;
	s4 =	smov.u32 s30  }
0x2d6: {  	v0 =	vld [tilespmem:s4+$0x188F0]  }
0x2d7: {  	v5 =	vld [tilespmem:s4+$0x8000]  }
0x2d8: {  	v7 =	vld [tilespmem:s4+$0x9000]  }
0x2d9: {  	v10 =	vld [tilespmem:s4+$0xA000]  }
0x2da: {  	v11 =	vld [tilespmem:s4+$0xB000]  }
0x2db: {  	v12 =	vld [tilespmem:s4+$0xC000]  }
0x2dc: {  	v5 =	vadd.f32 v5, v8;
	v13 =	vld [tilespmem:s4+$0xD000]  }
0x2dd: {  	v7 =	vadd.f32 v7, v8;
	v14 =	vld [tilespmem:s4+$0xE000]  }
0x2de: {  	[tilespmem:s4+$0x8000] =	vst v5;
	v5 =	vadd.f32 v10, v8;
	v10 =	vld [tilespmem:s4+$0xF000]  }
0x2df: {  	[tilespmem:s4+$0x9000] =	vst v7;
	v7 =	vadd.f32 v11, v8;
	v11 =	vld [tilespmem:s4+$0x8010]  }
0x2e0: {  	[tilespmem:s4+$0xA000] =	vst v5;
	v5 =	vadd.f32 v12, v8;
	v12 =	vld [tilespmem:s4+$0x9010]  }
0x2e1: {  	[tilespmem:s4+$0xB000] =	vst v7;
	v7 =	vadd.f32 v13, v8;
	v13 =	vld [tilespmem:s4+$0xA010]  }
0x2e2: {  	[tilespmem:s4+$0xC000] =	vst v5;
	v5 =	vadd.f32 v14, v8;
	v14 =	vld [tilespmem:s4+$0xB010]  }
0x2e3: {  	[tilespmem:s4+$0xD000] =	vst v7;
	v7 =	vadd.f32 v10, v8;
	v8 =	vld [tilespmem:s4+$0xC010]  }
0x2e4: {  	[tilespmem:s4+$0xE000] =	vst v5;
	v5 =	vadd.f32 v11, v6;
	v10 =	vld [tilespmem:s4+$0xD010]  }
0x2e5: {  	[tilespmem:s4+$0xF000] =	vst v7;
	v7 =	vadd.f32 v12, v6;
	v11 =	vld [tilespmem:s4+$0xE010]  }
0x2e6: {  	[tilespmem:s4+$0x8010] =	vst v5;
	v5 =	vadd.f32 v13, v6;
	v12 =	vld [tilespmem:s4+$0xF010]  }
0x2e7: {  	[tilespmem:s4+$0x9010] =	vst v7;
	v7 =	vadd.f32 v14, v6;
	v13 =	vld [tilespmem:s4+$0x8020]  }
0x2e8: {  	[tilespmem:s4+$0xA010] =	vst v5;
	v5 =	vadd.f32 v8, v6;
	v8 =	vld [tilespmem:s4+$0x9020]  }
0x2e9: {  	[tilespmem:s4+$0xB010] =	vst v7;
	v7 =	vadd.f32 v10, v6;
	v10 =	vld [tilespmem:s4+$0xA020]  }
0x2ea: {  	[tilespmem:s4+$0xC010] =	vst v5;
	v5 =	vadd.f32 v11, v6;
	v11 =	vld [tilespmem:s4+$0xB020]  }
0x2eb: {  	[tilespmem:s4+$0xD010] =	vst v7;
	v6 =	vadd.f32 v12, v6;
	v7 =	vld [tilespmem:s4+$0xC020]  }
0x2ec: {  	[tilespmem:s4+$0xE010] =	vst v5;
	v5 =	vadd.f32 v13, v9;
	v12 =	vld [tilespmem:s4+$0xD020]  }
0x2ed: {  	[tilespmem:s4+$0xF010] =	vst v6;
	v6 =	vadd.f32 v8, v9;
	v8 =	vld [tilespmem:s4+$0xE020]  }
0x2ee: {  	[tilespmem:s4+$0x8020] =	vst v5;
	v5 =	vadd.f32 v10, v9;
	v10 =	vld [tilespmem:s4+$0xF020]  }
0x2ef: {  	[tilespmem:s4+$0x9020] =	vst v6;
	v6 =	vadd.f32 v11, v9;
	v11 =	vld [tilespmem:s4+$0x8030]  }
0x2f0: {  	[tilespmem:s4+$0xA020] =	vst v5;
	v5 =	vadd.f32 v7, v9;
	v7 =	vld [tilespmem:s4+$0x9030]  }
0x2f1: {  	[tilespmem:s4+$0xB020] =	vst v6;
	v6 =	vadd.f32 v12, v9;
	v12 =	vld [tilespmem:s4+$0xA030]  }
0x2f2: {  	[tilespmem:s4+$0xC020] =	vst v5;
	v5 =	vadd.f32 v8, v9;
	v8 =	vld [tilespmem:s4+$0xB030]  }
0x2f3: {  	[tilespmem:s4+$0xD020] =	vst v6;
	v6 =	vadd.f32 v10, v9;
	v9 =	vld [tilespmem:s4+$0xC030]  }
0x2f4: {  	[tilespmem:s4+$0xE020] =	vst v5;
	v5 =	vadd.f32 v11, v4;
	v10 =	vld [tilespmem:s4+$0xD030]  }
0x2f5: {  	[tilespmem:s4+$0xF020] =	vst v6;
	v6 =	vadd.f32 v7, v4;
	v7 =	vld [tilespmem:s4+$0xE030]  }
0x2f6: {  	[tilespmem:s4+$0x8030] =	vst v5;
	v5 =	vadd.f32 v12, v4;
	v11 =	vld [tilespmem:s4+$0xF030]  }
0x2f7: {  	[tilespmem:s4+$0x9030] =	vst v6;
	v6 =	vadd.f32 v8, v4;
	v8 =	vld [tilespmem:s4+$0x8040]  }
0x2f8: {  	[tilespmem:s4+$0xA030] =	vst v5;
	v5 =	vadd.f32 v9, v4;
	v9 =	vld [tilespmem:s4+$0x9040]  }
0x2f9: {  	[tilespmem:s4+$0xB030] =	vst v6;
	v6 =	vadd.f32 v10, v4;
	v10 =	vld [tilespmem:s4+$0xA040]  }
0x2fa: {  	[tilespmem:s4+$0xC030] =	vst v5;
	v5 =	vadd.f32 v7, v4;
	v7 =	vld [tilespmem:s4+$0xB040]  }
0x2fb: {  	[tilespmem:s4+$0xD030] =	vst v6;
	v4 =	vadd.f32 v11, v4;
	v6 =	vld [tilespmem:s4+$0xC040]  }
0x2fc: {  	[tilespmem:s4+$0xE030] =	vst v5;
	v5 =	vadd.f32 v8, v3;
	v8 =	vld [tilespmem:s4+$0xD040]  }
0x2fd: {  	[tilespmem:s4+$0xF030] =	vst v4;
	v4 =	vadd.f32 v9, v3;
	v9 =	vld [tilespmem:s4+$0xE040]  }
0x2fe: {  	[tilespmem:s4+$0x8040] =	vst v5;
	v5 =	vadd.f32 v10, v3;
	v10 =	vld [tilespmem:s4+$0xF040]  }
0x2ff: {  	[tilespmem:s4+$0x9040] =	vst v4;
	v4 =	vadd.f32 v7, v3;
	v7 =	vld [tilespmem:s4+$0x8050]  }
0x300: {  	[tilespmem:s4+$0xA040] =	vst v5;
	v5 =	vadd.f32 v6, v3;
	v6 =	vld [tilespmem:s4+$0x9050]  }
0x301: {  	[tilespmem:s4+$0xB040] =	vst v4;
	v4 =	vadd.f32 v8, v3;
	v8 =	vld [tilespmem:s4+$0xA050]  }
0x302: {  	[tilespmem:s4+$0xC040] =	vst v5;
	v5 =	vadd.f32 v9, v3;
	v9 =	vld [tilespmem:s4+$0xB050]  }
0x303: {  	[tilespmem:s4+$0xD040] =	vst v4;
	v3 =	vadd.f32 v10, v3;
	v4 =	vld [tilespmem:s4+$0xC050]  }
0x304: {  	[tilespmem:s4+$0xE040] =	vst v5;
	v5 =	vadd.f32 v7, v2;
	v7 =	vld [tilespmem:s4+$0xD050]  }
0x305: {  	[tilespmem:s4+$0xF040] =	vst v3;
	v3 =	vadd.f32 v6, v2;
	v6 =	vld [tilespmem:s4+$0xE050]  }
0x306: {  	[tilespmem:s4+$0x8050] =	vst v5;
	v5 =	vadd.f32 v8, v2;
	v8 =	vld [tilespmem:s4+$0xF050]  }
0x307: {  	[tilespmem:s4+$0x9050] =	vst v3;
	v3 =	vadd.f32 v9, v2;
	v9 =	vld [tilespmem:s4+$0x8060]  }
0x308: {  	[tilespmem:s4+$0xA050] =	vst v5;
	v4 =	vadd.f32 v4, v2;
	v5 =	vld [tilespmem:s4+$0x9060]  }
0x309: {  	[tilespmem:s4+$0xB050] =	vst v3;
	v3 =	vadd.f32 v7, v2;
	v7 =	vld [tilespmem:s4+$0xA060]  }
0x30a: {  	[tilespmem:s4+$0xC050] =	vst v4;
	v4 =	vadd.f32 v6, v2;
	v6 =	vld [tilespmem:s4+$0xB060]  }
0x30b: {  	[tilespmem:s4+$0xD050] =	vst v3;
	v2 =	vadd.f32 v8, v2;
	v3 =	vld [tilespmem:s4+$0xC060]  }
0x30c: {  	[tilespmem:s4+$0xE050] =	vst v4;
	v4 =	vadd.f32 v9, v1;
	v8 =	vld [tilespmem:s4+$0xD060]  }
0x30d: {  	[tilespmem:s4+$0xF050] =	vst v2;
	v2 =	vadd.f32 v5, v1;
	v5 =	vld [tilespmem:s4+$0xE060]  }
0x30e: {  	[tilespmem:s4+$0x8060] =	vst v4;
	v4 =	vadd.f32 v7, v1;
	v7 =	vld [tilespmem:s4+$0xF060]  }
0x30f: {  	[tilespmem:s4+$0x9060] =	vst v2;
	v2 =	vadd.f32 v6, v1;
	v6 =	vld [tilespmem:s4+$0x8070]  }
0x310: {  	[tilespmem:s4+$0xA060] =	vst v4;
	v4 =	vadd.f32 v3, v1;
	v9 =	vld [tilespmem:s4+$0x9070]  }
.Ltmp7:
0x311: {  	[tilespmem:s4+$0xB060] =	vst v2;
	v8 =	vadd.f32 v8, v1;
	v3 =	vld [tilespmem:s4+$0xA070];
	(pc) =	sbr.rel @p2 .LBB2_12-.Ltmp7, $4  }
0x312: {  	[tilespmem:s4+$0xC060] =	vst v4;
	v5 =	vadd.f32 v5, v1;
	v2 =	vld [tilespmem:s4+$0xB070]  }
0x313: {  	[tilespmem:s4+$0xD060] =	vst v8;
	v8 =	vadd.f32 v7, v1;
	v4 =	vld [tilespmem:s4+$0xC070]  }
0x314: {  	[tilespmem:s4+$0xE060] =	vst v5;
	v7 =	vadd.f32 v6, v0;
	v1 =	vld [tilespmem:s4+$0xD070]  }
0x315: {  	s15 =	sadd.s32 $0x200, s15;
	[tilespmem:s4+$0xF060] =	vst v8;
	v6 =	vadd.f32 v9, v0;
	v5 =	vld [tilespmem:s4+$0xE070]  }
0x316: {  	[tilespmem:s4+$0x8070] =	vst v7;
	v3 =	vadd.f32 v3, v0;
	v60 =	vld [tilespmem:s4+$0xF070]  }
0x317: {  	[tilespmem:s4+$0x9070] =	vst v6;
	v2 =	vadd.f32 v2, v0  }
0x318: {  	[tilespmem:s4+$0xA070] =	vst v3;
	v61 =	vadd.f32 v4, v0  }
0x319: {  	[tilespmem:s4+$0xB070] =	vst v2;
	v1 =	vadd.f32 v1, v0  }
0x31a: {  	[tilespmem:s4+$0xC070] =	vst v61;
	v62 =	vadd.f32 v5, v0  }
0x31b: {  	[tilespmem:s4+$0xD070] =	vst v1;
	v63 =	vadd.f32 v60, v0  }
0x31c: {  	[tilespmem:s4+$0xE070] =	vst v62  }
0x31d: {  	[tilespmem:s4+$0xF070] =	vst v63  }
0x31e: {  	[hbm4b:s14+s3] =	stream.linear.scatter [tilespmem:s24], [sflag:$0x5], $0x8000, $0x38;
	[tilespmem:$0x19880] =	vst v63  }
0x31f: {  	_ =	swait.ge [sflag:s21], $0x8000  }
0x320: {  	[sflag:s21] =	ssyncset.done $0x0  }
0x321: {  	[sflag:s21] =	ssyncadd.s32 $0xFFFF8000  }
0x322: {  	_ =	swait.ge [sflag:s2], $0x8000  }
.Ltmp8:
0x323: {  	[sflag:s2] =	ssyncset.done $0x0;
	(pc) =	sbr.rel @p1 .LBB2_17-.Ltmp8, $4  }
0x324: {  	[sflag:s2] =	ssyncadd.s32 $0xFFFF8000  }
0x325: {  	_ =	swait.ge [sflag:s25], $0x8000  }
0x326: {  	[sflag:s25] =	ssyncset.done $0x0  }
0x327: {  	[sflag:s25] =	ssyncadd.s32 $0xFFFF8000  }
0x328: {  	s4 =	simm.s32 $0x0;
	s15 =	rddreg [dreg:$0x4];
	s30 =	simm.s32 $0x18800  }
0x329: {  	[tilespmem:s30], [sflag:$0x8] =	stream.linear.gather [hbm4b:s15+s4], $0x80, $0x38;
	[tilespmem:$0x19880] =	vst v63  }
0x32a: {  	_ =	swait.ge [sflag:s18], $0x80  }
0x32b: {  	[sflag:s18] =	ssyncset.done $0x0  }
0x32c: {  	s15 =	simm.s32 $0x20;
	[sflag:s18] =	ssyncadd.s32 $0xFFFFFF80  }
0x32d: {  	[tilespmem:s4], [sflag:$0x7] =	stream.indirect.gather [hbm4b:s1+s15], $0x80, s30, s15, $0xb8;
	[tilespmem:$0x19880] =	vst v63  }
0x32e: {  	s30 =	simm.s32 $0x7  }
0x32f: {  	_ =	swait.ge [sflag:s30], $0x1000  }
0x330: {  	[sflag:s30] =	ssyncset.done $0x0  }
0x331: {  	s4 =	simm.s32 $0x0;
	[sflag:s30] =	ssyncadd.s32 $0xFFFFF000  }
0x332: {  	v7 =	vld [tilespmem:s4+$0x18880]  }
0x333: {  	v11 =	vld [tilespmem:s4+$0x18890]  }
0x334: {  	v5 =	vld [tilespmem:s4+$0x188A0]  }
0x335: {  	v4 =	vld [tilespmem:s4+$0x188B0]  }
0x336: {  	v3 =	vld [tilespmem:s4+$0x188C0]  }
0x337: {  	v2 =	vld [tilespmem:s4+$0x188D0]  }
0x338: {  	v1 =	vld [tilespmem:s4+$0x188E0]  }
0x339: {  	v0 =	vld [tilespmem:s4+$0x188F0]  }
0x33a: {  	v12 =	vld [tilespmem:s4+$0x0]  }
0x33b: {  	v13 =	vld [tilespmem:s4+$0x10]  }
0x33c: {  	v10 =	vld [tilespmem:s4+$0x20]  }
0x33d: {  	v9 =	vld [tilespmem:s4+$0x30]  }
0x33e: {  	v8 =	vld [tilespmem:s4+$0x40]  }
0x33f: {  	v6 =	vld [tilespmem:s4+$0x50];
	v12 =	vadd.f32 v7, v12  }
0x340: {  	s15 =	simm.s32 $0x200;
	v11 =	vadd.f32 v11, v13;
	v7 =	vld [tilespmem:s4+$0x60]  }
.LBB2_15:
0x341: {  	s30 =	sshra.s32 s15, $0x2;
	p2 =	sne.s32 s15, $0x3E00;
	[tilespmem:s4+$0x0] =	vst v12;
	v5 =	vadd.f32 v5, v10;
	v10 =	vld [tilespmem:s4+$0x70]  }
0x342: {  	v4 =	vadd.f32 v4, v9;
	v12 =	vld [tilespmem:s30+$0x18880];
	[tilespmem:s4+$0x10] =	vst v11  }
0x343: {  	v3 =	vadd.f32 v3, v8;
	v11 =	vld [tilespmem:s30+$0x18890];
	[tilespmem:s4+$0x20] =	vst v5  }
0x344: {  	v2 =	vadd.f32 v2, v6;
	v5 =	vld [tilespmem:s30+$0x188A0];
	[tilespmem:s4+$0x30] =	vst v4  }
0x345: {  	v1 =	vadd.f32 v1, v7;
	v4 =	vld [tilespmem:s30+$0x188B0];
	[tilespmem:s4+$0x40] =	vst v3  }
0x346: {  	v3 =	vld [tilespmem:s30+$0x188C0];
	[tilespmem:s4+$0x50] =	vst v2;
	v0 =	vadd.f32 v0, v10  }
0x347: {  	v2 =	vld [tilespmem:s30+$0x188D0];
	[tilespmem:s4+$0x60] =	vst v1  }
0x348: {  	v1 =	vld [tilespmem:s30+$0x188E0];
	[tilespmem:s4+$0x70] =	vst v0;
	s4 =	smov.u32 s30  }
0x349: {  	v0 =	vld [tilespmem:s4+$0x188F0]  }
0x34a: {  	v6 =	vld [tilespmem:s4+$0x0]  }
0x34b: {  	v7 =	vld [tilespmem:s4+$0x10]  }
.Ltmp9:
0x34c: {  	v10 =	vld [tilespmem:s4+$0x20];
	(pc) =	sbr.rel @p2 .LBB2_15-.Ltmp9, $4  }
0x34d: {  	v9 =	vld [tilespmem:s4+$0x30]  }
0x34e: {  	v8 =	vld [tilespmem:s4+$0x40]  }
0x34f: {  	v12 =	vadd.f32 v12, v6;
	v6 =	vld [tilespmem:s4+$0x50]  }
0x350: {  	s15 =	sadd.s32 $0x200, s15;
	v11 =	vadd.f32 v11, v7;
	v7 =	vld [tilespmem:s4+$0x60]  }
.Ltmp10:
0x351: {  	_ = 	snop;
	(pc) =	sbr.rel .LBB2_16-.Ltmp10, $1  }
0x352: {  	_ =	sdelay $0x3  }
.LBB2_18:
0x353: {  	_ =	sfence.sel $0x180000  }
0x354: {  	[bflag:$0x0] =	sbarrier.arrive $0xFFFF  }
0x355: {  	_ =	strace $0x90000047  }
0x356: {  	s0 =	stileid.u32;
	[bflag:$0x2] =	sbarrier.arrive $0xFFFF  }
0x357: {  	p0 =	sne.s32 s0, $0x0;
	s0 =	rddreg [dreg:$0x3]  }
0x358: {  	s0 =	sadd.s32 @!p0 $0x100000, s0  }
0x359: {  	[sflag:s0] =	ssyncadd.tile.s32 @!p0 $0x1;
	_ =	shalt  }
.Lfunc_end2:
_tile_overlayer_lowered:
.L_overlay_start_2:
0x35a: {  	(tag) =	ssettag $0x2  }
0x35b: {  	s0 =	rddreg [dreg:$0x0];
	s2 =	stileid.u32  }
0x35c: {  	s1 =	rddreg [dreg:$0x1];
	p0 =	sne.s32 s2, $0x0  }
0x35d: {  	s3 =	rddreg [dreg:$0x2];
	[bflag:$0x3] =	sbarrier.arrive $0xFFFF;
	s2 =	simm.s32 @!p0 $0x1C08  }
0x35e: {  	[timem:s3], [sflag:s2] =	dma.local @!p0 [hbm:s0], s1  }
0x35f: {  	s0 =	simm.s32 @!p0 $0x8  }
0x360: {  	_ =	swait.ge @!p0 [sflag:s0], s1  }
0x361: {  	s1 =	ssub.s32 @!p0 $0x0, s1;
	[sflag:s0] =	ssyncset.done @!p0 $0x0  }
0x362: {  	[sflag:s0] =	ssyncadd.s32 @!p0 s1  }
0x363: {  	[bflag:$0x3] =	sbarrier.arrive $0xFFFF  }
0x364: {  	_ =	shalt  }

</sc_bundles>
